<compile_context>
chip_gen: v7x
topology: tpu7x:2x2x1
jax: 0.10.2.dev20260603
libtpu: 0.0.44.dev20260713+nightly
codegen_flags: <defaults>
</compile_context>

<pallas_src>
import functools

import numpy as np
import jax
import jax.numpy as jnp
from jax import lax
from jax.experimental import pallas as pl
from jax.experimental.pallas import tpu as pltpu
from jax.experimental.pallas import tpu_sc as plsc

MAX_LEN = 2048
MODEL_DIM = 128
BATCH = 16

NC = 2
NS = 16
NW = NC * NS
N_TOK = BATCH * MAX_LEN
BPW = N_TOK // NW
CHUNK = 128
NCHUNK = BPW // CHUNK
NLANE = 16
NGRP = MODEL_DIM // NLANE


def _pe16_table():
    pos = np.arange(MAX_LEN)[:, None].astype(np.float64)
    with np.errstate(over="ignore", divide="ignore", invalid="ignore"):
        denom = np.power(10000.0, 2.0 * np.arange(MODEL_DIM)[None, :].astype(np.float64))
        pe = pos / denom
        pe[:, 0::2] = np.sin(pe[:, 0::2])
        pe[:, 1::2] = np.cos(pe[:, 1::2])
    return np.asarray(pe[:, :NLANE], dtype=np.float32).reshape(-1)


_PE16 = _pe16_table()


@functools.partial(
    pl.kernel,
    out_type=jax.ShapeDtypeStruct((N_TOK, MODEL_DIM), jnp.float32),
    mesh=plsc.VectorSubcoreMesh(core_axis_name="c", subcore_axis_name="s"),
    scratch_types=[
        pltpu.VMEM((BPW,), jnp.int32),
        pltpu.VMEM((BPW * NLANE,), jnp.float32),
        pltpu.VMEM((CHUNK, MODEL_DIM), jnp.float32),
        pltpu.VMEM((CHUNK, MODEL_DIM), jnp.float32),
        pltpu.VMEM((CHUNK, MODEL_DIM), jnp.float32),
        pltpu.VMEM((CHUNK, MODEL_DIM), jnp.float32),
        pltpu.SemaphoreType.DMA,
        pltpu.SemaphoreType.DMA,
    ],
)
def _emb_kernel(x_hbm, table_hbm, pe16_hbm, out_hbm,
                idx_v, pe16_v, rows_a, rows_b, rows_c, rows_d, gsem, ssem):
    wid = lax.axis_index("s") * NC + lax.axis_index("c")
    base = pl.multiple_of(wid * BPW, BPW)
    l_base = pl.multiple_of(base % MAX_LEN, BPW)
    pltpu.sync_copy(x_hbm.at[pl.ds(base, BPW)], idx_v)
    pltpu.sync_copy(pe16_hbm.at[pl.ds(l_base * NLANE, BPW * NLANE)], pe16_v)

    lane = lax.iota(jnp.int32, 16)
    c01 = (lane & 1).astype(jnp.float32)

    bufs = [rows_a, rows_b, rows_c, rows_d]
    NBUF = len(bufs)

    def start_gather(c):
        return pltpu.async_copy(
            table_hbm.at[idx_v.at[pl.ds(c * CHUNK, CHUNK)]], bufs[c % NBUF], gsem)

    def add_pe(buf, roff):
        @plsc.parallel_loop(0, CHUNK, 1, unroll=4)
        def _(r):
            buf[r, pl.ds(0, NLANE)] = (
                buf[r, pl.ds(0, NLANE)] + pe16_v[pl.ds((roff + r) * NLANE, NLANE)])
            for j in range(1, NGRP):
                s = pl.ds(j * NLANE, NLANE)
                buf[r, s] = buf[r, s] + c01

    gathers = [None] * NCHUNK
    stores = [None] * NCHUNK
    for c in range(NBUF - 1):
        gathers[c] = start_gather(c)
    waited = 0
    for c in range(NCHUNK):
        buf = bufs[c % NBUF]
        if c + NBUF - 1 < NCHUNK:
            if c >= 1:
                stores[c - 1].wait()
                waited = c
            gathers[c + NBUF - 1] = start_gather(c + NBUF - 1)
        gathers[c].wait()
        add_pe(buf, c * CHUNK)
        stores[c] = pltpu.async_copy(
            buf, out_hbm.at[pl.ds(base + c * CHUNK, CHUNK)], ssem)
    for c in range(waited, NCHUNK):
        stores[c].wait()


def kernel(x, table):
    out = _emb_kernel(x.reshape(-1), table, _PE16)
    return out.reshape(BATCH, MAX_LEN, MODEL_DIM)

# --- scband reference (transcript-rebuilt; emitter-appended) ---
"""Pipeline reference for scband-position-embedding-32289564131411 (READ-ONLY COPY).

The authoritative reference and input builder live on the scoring server;
editing this copy changes nothing except your own understanding.
"""

import jax, jax.numpy as jnp
import numpy as np

MAX_LEN = 2048
MODEL_DIM = 128
N_VOCAB = 100000
BATCH = 16

def _make_pe(max_len, model_dim):
    # Faithful to the original: pe = pos / 10000**(2*j)  (no /model_dim), then sin on even, cos on odd cols.
    pos = np.arange(max_len)[:, None].astype(np.float64)
    with np.errstate(over='ignore', divide='ignore', invalid='ignore'):
        denom = np.power(10000.0, 2.0 * np.arange(model_dim)[None, :].astype(np.float64))
        pe = pos / denom  # large denoms overflow to inf -> pe -> 0 there, matching numpy/tf behavior
        pe[:, 0::2] = np.sin(pe[:, 0::2])
        pe[:, 1::2] = np.cos(pe[:, 1::2])
    pe = pe[None, :, :]
    return jnp.asarray(pe, dtype=jnp.float32)

PE = _make_pe(MAX_LEN, MODEL_DIM)

def setup_inputs(seed: int = 0) -> dict:
    key = jax.random.key(seed)
    k1, k2 = jax.random.split(key)
    x = jax.random.randint(k1, (BATCH, MAX_LEN), 0, N_VOCAB, dtype=jnp.int32)
    # Embedding table: RandomNormal(0.0, 0.01)
    table = jax.random.normal(k2, (N_VOCAB, MODEL_DIM), dtype=jnp.float32) * 0.01
    return {"x": x, "table": table}

def reference(x, table):
    # gather rows from embedding table (SparseCore-friendly), then add positional encoding
    emb = jnp.take(table, x, axis=0)          # [B, L, D]
    return emb + PE                            # broadcast over batch

if __name__ == "__main__":
    import jax
    _d = setup_inputs()
    print(jax.jit(kernel)(*tuple(_d.values())))

</pallas_src>

<mosaic_0001>
#map = affine_map<(d0, d1) -> (0)>
#map1 = affine_map<(d0, d1) -> (0, 0)>
module attributes {stable_mosaic.version = 14 : i64} {
  func.func @_emb_kernel(%arg0: i32, %arg1: i32, %arg2: memref<32768xi32, #tpu.memory_space<hbm>>, %arg3: memref<100000x128xf32, #tpu.memory_space<hbm>>, %arg4: memref<32768xf32, #tpu.memory_space<hbm>>, %arg5: memref<32768x128xf32, #tpu.memory_space<hbm>>, %arg6: memref<1024xi32, #tpu.memory_space<vmem>>, %arg7: memref<16384xf32, #tpu.memory_space<vmem>>, %arg8: memref<128x128xf32, #tpu.memory_space<vmem>>, %arg9: memref<128x128xf32, #tpu.memory_space<vmem>>, %arg10: memref<128x128xf32, #tpu.memory_space<vmem>>, %arg11: memref<128x128xf32, #tpu.memory_space<vmem>>, %arg12: memref<!tpu.dma_semaphore, #tpu.memory_space<semaphore_mem>>, %arg13: memref<!tpu.dma_semaphore, #tpu.memory_space<semaphore_mem>>) attributes {dimension_semantics = [#tpu.dimension_semantics<core_parallel>, #tpu.dimension_semantics<subcore_parallel>], iteration_bounds = array<i64: 2, 16>, scalar_prefetch = 0 : i64, scratch_operands = 8 : i64, tpu.core_type = #tpu.core_type<sc_vector_subcore>, window_params = [{transform_indices = #map}, {transform_indices = #map1}, {transform_indices = #map}, {transform_indices = #map1}]} {
    %mul3A = arith.constant 2 : i32
    %mul3A_0 = arith.muli %arg1, %mul3A : i32
    %add3A = arith.addi %mul3A_0, %arg0 : i32
    %mul3A_1 = arith.constant 1024 : i32
    %mul3A_2 = arith.muli %add3A, %mul3A_1 : i32
    %multiple_of3A = tpu.assume_multiple %mul3A_2, 1024 : i32
    %jit3A = arith.constant 2048 : i32
    %eq3A = arith.constant 0 : i32
    %eq3A_3 = arith.cmpi eq, %jit3A, %eq3A : i32
    %jit3A_4 = arith.constant 1 : i32
    %select_n3A = arith.select %eq3A_3, %jit3A_4, %jit3A : i32
    %rem3A = arith.remsi %multiple_of3A, %select_n3A : i32
    %ne3A = arith.constant 0 : i32
    %ne3A_5 = arith.cmpi ne, %rem3A, %ne3A : i32
    %lt3A = arith.constant 0 : i32
    %lt3A_6 = arith.cmpi slt, %rem3A, %lt3A : i32
    %lt3A_7 = arith.constant 0 : i32
    %lt3A_8 = arith.cmpi slt, %select_n3A, %lt3A_7 : i32
    %ne3A_9 = arith.xori %lt3A_6, %lt3A_8 : i1
    %and3A = arith.andi %ne3A_9, %ne3A_5 : i1
    %add3A_10 = arith.addi %rem3A, %select_n3A : i32
    %select_n3A_11 = arith.select %and3A, %add3A_10, %rem3A : i32
    %multiple_of3A_12 = tpu.assume_multiple %select_n3A_11, 1024 : i32
    "tpu.region"() ({
      %run_scoped3A = tpu.sem_alloc : memref<!tpu.dma_semaphore, #tpu.memory_space<semaphore_mem>>
      %dma_start3A_199 = tpu.memref_slice %arg2[%multiple_of3A] : memref<32768xi32, #tpu.memory_space<hbm>> -> memref<1024xi32, #tpu.memory_space<hbm>>
      %dma_start3A_200 = tpu.memref_slice %arg2[%multiple_of3A] : memref<32768xi32, #tpu.memory_space<hbm>> -> memref<1024xi32, #tpu.memory_space<hbm>>
      tpu.enqueue_dma source(%dma_start3A_200 : memref<1024xi32, #tpu.memory_space<hbm>>) target(%arg6 : memref<1024xi32, #tpu.memory_space<vmem>>) target_semaphore(%run_scoped3A : memref<!tpu.dma_semaphore, #tpu.memory_space<semaphore_mem>>)
      %dma_wait3A_201 = tpu.memref_slice %arg2[%multiple_of3A] : memref<32768xi32, #tpu.memory_space<hbm>> -> memref<1024xi32, #tpu.memory_space<hbm>>
      %dma_wait3A_202 = tpu.memref_slice %arg2[%multiple_of3A] : memref<32768xi32, #tpu.memory_space<hbm>> -> memref<1024xi32, #tpu.memory_space<hbm>>
      tpu.wait_dma2 semaphore(%run_scoped3A : memref<!tpu.dma_semaphore, #tpu.memory_space<semaphore_mem>>) src(%dma_wait3A_202 : memref<1024xi32, #tpu.memory_space<hbm>>) dst(%arg6 : memref<1024xi32, #tpu.memory_space<vmem>>)
      tpu.yield
    }) : () -> ()
    %mul3A_13 = arith.constant 16 : i32
    %mul3A_14 = arith.muli %multiple_of3A_12, %mul3A_13 : i32
    "tpu.region"() ({
      %run_scoped3A = tpu.sem_alloc : memref<!tpu.dma_semaphore, #tpu.memory_space<semaphore_mem>>
      %dma_start3A_199 = tpu.memref_slice %arg4[%mul3A_14] : memref<32768xf32, #tpu.memory_space<hbm>> -> memref<16384xf32, #tpu.memory_space<hbm>>
      %dma_start3A_200 = tpu.memref_slice %arg4[%mul3A_14] : memref<32768xf32, #tpu.memory_space<hbm>> -> memref<16384xf32, #tpu.memory_space<hbm>>
      tpu.enqueue_dma source(%dma_start3A_200 : memref<16384xf32, #tpu.memory_space<hbm>>) target(%arg7 : memref<16384xf32, #tpu.memory_space<vmem>>) target_semaphore(%run_scoped3A : memref<!tpu.dma_semaphore, #tpu.memory_space<semaphore_mem>>)
      %dma_wait3A_201 = tpu.memref_slice %arg4[%mul3A_14] : memref<32768xf32, #tpu.memory_space<hbm>> -> memref<16384xf32, #tpu.memory_space<hbm>>
      %dma_wait3A_202 = tpu.memref_slice %arg4[%mul3A_14] : memref<32768xf32, #tpu.memory_space<hbm>> -> memref<16384xf32, #tpu.memory_space<hbm>>
      tpu.wait_dma2 semaphore(%run_scoped3A : memref<!tpu.dma_semaphore, #tpu.memory_space<semaphore_mem>>) src(%dma_wait3A_202 : memref<16384xf32, #tpu.memory_space<hbm>>) dst(%arg7 : memref<16384xf32, #tpu.memory_space<vmem>>)
      tpu.yield
    }) : () -> ()
    %iota3A = tpu.iota {dimensions = array<i32: 0>} : vector<16xi32>
    %and3A_15 = arith.constant 1 : i32
    %and3A_16 = vector.broadcast %and3A_15 : i32 to vector<16xi32>
    %and3A_17 = arith.andi %iota3A, %and3A_16 : vector<16xi32>
    %convert_element_type3A = arith.sitofp %and3A_17 : vector<16xi32> to vector<16xf32>
    %dma_start3A = arith.constant 0 : i32
    %dma_start3A_18 = tpu.memref_slice %arg6[%dma_start3A] : memref<1024xi32, #tpu.memory_space<vmem>> -> memref<128xi32, #tpu.memory_space<vmem>>
    %dma_start3A_19 = arith.constant 0 : i32
    %dma_start3A_20 = arith.constant 0 : i32
    %dma_start3A_21 = tpu.memref_slice %arg3[%dma_start3A_19, %dma_start3A_20] : memref<100000x128xf32, #tpu.memory_space<hbm>> -> memref<100000x128xf32, #tpu.memory_space<hbm>>
    tpu.enqueue_indirect_dma source(%dma_start3A_21 : memref<100000x128xf32, #tpu.memory_space<hbm>>) target(%arg8 : memref<128x128xf32, #tpu.memory_space<vmem>>) offsets(%dma_start3A_18 : memref<128xi32, #tpu.memory_space<vmem>>) semaphore(%arg12 : memref<!tpu.dma_semaphore, #tpu.memory_space<semaphore_mem>>)
    %dma_start3A_22 = arith.constant 128 : i32
    %dma_start3A_23 = tpu.memref_slice %arg6[%dma_start3A_22] : memref<1024xi32, #tpu.memory_space<vmem>> -> memref<128xi32, #tpu.memory_space<vmem>>
    %dma_start3A_24 = arith.constant 0 : i32
    %dma_start3A_25 = arith.constant 0 : i32
    %dma_start3A_26 = tpu.memref_slice %arg3[%dma_start3A_24, %dma_start3A_25] : memref<100000x128xf32, #tpu.memory_space<hbm>> -> memref<100000x128xf32, #tpu.memory_space<hbm>>
    tpu.enqueue_indirect_dma source(%dma_start3A_26 : memref<100000x128xf32, #tpu.memory_space<hbm>>) target(%arg9 : memref<128x128xf32, #tpu.memory_space<vmem>>) offsets(%dma_start3A_23 : memref<128xi32, #tpu.memory_space<vmem>>) semaphore(%arg12 : memref<!tpu.dma_semaphore, #tpu.memory_space<semaphore_mem>>)
    %dma_start3A_27 = arith.constant 256 : i32
    %dma_start3A_28 = tpu.memref_slice %arg6[%dma_start3A_27] : memref<1024xi32, #tpu.memory_space<vmem>> -> memref<128xi32, #tpu.memory_space<vmem>>
    %dma_start3A_29 = arith.constant 0 : i32
    %dma_start3A_30 = arith.constant 0 : i32
    %dma_start3A_31 = tpu.memref_slice %arg3[%dma_start3A_29, %dma_start3A_30] : memref<100000x128xf32, #tpu.memory_space<hbm>> -> memref<100000x128xf32, #tpu.memory_space<hbm>>
    tpu.enqueue_indirect_dma source(%dma_start3A_31 : memref<100000x128xf32, #tpu.memory_space<hbm>>) target(%arg10 : memref<128x128xf32, #tpu.memory_space<vmem>>) offsets(%dma_start3A_28 : memref<128xi32, #tpu.memory_space<vmem>>) semaphore(%arg12 : memref<!tpu.dma_semaphore, #tpu.memory_space<semaphore_mem>>)
    %dma_start3A_32 = arith.constant 384 : i32
    %dma_start3A_33 = tpu.memref_slice %arg6[%dma_start3A_32] : memref<1024xi32, #tpu.memory_space<vmem>> -> memref<128xi32, #tpu.memory_space<vmem>>
    %dma_start3A_34 = arith.constant 0 : i32
    %dma_start3A_35 = arith.constant 0 : i32
    %dma_start3A_36 = tpu.memref_slice %arg3[%dma_start3A_34, %dma_start3A_35] : memref<100000x128xf32, #tpu.memory_space<hbm>> -> memref<100000x128xf32, #tpu.memory_space<hbm>>
    tpu.enqueue_indirect_dma source(%dma_start3A_36 : memref<100000x128xf32, #tpu.memory_space<hbm>>) target(%arg11 : memref<128x128xf32, #tpu.memory_space<vmem>>) offsets(%dma_start3A_33 : memref<128xi32, #tpu.memory_space<vmem>>) semaphore(%arg12 : memref<!tpu.dma_semaphore, #tpu.memory_space<semaphore_mem>>)
    %dma_wait3A = arith.constant 0 : i32
    %dma_wait3A_37 = tpu.memref_slice %arg6[%dma_wait3A] : memref<1024xi32, #tpu.memory_space<vmem>> -> memref<128xi32, #tpu.memory_space<vmem>>
    %dma_wait3A_38 = arith.constant 0 : i32
    %dma_wait3A_39 = arith.constant 0 : i32
    %dma_wait3A_40 = tpu.memref_slice %arg3[%dma_wait3A_38, %dma_wait3A_39] : memref<100000x128xf32, #tpu.memory_space<hbm>> -> memref<100000x128xf32, #tpu.memory_space<hbm>>
    tpu.wait_indirect_dma semaphore(%arg12 : memref<!tpu.dma_semaphore, #tpu.memory_space<semaphore_mem>>) src(%dma_wait3A_40 : memref<100000x128xf32, #tpu.memory_space<hbm>>) dst(%arg8 : memref<128x128xf32, #tpu.memory_space<vmem>>)
    %parallel_loop3A = arith.constant 0 : i32
    %parallel_loop3A_41 = arith.constant 128 : i32
    %parallel_loop3A_42 = arith.constant 1 : i32
    scf.for %parallel_loop3A_199 = %parallel_loop3A to %parallel_loop3A_41 step %parallel_loop3A_42  : i32 {
      %parallel_loop3A_200 = arith.index_cast %parallel_loop3A_199 : i32 to index
      %parallel_loop3A_201 = arith.constant 0 : index
      %parallel_loop3A_202 = tpu.vector_load %arg8[%parallel_loop3A_200, %parallel_loop3A_201] {strides = array<i32>} : memref<128x128xf32, #tpu.memory_space<vmem>>, vector<1x16xf32>,
      %parallel_loop3A_203 = vector.shape_cast %parallel_loop3A_202 : vector<1x16xf32> to vector<16xf32>
      %parallel_loop3A_204 = arith.constant 0 : i32
      %parallel_loop3A_205 = arith.addi %parallel_loop3A_204, %parallel_loop3A_199 : i32
      %parallel_loop3A_206 = arith.constant 16 : i32
      %parallel_loop3A_207 = arith.muli %parallel_loop3A_205, %parallel_loop3A_206 : i32
      %parallel_loop3A_208 = arith.index_cast %parallel_loop3A_207 : i32 to index
      %parallel_loop3A_209 = tpu.vector_load %arg7[%parallel_loop3A_208] {strides = array<i32>} : memref<16384xf32, #tpu.memory_space<vmem>>, vector<16xf32>,
      %parallel_loop3A_210 = vector.shape_cast %parallel_loop3A_209 : vector<16xf32> to vector<16xf32>
      %parallel_loop3A_211 = arith.addf %parallel_loop3A_203, %parallel_loop3A_210 : vector<16xf32>
      %parallel_loop3A_212 = arith.index_cast %parallel_loop3A_199 : i32 to index
      %parallel_loop3A_213 = arith.constant 0 : index
      %parallel_loop3A_214 = tpu.vector_load %arg8[%parallel_loop3A_212, %parallel_loop3A_213] {strides = array<i32>} : memref<128x128xf32, #tpu.memory_space<vmem>>, vector<1x16xf32>,
      %parallel_loop3A_215 = vector.shape_cast %parallel_loop3A_214 : vector<1x16xf32> to vector<16xf32>
      %parallel_loop3A_216 = vector.shape_cast %parallel_loop3A_211 : vector<16xf32> to vector<1x16xf32>
      tpu.vector_store %arg8[%parallel_loop3A_212, %parallel_loop3A_213], %parallel_loop3A_216 {strides = array<i32>} : memref<128x128xf32, #tpu.memory_space<vmem>>, vector<1x16xf32>,
      %parallel_loop3A_217 = arith.index_cast %parallel_loop3A_199 : i32 to index
      %parallel_loop3A_218 = arith.constant 16 : index
      %parallel_loop3A_219 = tpu.vector_load %arg8[%parallel_loop3A_217, %parallel_loop3A_218] {strides = array<i32>} : memref<128x128xf32, #tpu.memory_space<vmem>>, vector<1x16xf32>,
      %parallel_loop3A_220 = vector.shape_cast %parallel_loop3A_219 : vector<1x16xf32> to vector<16xf32>
      %parallel_loop3A_221 = arith.addf %parallel_loop3A_220, %convert_element_type3A : vector<16xf32>
      %parallel_loop3A_222 = arith.index_cast %parallel_loop3A_199 : i32 to index
      %parallel_loop3A_223 = arith.constant 16 : index
      %parallel_loop3A_224 = tpu.vector_load %arg8[%parallel_loop3A_222, %parallel_loop3A_223] {strides = array<i32>} : memref<128x128xf32, #tpu.memory_space<vmem>>, vector<1x16xf32>,
      %parallel_loop3A_225 = vector.shape_cast %parallel_loop3A_224 : vector<1x16xf32> to vector<16xf32>
      %parallel_loop3A_226 = vector.shape_cast %parallel_loop3A_221 : vector<16xf32> to vector<1x16xf32>
      tpu.vector_store %arg8[%parallel_loop3A_222, %parallel_loop3A_223], %parallel_loop3A_226 {strides = array<i32>} : memref<128x128xf32, #tpu.memory_space<vmem>>, vector<1x16xf32>,
      %parallel_loop3A_227 = arith.index_cast %parallel_loop3A_199 : i32 to index
      %parallel_loop3A_228 = arith.constant 32 : index
      %parallel_loop3A_229 = tpu.vector_load %arg8[%parallel_loop3A_227, %parallel_loop3A_228] {strides = array<i32>} : memref<128x128xf32, #tpu.memory_space<vmem>>, vector<1x16xf32>,
      %parallel_loop3A_230 = vector.shape_cast %parallel_loop3A_229 : vector<1x16xf32> to vector<16xf32>
      %parallel_loop3A_231 = arith.addf %parallel_loop3A_230, %convert_element_type3A : vector<16xf32>
      %parallel_loop3A_232 = arith.index_cast %parallel_loop3A_199 : i32 to index
      %parallel_loop3A_233 = arith.constant 32 : index
      %parallel_loop3A_234 = tpu.vector_load %arg8[%parallel_loop3A_232, %parallel_loop3A_233] {strides = array<i32>} : memref<128x128xf32, #tpu.memory_space<vmem>>, vector<1x16xf32>,
      %parallel_loop3A_235 = vector.shape_cast %parallel_loop3A_234 : vector<1x16xf32> to vector<16xf32>
      %parallel_loop3A_236 = vector.shape_cast %parallel_loop3A_231 : vector<16xf32> to vector<1x16xf32>
      tpu.vector_store %arg8[%parallel_loop3A_232, %parallel_loop3A_233], %parallel_loop3A_236 {strides = array<i32>} : memref<128x128xf32, #tpu.memory_space<vmem>>, vector<1x16xf32>,
      %parallel_loop3A_237 = arith.index_cast %parallel_loop3A_199 : i32 to index
      %parallel_loop3A_238 = arith.constant 48 : index
      %parallel_loop3A_239 = tpu.vector_load %arg8[%parallel_loop3A_237, %parallel_loop3A_238] {strides = array<i32>} : memref<128x128xf32, #tpu.memory_space<vmem>>, vector<1x16xf32>,
      %parallel_loop3A_240 = vector.shape_cast %parallel_loop3A_239 : vector<1x16xf32> to vector<16xf32>
      %parallel_loop3A_241 = arith.addf %parallel_loop3A_240, %convert_element_type3A : vector<16xf32>
      %parallel_loop3A_242 = arith.index_cast %parallel_loop3A_199 : i32 to index
      %parallel_loop3A_243 = arith.constant 48 : index
      %parallel_loop3A_244 = tpu.vector_load %arg8[%parallel_loop3A_242, %parallel_loop3A_243] {strides = array<i32>} : memref<128x128xf32, #tpu.memory_space<vmem>>, vector<1x16xf32>,
      %parallel_loop3A_245 = vector.shape_cast %parallel_loop3A_244 : vector<1x16xf32> to vector<16xf32>
      %parallel_loop3A_246 = vector.shape_cast %parallel_loop3A_241 : vector<16xf32> to vector<1x16xf32>
      tpu.vector_store %arg8[%parallel_loop3A_242, %parallel_loop3A_243], %parallel_loop3A_246 {strides = array<i32>} : memref<128x128xf32, #tpu.memory_space<vmem>>, vector<1x16xf32>,
      %parallel_loop3A_247 = arith.index_cast %parallel_loop3A_199 : i32 to index
      %parallel_loop3A_248 = arith.constant 64 : index
      %parallel_loop3A_249 = tpu.vector_load %arg8[%parallel_loop3A_247, %parallel_loop3A_248] {strides = array<i32>} : memref<128x128xf32, #tpu.memory_space<vmem>>, vector<1x16xf32>,
      %parallel_loop3A_250 = vector.shape_cast %parallel_loop3A_249 : vector<1x16xf32> to vector<16xf32>
      %parallel_loop3A_251 = arith.addf %parallel_loop3A_250, %convert_element_type3A : vector<16xf32>
      %parallel_loop3A_252 = arith.index_cast %parallel_loop3A_199 : i32 to index
      %parallel_loop3A_253 = arith.constant 64 : index
      %parallel_loop3A_254 = tpu.vector_load %arg8[%parallel_loop3A_252, %parallel_loop3A_253] {strides = array<i32>} : memref<128x128xf32, #tpu.memory_space<vmem>>, vector<1x16xf32>,
      %parallel_loop3A_255 = vector.shape_cast %parallel_loop3A_254 : vector<1x16xf32> to vector<16xf32>
      %parallel_loop3A_256 = vector.shape_cast %parallel_loop3A_251 : vector<16xf32> to vector<1x16xf32>
      tpu.vector_store %arg8[%parallel_loop3A_252, %parallel_loop3A_253], %parallel_loop3A_256 {strides = array<i32>} : memref<128x128xf32, #tpu.memory_space<vmem>>, vector<1x16xf32>,
      %parallel_loop3A_257 = arith.index_cast %parallel_loop3A_199 : i32 to index
      %parallel_loop3A_258 = arith.constant 80 : index
      %parallel_loop3A_259 = tpu.vector_load %arg8[%parallel_loop3A_257, %parallel_loop3A_258] {strides = array<i32>} : memref<128x128xf32, #tpu.memory_space<vmem>>, vector<1x16xf32>,
      %parallel_loop3A_260 = vector.shape_cast %parallel_loop3A_259 : vector<1x16xf32> to vector<16xf32>
      %parallel_loop3A_261 = arith.addf %parallel_loop3A_260, %convert_element_type3A : vector<16xf32>
      %parallel_loop3A_262 = arith.index_cast %parallel_loop3A_199 : i32 to index
      %parallel_loop3A_263 = arith.constant 80 : index
      %parallel_loop3A_264 = tpu.vector_load %arg8[%parallel_loop3A_262, %parallel_loop3A_263] {strides = array<i32>} : memref<128x128xf32, #tpu.memory_space<vmem>>, vector<1x16xf32>,
      %parallel_loop3A_265 = vector.shape_cast %parallel_loop3A_264 : vector<1x16xf32> to vector<16xf32>
      %parallel_loop3A_266 = vector.shape_cast %parallel_loop3A_261 : vector<16xf32> to vector<1x16xf32>
      tpu.vector_store %arg8[%parallel_loop3A_262, %parallel_loop3A_263], %parallel_loop3A_266 {strides = array<i32>} : memref<128x128xf32, #tpu.memory_space<vmem>>, vector<1x16xf32>,
      %parallel_loop3A_267 = arith.index_cast %parallel_loop3A_199 : i32 to index
      %parallel_loop3A_268 = arith.constant 96 : index
      %parallel_loop3A_269 = tpu.vector_load %arg8[%parallel_loop3A_267, %parallel_loop3A_268] {strides = array<i32>} : memref<128x128xf32, #tpu.memory_space<vmem>>, vector<1x16xf32>,
      %parallel_loop3A_270 = vector.shape_cast %parallel_loop3A_269 : vector<1x16xf32> to vector<16xf32>
      %parallel_loop3A_271 = arith.addf %parallel_loop3A_270, %convert_element_type3A : vector<16xf32>
      %parallel_loop3A_272 = arith.index_cast %parallel_loop3A_199 : i32 to index
      %parallel_loop3A_273 = arith.constant 96 : index
      %parallel_loop3A_274 = tpu.vector_load %arg8[%parallel_loop3A_272, %parallel_loop3A_273] {strides = array<i32>} : memref<128x128xf32, #tpu.memory_space<vmem>>, vector<1x16xf32>,
      %parallel_loop3A_275 = vector.shape_cast %parallel_loop3A_274 : vector<1x16xf32> to vector<16xf32>
      %parallel_loop3A_276 = vector.shape_cast %parallel_loop3A_271 : vector<16xf32> to vector<1x16xf32>
      tpu.vector_store %arg8[%parallel_loop3A_272, %parallel_loop3A_273], %parallel_loop3A_276 {strides = array<i32>} : memref<128x128xf32, #tpu.memory_space<vmem>>, vector<1x16xf32>,
      %parallel_loop3A_277 = arith.index_cast %parallel_loop3A_199 : i32 to index
      %parallel_loop3A_278 = arith.constant 112 : index
      %parallel_loop3A_279 = tpu.vector_load %arg8[%parallel_loop3A_277, %parallel_loop3A_278] {strides = array<i32>} : memref<128x128xf32, #tpu.memory_space<vmem>>, vector<1x16xf32>,
      %parallel_loop3A_280 = vector.shape_cast %parallel_loop3A_279 : vector<1x16xf32> to vector<16xf32>
      %parallel_loop3A_281 = arith.addf %parallel_loop3A_280, %convert_element_type3A : vector<16xf32>
      %parallel_loop3A_282 = arith.index_cast %parallel_loop3A_199 : i32 to index
      %parallel_loop3A_283 = arith.constant 112 : index
      %parallel_loop3A_284 = tpu.vector_load %arg8[%parallel_loop3A_282, %parallel_loop3A_283] {strides = array<i32>} : memref<128x128xf32, #tpu.memory_space<vmem>>, vector<1x16xf32>,
      %parallel_loop3A_285 = vector.shape_cast %parallel_loop3A_284 : vector<1x16xf32> to vector<16xf32>
      %parallel_loop3A_286 = vector.shape_cast %parallel_loop3A_281 : vector<16xf32> to vector<1x16xf32>
      tpu.vector_store %arg8[%parallel_loop3A_282, %parallel_loop3A_283], %parallel_loop3A_286 {strides = array<i32>} : memref<128x128xf32, #tpu.memory_space<vmem>>, vector<1x16xf32>,
    } {sc.loop_unroll_factor = 4 : i64, sc.parallel_access}
    %add3A_43 = arith.constant 0 : i32
    %add3A_44 = arith.addi %multiple_of3A, %add3A_43 : i32
    %dma_start3A_45 = arith.constant 0 : i32
    %dma_start3A_46 = tpu.memref_slice %arg5[%add3A_44, %dma_start3A_45] : memref<32768x128xf32, #tpu.memory_space<hbm>> -> memref<128x128xf32, #tpu.memory_space<hbm>>
    %dma_start3A_47 = arith.constant 0 : i32
    %dma_start3A_48 = tpu.memref_slice %arg5[%add3A_44, %dma_start3A_47] : memref<32768x128xf32, #tpu.memory_space<hbm>> -> memref<128x128xf32, #tpu.memory_space<hbm>>
    tpu.enqueue_dma source(%arg8 : memref<128x128xf32, #tpu.memory_space<vmem>>) target(%dma_start3A_48 : memref<128x128xf32, #tpu.memory_space<hbm>>) target_semaphore(%arg13 : memref<!tpu.dma_semaphore, #tpu.memory_space<semaphore_mem>>)
    %dma_wait3A_49 = arith.constant 0 : i32
    %dma_wait3A_50 = tpu.memref_slice %arg5[%add3A_44, %dma_wait3A_49] : memref<32768x128xf32, #tpu.memory_space<hbm>> -> memref<128x128xf32, #tpu.memory_space<hbm>>
    %dma_wait3A_51 = arith.constant 0 : i32
    %dma_wait3A_52 = tpu.memref_slice %arg5[%add3A_44, %dma_wait3A_51] : memref<32768x128xf32, #tpu.memory_space<hbm>> -> memref<128x128xf32, #tpu.memory_space<hbm>>
    tpu.wait_dma2 semaphore(%arg13 : memref<!tpu.dma_semaphore, #tpu.memory_space<semaphore_mem>>) src(%arg8 : memref<128x128xf32, #tpu.memory_space<vmem>>) dst(%dma_wait3A_52 : memref<128x128xf32, #tpu.memory_space<hbm>>)
    %dma_start3A_53 = arith.constant 512 : i32
    %dma_start3A_54 = tpu.memref_slice %arg6[%dma_start3A_53] : memref<1024xi32, #tpu.memory_space<vmem>> -> memref<128xi32, #tpu.memory_space<vmem>>
    %dma_start3A_55 = arith.constant 0 : i32
    %dma_start3A_56 = arith.constant 0 : i32
    %dma_start3A_57 = tpu.memref_slice %arg3[%dma_start3A_55, %dma_start3A_56] : memref<100000x128xf32, #tpu.memory_space<hbm>> -> memref<100000x128xf32, #tpu.memory_space<hbm>>
    tpu.enqueue_indirect_dma source(%dma_start3A_57 : memref<100000x128xf32, #tpu.memory_space<hbm>>) target(%arg8 : memref<128x128xf32, #tpu.memory_space<vmem>>) offsets(%dma_start3A_54 : memref<128xi32, #tpu.memory_space<vmem>>) semaphore(%arg12 : memref<!tpu.dma_semaphore, #tpu.memory_space<semaphore_mem>>)
    %dma_wait3A_58 = arith.constant 128 : i32
    %dma_wait3A_59 = tpu.memref_slice %arg6[%dma_wait3A_58] : memref<1024xi32, #tpu.memory_space<vmem>> -> memref<128xi32, #tpu.memory_space<vmem>>
    %dma_wait3A_60 = arith.constant 0 : i32
    %dma_wait3A_61 = arith.constant 0 : i32
    %dma_wait3A_62 = tpu.memref_slice %arg3[%dma_wait3A_60, %dma_wait3A_61] : memref<100000x128xf32, #tpu.memory_space<hbm>> -> memref<100000x128xf32, #tpu.memory_space<hbm>>
    tpu.wait_indirect_dma semaphore(%arg12 : memref<!tpu.dma_semaphore, #tpu.memory_space<semaphore_mem>>) src(%dma_wait3A_62 : memref<100000x128xf32, #tpu.memory_space<hbm>>) dst(%arg9 : memref<128x128xf32, #tpu.memory_space<vmem>>)
    %parallel_loop3A_63 = arith.constant 0 : i32
    %parallel_loop3A_64 = arith.constant 128 : i32
    %parallel_loop3A_65 = arith.constant 1 : i32
    scf.for %parallel_loop3A_199 = %parallel_loop3A_63 to %parallel_loop3A_64 step %parallel_loop3A_65  : i32 {
      %parallel_loop3A_200 = arith.index_cast %parallel_loop3A_199 : i32 to index
      %parallel_loop3A_201 = arith.constant 0 : index
      %parallel_loop3A_202 = tpu.vector_load %arg9[%parallel_loop3A_200, %parallel_loop3A_201] {strides = array<i32>} : memref<128x128xf32, #tpu.memory_space<vmem>>, vector<1x16xf32>,
      %parallel_loop3A_203 = vector.shape_cast %parallel_loop3A_202 : vector<1x16xf32> to vector<16xf32>
      %parallel_loop3A_204 = arith.constant 128 : i32
      %parallel_loop3A_205 = arith.addi %parallel_loop3A_204, %parallel_loop3A_199 : i32
      %parallel_loop3A_206 = arith.constant 16 : i32
      %parallel_loop3A_207 = arith.muli %parallel_loop3A_205, %parallel_loop3A_206 : i32
      %parallel_loop3A_208 = arith.index_cast %parallel_loop3A_207 : i32 to index
      %parallel_loop3A_209 = tpu.vector_load %arg7[%parallel_loop3A_208] {strides = array<i32>} : memref<16384xf32, #tpu.memory_space<vmem>>, vector<16xf32>,
      %parallel_loop3A_210 = vector.shape_cast %parallel_loop3A_209 : vector<16xf32> to vector<16xf32>
      %parallel_loop3A_211 = arith.addf %parallel_loop3A_203, %parallel_loop3A_210 : vector<16xf32>
      %parallel_loop3A_212 = arith.index_cast %parallel_loop3A_199 : i32 to index
      %parallel_loop3A_213 = arith.constant 0 : index
      %parallel_loop3A_214 = tpu.vector_load %arg9[%parallel_loop3A_212, %parallel_loop3A_213] {strides = array<i32>} : memref<128x128xf32, #tpu.memory_space<vmem>>, vector<1x16xf32>,
      %parallel_loop3A_215 = vector.shape_cast %parallel_loop3A_214 : vector<1x16xf32> to vector<16xf32>
      %parallel_loop3A_216 = vector.shape_cast %parallel_loop3A_211 : vector<16xf32> to vector<1x16xf32>
      tpu.vector_store %arg9[%parallel_loop3A_212, %parallel_loop3A_213], %parallel_loop3A_216 {strides = array<i32>} : memref<128x128xf32, #tpu.memory_space<vmem>>, vector<1x16xf32>,
      %parallel_loop3A_217 = arith.index_cast %parallel_loop3A_199 : i32 to index
      %parallel_loop3A_218 = arith.constant 16 : index
      %parallel_loop3A_219 = tpu.vector_load %arg9[%parallel_loop3A_217, %parallel_loop3A_218] {strides = array<i32>} : memref<128x128xf32, #tpu.memory_space<vmem>>, vector<1x16xf32>,
      %parallel_loop3A_220 = vector.shape_cast %parallel_loop3A_219 : vector<1x16xf32> to vector<16xf32>
      %parallel_loop3A_221 = arith.addf %parallel_loop3A_220, %convert_element_type3A : vector<16xf32>
      %parallel_loop3A_222 = arith.index_cast %parallel_loop3A_199 : i32 to index
      %parallel_loop3A_223 = arith.constant 16 : index
      %parallel_loop3A_224 = tpu.vector_load %arg9[%parallel_loop3A_222, %parallel_loop3A_223] {strides = array<i32>} : memref<128x128xf32, #tpu.memory_space<vmem>>, vector<1x16xf32>,
      %parallel_loop3A_225 = vector.shape_cast %parallel_loop3A_224 : vector<1x16xf32> to vector<16xf32>
      %parallel_loop3A_226 = vector.shape_cast %parallel_loop3A_221 : vector<16xf32> to vector<1x16xf32>
      tpu.vector_store %arg9[%parallel_loop3A_222, %parallel_loop3A_223], %parallel_loop3A_226 {strides = array<i32>} : memref<128x128xf32, #tpu.memory_space<vmem>>, vector<1x16xf32>,
      %parallel_loop3A_227 = arith.index_cast %parallel_loop3A_199 : i32 to index
      %parallel_loop3A_228 = arith.constant 32 : index
      %parallel_loop3A_229 = tpu.vector_load %arg9[%parallel_loop3A_227, %parallel_loop3A_228] {strides = array<i32>} : memref<128x128xf32, #tpu.memory_space<vmem>>, vector<1x16xf32>,
      %parallel_loop3A_230 = vector.shape_cast %parallel_loop3A_229 : vector<1x16xf32> to vector<16xf32>
      %parallel_loop3A_231 = arith.addf %parallel_loop3A_230, %convert_element_type3A : vector<16xf32>
      %parallel_loop3A_232 = arith.index_cast %parallel_loop3A_199 : i32 to index
      %parallel_loop3A_233 = arith.constant 32 : index
      %parallel_loop3A_234 = tpu.vector_load %arg9[%parallel_loop3A_232, %parallel_loop3A_233] {strides = array<i32>} : memref<128x128xf32, #tpu.memory_space<vmem>>, vector<1x16xf32>,
      %parallel_loop3A_235 = vector.shape_cast %parallel_loop3A_234 : vector<1x16xf32> to vector<16xf32>
      %parallel_loop3A_236 = vector.shape_cast %parallel_loop3A_231 : vector<16xf32> to vector<1x16xf32>
      tpu.vector_store %arg9[%parallel_loop3A_232, %parallel_loop3A_233], %parallel_loop3A_236 {strides = array<i32>} : memref<128x128xf32, #tpu.memory_space<vmem>>, vector<1x16xf32>,
      %parallel_loop3A_237 = arith.index_cast %parallel_loop3A_199 : i32 to index
      %parallel_loop3A_238 = arith.constant 48 : index
      %parallel_loop3A_239 = tpu.vector_load %arg9[%parallel_loop3A_237, %parallel_loop3A_238] {strides = array<i32>} : memref<128x128xf32, #tpu.memory_space<vmem>>, vector<1x16xf32>,
      %parallel_loop3A_240 = vector.shape_cast %parallel_loop3A_239 : vector<1x16xf32> to vector<16xf32>
      %parallel_loop3A_241 = arith.addf %parallel_loop3A_240, %convert_element_type3A : vector<16xf32>
      %parallel_loop3A_242 = arith.index_cast %parallel_loop3A_199 : i32 to index
      %parallel_loop3A_243 = arith.constant 48 : index
      %parallel_loop3A_244 = tpu.vector_load %arg9[%parallel_loop3A_242, %parallel_loop3A_243] {strides = array<i32>} : memref<128x128xf32, #tpu.memory_space<vmem>>, vector<1x16xf32>,
      %parallel_loop3A_245 = vector.shape_cast %parallel_loop3A_244 : vector<1x16xf32> to vector<16xf32>
      %parallel_loop3A_246 = vector.shape_cast %parallel_loop3A_241 : vector<16xf32> to vector<1x16xf32>
      tpu.vector_store %arg9[%parallel_loop3A_242, %parallel_loop3A_243], %parallel_loop3A_246 {strides = array<i32>} : memref<128x128xf32, #tpu.memory_space<vmem>>, vector<1x16xf32>,
      %parallel_loop3A_247 = arith.index_cast %parallel_loop3A_199 : i32 to index
      %parallel_loop3A_248 = arith.constant 64 : index
      %parallel_loop3A_249 = tpu.vector_load %arg9[%parallel_loop3A_247, %parallel_loop3A_248] {strides = array<i32>} : memref<128x128xf32, #tpu.memory_space<vmem>>, vector<1x16xf32>,
      %parallel_loop3A_250 = vector.shape_cast %parallel_loop3A_249 : vector<1x16xf32> to vector<16xf32>
      %parallel_loop3A_251 = arith.addf %parallel_loop3A_250, %convert_element_type3A : vector<16xf32>
      %parallel_loop3A_252 = arith.index_cast %parallel_loop3A_199 : i32 to index
      %parallel_loop3A_253 = arith.constant 64 : index
      %parallel_loop3A_254 = tpu.vector_load %arg9[%parallel_loop3A_252, %parallel_loop3A_253] {strides = array<i32>} : memref<128x128xf32, #tpu.memory_space<vmem>>, vector<1x16xf32>,
      %parallel_loop3A_255 = vector.shape_cast %parallel_loop3A_254 : vector<1x16xf32> to vector<16xf32>
      %parallel_loop3A_256 = vector.shape_cast %parallel_loop3A_251 : vector<16xf32> to vector<1x16xf32>
      tpu.vector_store %arg9[%parallel_loop3A_252, %parallel_loop3A_253], %parallel_loop3A_256 {strides = array<i32>} : memref<128x128xf32, #tpu.memory_space<vmem>>, vector<1x16xf32>,
      %parallel_loop3A_257 = arith.index_cast %parallel_loop3A_199 : i32 to index
      %parallel_loop3A_258 = arith.constant 80 : index
      %parallel_loop3A_259 = tpu.vector_load %arg9[%parallel_loop3A_257, %parallel_loop3A_258] {strides = array<i32>} : memref<128x128xf32, #tpu.memory_space<vmem>>, vector<1x16xf32>,
      %parallel_loop3A_260 = vector.shape_cast %parallel_loop3A_259 : vector<1x16xf32> to vector<16xf32>
      %parallel_loop3A_261 = arith.addf %parallel_loop3A_260, %convert_element_type3A : vector<16xf32>
      %parallel_loop3A_262 = arith.index_cast %parallel_loop3A_199 : i32 to index
      %parallel_loop3A_263 = arith.constant 80 : index
      %parallel_loop3A_264 = tpu.vector_load %arg9[%parallel_loop3A_262, %parallel_loop3A_263] {strides = array<i32>} : memref<128x128xf32, #tpu.memory_space<vmem>>, vector<1x16xf32>,
      %parallel_loop3A_265 = vector.shape_cast %parallel_loop3A_264 : vector<1x16xf32> to vector<16xf32>
      %parallel_loop3A_266 = vector.shape_cast %parallel_loop3A_261 : vector<16xf32> to vector<1x16xf32>
      tpu.vector_store %arg9[%parallel_loop3A_262, %parallel_loop3A_263], %parallel_loop3A_266 {strides = array<i32>} : memref<128x128xf32, #tpu.memory_space<vmem>>, vector<1x16xf32>,
      %parallel_loop3A_267 = arith.index_cast %parallel_loop3A_199 : i32 to index
      %parallel_loop3A_268 = arith.constant 96 : index
      %parallel_loop3A_269 = tpu.vector_load %arg9[%parallel_loop3A_267, %parallel_loop3A_268] {strides = array<i32>} : memref<128x128xf32, #tpu.memory_space<vmem>>, vector<1x16xf32>,
      %parallel_loop3A_270 = vector.shape_cast %parallel_loop3A_269 : vector<1x16xf32> to vector<16xf32>
      %parallel_loop3A_271 = arith.addf %parallel_loop3A_270, %convert_element_type3A : vector<16xf32>
      %parallel_loop3A_272 = arith.index_cast %parallel_loop3A_199 : i32 to index
      %parallel_loop3A_273 = arith.constant 96 : index
      %parallel_loop3A_274 = tpu.vector_load %arg9[%parallel_loop3A_272, %parallel_loop3A_273] {strides = array<i32>} : memref<128x128xf32, #tpu.memory_space<vmem>>, vector<1x16xf32>,
      %parallel_loop3A_275 = vector.shape_cast %parallel_loop3A_274 : vector<1x16xf32> to vector<16xf32>
      %parallel_loop3A_276 = vector.shape_cast %parallel_loop3A_271 : vector<16xf32> to vector<1x16xf32>
      tpu.vector_store %arg9[%parallel_loop3A_272, %parallel_loop3A_273], %parallel_loop3A_276 {strides = array<i32>} : memref<128x128xf32, #tpu.memory_space<vmem>>, vector<1x16xf32>,
      %parallel_loop3A_277 = arith.index_cast %parallel_loop3A_199 : i32 to index
      %parallel_loop3A_278 = arith.constant 112 : index
      %parallel_loop3A_279 = tpu.vector_load %arg9[%parallel_loop3A_277, %parallel_loop3A_278] {strides = array<i32>} : memref<128x128xf32, #tpu.memory_space<vmem>>, vector<1x16xf32>,
      %parallel_loop3A_280 = vector.shape_cast %parallel_loop3A_279 : vector<1x16xf32> to vector<16xf32>
      %parallel_loop3A_281 = arith.addf %parallel_loop3A_280, %convert_element_type3A : vector<16xf32>
      %parallel_loop3A_282 = arith.index_cast %parallel_loop3A_199 : i32 to index
      %parallel_loop3A_283 = arith.constant 112 : index
      %parallel_loop3A_284 = tpu.vector_load %arg9[%parallel_loop3A_282, %parallel_loop3A_283] {strides = array<i32>} : memref<128x128xf32, #tpu.memory_space<vmem>>, vector<1x16xf32>,
      %parallel_loop3A_285 = vector.shape_cast %parallel_loop3A_284 : vector<1x16xf32> to vector<16xf32>
      %parallel_loop3A_286 = vector.shape_cast %parallel_loop3A_281 : vector<16xf32> to vector<1x16xf32>
      tpu.vector_store %arg9[%parallel_loop3A_282, %parallel_loop3A_283], %parallel_loop3A_286 {strides = array<i32>} : memref<128x128xf32, #tpu.memory_space<vmem>>, vector<1x16xf32>,
    } {sc.loop_unroll_factor = 4 : i64, sc.parallel_access}
    %add3A_66 = arith.constant 128 : i32
    %add3A_67 = arith.addi %multiple_of3A, %add3A_66 : i32
    %dma_start3A_68 = arith.constant 0 : i32
    %dma_start3A_69 = tpu.memref_slice %arg5[%add3A_67, %dma_start3A_68] : memref<32768x128xf32, #tpu.memory_space<hbm>> -> memref<128x128xf32, #tpu.memory_space<hbm>>
    %dma_start3A_70 = arith.constant 0 : i32
    %dma_start3A_71 = tpu.memref_slice %arg5[%add3A_67, %dma_start3A_70] : memref<32768x128xf32, #tpu.memory_space<hbm>> -> memref<128x128xf32, #tpu.memory_space<hbm>>
    tpu.enqueue_dma source(%arg9 : memref<128x128xf32, #tpu.memory_space<vmem>>) target(%dma_start3A_71 : memref<128x128xf32, #tpu.memory_space<hbm>>) target_semaphore(%arg13 : memref<!tpu.dma_semaphore, #tpu.memory_space<semaphore_mem>>)
    %dma_wait3A_72 = arith.constant 0 : i32
    %dma_wait3A_73 = tpu.memref_slice %arg5[%add3A_67, %dma_wait3A_72] : memref<32768x128xf32, #tpu.memory_space<hbm>> -> memref<128x128xf32, #tpu.memory_space<hbm>>
    %dma_wait3A_74 = arith.constant 0 : i32
    %dma_wait3A_75 = tpu.memref_slice %arg5[%add3A_67, %dma_wait3A_74] : memref<32768x128xf32, #tpu.memory_space<hbm>> -> memref<128x128xf32, #tpu.memory_space<hbm>>
    tpu.wait_dma2 semaphore(%arg13 : memref<!tpu.dma_semaphore, #tpu.memory_space<semaphore_mem>>) src(%arg9 : memref<128x128xf32, #tpu.memory_space<vmem>>) dst(%dma_wait3A_75 : memref<128x128xf32, #tpu.memory_space<hbm>>)
    %dma_start3A_76 = arith.constant 640 : i32
    %dma_start3A_77 = tpu.memref_slice %arg6[%dma_start3A_76] : memref<1024xi32, #tpu.memory_space<vmem>> -> memref<128xi32, #tpu.memory_space<vmem>>
    %dma_start3A_78 = arith.constant 0 : i32
    %dma_start3A_79 = arith.constant 0 : i32
    %dma_start3A_80 = tpu.memref_slice %arg3[%dma_start3A_78, %dma_start3A_79] : memref<100000x128xf32, #tpu.memory_space<hbm>> -> memref<100000x128xf32, #tpu.memory_space<hbm>>
    tpu.enqueue_indirect_dma source(%dma_start3A_80 : memref<100000x128xf32, #tpu.memory_space<hbm>>) target(%arg9 : memref<128x128xf32, #tpu.memory_space<vmem>>) offsets(%dma_start3A_77 : memref<128xi32, #tpu.memory_space<vmem>>) semaphore(%arg12 : memref<!tpu.dma_semaphore, #tpu.memory_space<semaphore_mem>>)
    %dma_wait3A_81 = arith.constant 256 : i32
    %dma_wait3A_82 = tpu.memref_slice %arg6[%dma_wait3A_81] : memref<1024xi32, #tpu.memory_space<vmem>> -> memref<128xi32, #tpu.memory_space<vmem>>
    %dma_wait3A_83 = arith.constant 0 : i32
    %dma_wait3A_84 = arith.constant 0 : i32
    %dma_wait3A_85 = tpu.memref_slice %arg3[%dma_wait3A_83, %dma_wait3A_84] : memref<100000x128xf32, #tpu.memory_space<hbm>> -> memref<100000x128xf32, #tpu.memory_space<hbm>>
    tpu.wait_indirect_dma semaphore(%arg12 : memref<!tpu.dma_semaphore, #tpu.memory_space<semaphore_mem>>) src(%dma_wait3A_85 : memref<100000x128xf32, #tpu.memory_space<hbm>>) dst(%arg10 : memref<128x128xf32, #tpu.memory_space<vmem>>)
    %parallel_loop3A_86 = arith.constant 0 : i32
    %parallel_loop3A_87 = arith.constant 128 : i32
    %parallel_loop3A_88 = arith.constant 1 : i32
    scf.for %parallel_loop3A_199 = %parallel_loop3A_86 to %parallel_loop3A_87 step %parallel_loop3A_88  : i32 {
      %parallel_loop3A_200 = arith.index_cast %parallel_loop3A_199 : i32 to index
      %parallel_loop3A_201 = arith.constant 0 : index
      %parallel_loop3A_202 = tpu.vector_load %arg10[%parallel_loop3A_200, %parallel_loop3A_201] {strides = array<i32>} : memref<128x128xf32, #tpu.memory_space<vmem>>, vector<1x16xf32>,
      %parallel_loop3A_203 = vector.shape_cast %parallel_loop3A_202 : vector<1x16xf32> to vector<16xf32>
      %parallel_loop3A_204 = arith.constant 256 : i32
      %parallel_loop3A_205 = arith.addi %parallel_loop3A_204, %parallel_loop3A_199 : i32
      %parallel_loop3A_206 = arith.constant 16 : i32
      %parallel_loop3A_207 = arith.muli %parallel_loop3A_205, %parallel_loop3A_206 : i32
      %parallel_loop3A_208 = arith.index_cast %parallel_loop3A_207 : i32 to index
      %parallel_loop3A_209 = tpu.vector_load %arg7[%parallel_loop3A_208] {strides = array<i32>} : memref<16384xf32, #tpu.memory_space<vmem>>, vector<16xf32>,
      %parallel_loop3A_210 = vector.shape_cast %parallel_loop3A_209 : vector<16xf32> to vector<16xf32>
      %parallel_loop3A_211 = arith.addf %parallel_loop3A_203, %parallel_loop3A_210 : vector<16xf32>
      %parallel_loop3A_212 = arith.index_cast %parallel_loop3A_199 : i32 to index
      %parallel_loop3A_213 = arith.constant 0 : index
      %parallel_loop3A_214 = tpu.vector_load %arg10[%parallel_loop3A_212, %parallel_loop3A_213] {strides = array<i32>} : memref<128x128xf32, #tpu.memory_space<vmem>>, vector<1x16xf32>,
      %parallel_loop3A_215 = vector.shape_cast %parallel_loop3A_214 : vector<1x16xf32> to vector<16xf32>
      %parallel_loop3A_216 = vector.shape_cast %parallel_loop3A_211 : vector<16xf32> to vector<1x16xf32>
      tpu.vector_store %arg10[%parallel_loop3A_212, %parallel_loop3A_213], %parallel_loop3A_216 {strides = array<i32>} : memref<128x128xf32, #tpu.memory_space<vmem>>, vector<1x16xf32>,
      %parallel_loop3A_217 = arith.index_cast %parallel_loop3A_199 : i32 to index
      %parallel_loop3A_218 = arith.constant 16 : index
      %parallel_loop3A_219 = tpu.vector_load %arg10[%parallel_loop3A_217, %parallel_loop3A_218] {strides = array<i32>} : memref<128x128xf32, #tpu.memory_space<vmem>>, vector<1x16xf32>,
      %parallel_loop3A_220 = vector.shape_cast %parallel_loop3A_219 : vector<1x16xf32> to vector<16xf32>
      %parallel_loop3A_221 = arith.addf %parallel_loop3A_220, %convert_element_type3A : vector<16xf32>
      %parallel_loop3A_222 = arith.index_cast %parallel_loop3A_199 : i32 to index
      %parallel_loop3A_223 = arith.constant 16 : index
      %parallel_loop3A_224 = tpu.vector_load %arg10[%parallel_loop3A_222, %parallel_loop3A_223] {strides = array<i32>} : memref<128x128xf32, #tpu.memory_space<vmem>>, vector<1x16xf32>,
      %parallel_loop3A_225 = vector.shape_cast %parallel_loop3A_224 : vector<1x16xf32> to vector<16xf32>
      %parallel_loop3A_226 = vector.shape_cast %parallel_loop3A_221 : vector<16xf32> to vector<1x16xf32>
      tpu.vector_store %arg10[%parallel_loop3A_222, %parallel_loop3A_223], %parallel_loop3A_226 {strides = array<i32>} : memref<128x128xf32, #tpu.memory_space<vmem>>, vector<1x16xf32>,
      %parallel_loop3A_227 = arith.index_cast %parallel_loop3A_199 : i32 to index
      %parallel_loop3A_228 = arith.constant 32 : index
      %parallel_loop3A_229 = tpu.vector_load %arg10[%parallel_loop3A_227, %parallel_loop3A_228] {strides = array<i32>} : memref<128x128xf32, #tpu.memory_space<vmem>>, vector<1x16xf32>,
      %parallel_loop3A_230 = vector.shape_cast %parallel_loop3A_229 : vector<1x16xf32> to vector<16xf32>
      %parallel_loop3A_231 = arith.addf %parallel_loop3A_230, %convert_element_type3A : vector<16xf32>
      %parallel_loop3A_232 = arith.index_cast %parallel_loop3A_199 : i32 to index
      %parallel_loop3A_233 = arith.constant 32 : index
      %parallel_loop3A_234 = tpu.vector_load %arg10[%parallel_loop3A_232, %parallel_loop3A_233] {strides = array<i32>} : memref<128x128xf32, #tpu.memory_space<vmem>>, vector<1x16xf32>,
      %parallel_loop3A_235 = vector.shape_cast %parallel_loop3A_234 : vector<1x16xf32> to vector<16xf32>
      %parallel_loop3A_236 = vector.shape_cast %parallel_loop3A_231 : vector<16xf32> to vector<1x16xf32>
      tpu.vector_store %arg10[%parallel_loop3A_232, %parallel_loop3A_233], %parallel_loop3A_236 {strides = array<i32>} : memref<128x128xf32, #tpu.memory_space<vmem>>, vector<1x16xf32>,
      %parallel_loop3A_237 = arith.index_cast %parallel_loop3A_199 : i32 to index
      %parallel_loop3A_238 = arith.constant 48 : index
      %parallel_loop3A_239 = tpu.vector_load %arg10[%parallel_loop3A_237, %parallel_loop3A_238] {strides = array<i32>} : memref<128x128xf32, #tpu.memory_space<vmem>>, vector<1x16xf32>,
      %parallel_loop3A_240 = vector.shape_cast %parallel_loop3A_239 : vector<1x16xf32> to vector<16xf32>
      %parallel_loop3A_241 = arith.addf %parallel_loop3A_240, %convert_element_type3A : vector<16xf32>
      %parallel_loop3A_242 = arith.index_cast %parallel_loop3A_199 : i32 to index
      %parallel_loop3A_243 = arith.constant 48 : index
      %parallel_loop3A_244 = tpu.vector_load %arg10[%parallel_loop3A_242, %parallel_loop3A_243] {strides = array<i32>} : memref<128x128xf32, #tpu.memory_space<vmem>>, vector<1x16xf32>,
      %parallel_loop3A_245 = vector.shape_cast %parallel_loop3A_244 : vector<1x16xf32> to vector<16xf32>
      %parallel_loop3A_246 = vector.shape_cast %parallel_loop3A_241 : vector<16xf32> to vector<1x16xf32>
      tpu.vector_store %arg10[%parallel_loop3A_242, %parallel_loop3A_243], %parallel_loop3A_246 {strides = array<i32>} : memref<128x128xf32, #tpu.memory_space<vmem>>, vector<1x16xf32>,
      %parallel_loop3A_247 = arith.index_cast %parallel_loop3A_199 : i32 to index
      %parallel_loop3A_248 = arith.constant 64 : index
      %parallel_loop3A_249 = tpu.vector_load %arg10[%parallel_loop3A_247, %parallel_loop3A_248] {strides = array<i32>} : memref<128x128xf32, #tpu.memory_space<vmem>>, vector<1x16xf32>,
      %parallel_loop3A_250 = vector.shape_cast %parallel_loop3A_249 : vector<1x16xf32> to vector<16xf32>
      %parallel_loop3A_251 = arith.addf %parallel_loop3A_250, %convert_element_type3A : vector<16xf32>
      %parallel_loop3A_252 = arith.index_cast %parallel_loop3A_199 : i32 to index
      %parallel_loop3A_253 = arith.constant 64 : index
      %parallel_loop3A_254 = tpu.vector_load %arg10[%parallel_loop3A_252, %parallel_loop3A_253] {strides = array<i32>} : memref<128x128xf32, #tpu.memory_space<vmem>>, vector<1x16xf32>,
      %parallel_loop3A_255 = vector.shape_cast %parallel_loop3A_254 : vector<1x16xf32> to vector<16xf32>
      %parallel_loop3A_256 = vector.shape_cast %parallel_loop3A_251 : vector<16xf32> to vector<1x16xf32>
      tpu.vector_store %arg10[%parallel_loop3A_252, %parallel_loop3A_253], %parallel_loop3A_256 {strides = array<i32>} : memref<128x128xf32, #tpu.memory_space<vmem>>, vector<1x16xf32>,
      %parallel_loop3A_257 = arith.index_cast %parallel_loop3A_199 : i32 to index
      %parallel_loop3A_258 = arith.constant 80 : index
      %parallel_loop3A_259 = tpu.vector_load %arg10[%parallel_loop3A_257, %parallel_loop3A_258] {strides = array<i32>} : memref<128x128xf32, #tpu.memory_space<vmem>>, vector<1x16xf32>,
      %parallel_loop3A_260 = vector.shape_cast %parallel_loop3A_259 : vector<1x16xf32> to vector<16xf32>
      %parallel_loop3A_261 = arith.addf %parallel_loop3A_260, %convert_element_type3A : vector<16xf32>
      %parallel_loop3A_262 = arith.index_cast %parallel_loop3A_199 : i32 to index
      %parallel_loop3A_263 = arith.constant 80 : index
      %parallel_loop3A_264 = tpu.vector_load %arg10[%parallel_loop3A_262, %parallel_loop3A_263] {strides = array<i32>} : memref<128x128xf32, #tpu.memory_space<vmem>>, vector<1x16xf32>,
      %parallel_loop3A_265 = vector.shape_cast %parallel_loop3A_264 : vector<1x16xf32> to vector<16xf32>
      %parallel_loop3A_266 = vector.shape_cast %parallel_loop3A_261 : vector<16xf32> to vector<1x16xf32>
      tpu.vector_store %arg10[%parallel_loop3A_262, %parallel_loop3A_263], %parallel_loop3A_266 {strides = array<i32>} : memref<128x128xf32, #tpu.memory_space<vmem>>, vector<1x16xf32>,
      %parallel_loop3A_267 = arith.index_cast %parallel_loop3A_199 : i32 to index
      %parallel_loop3A_268 = arith.constant 96 : index
      %parallel_loop3A_269 = tpu.vector_load %arg10[%parallel_loop3A_267, %parallel_loop3A_268] {strides = array<i32>} : memref<128x128xf32, #tpu.memory_space<vmem>>, vector<1x16xf32>,
      %parallel_loop3A_270 = vector.shape_cast %parallel_loop3A_269 : vector<1x16xf32> to vector<16xf32>
      %parallel_loop3A_271 = arith.addf %parallel_loop3A_270, %convert_element_type3A : vector<16xf32>
      %parallel_loop3A_272 = arith.index_cast %parallel_loop3A_199 : i32 to index
      %parallel_loop3A_273 = arith.constant 96 : index
      %parallel_loop3A_274 = tpu.vector_load %arg10[%parallel_loop3A_272, %parallel_loop3A_273] {strides = array<i32>} : memref<128x128xf32, #tpu.memory_space<vmem>>, vector<1x16xf32>,
      %parallel_loop3A_275 = vector.shape_cast %parallel_loop3A_274 : vector<1x16xf32> to vector<16xf32>
      %parallel_loop3A_276 = vector.shape_cast %parallel_loop3A_271 : vector<16xf32> to vector<1x16xf32>
      tpu.vector_store %arg10[%parallel_loop3A_272, %parallel_loop3A_273], %parallel_loop3A_276 {strides = array<i32>} : memref<128x128xf32, #tpu.memory_space<vmem>>, vector<1x16xf32>,
      %parallel_loop3A_277 = arith.index_cast %parallel_loop3A_199 : i32 to index
      %parallel_loop3A_278 = arith.constant 112 : index
      %parallel_loop3A_279 = tpu.vector_load %arg10[%parallel_loop3A_277, %parallel_loop3A_278] {strides = array<i32>} : memref<128x128xf32, #tpu.memory_space<vmem>>, vector<1x16xf32>,
      %parallel_loop3A_280 = vector.shape_cast %parallel_loop3A_279 : vector<1x16xf32> to vector<16xf32>
      %parallel_loop3A_281 = arith.addf %parallel_loop3A_280, %convert_element_type3A : vector<16xf32>
      %parallel_loop3A_282 = arith.index_cast %parallel_loop3A_199 : i32 to index
      %parallel_loop3A_283 = arith.constant 112 : index
      %parallel_loop3A_284 = tpu.vector_load %arg10[%parallel_loop3A_282, %parallel_loop3A_283] {strides = array<i32>} : memref<128x128xf32, #tpu.memory_space<vmem>>, vector<1x16xf32>,
      %parallel_loop3A_285 = vector.shape_cast %parallel_loop3A_284 : vector<1x16xf32> to vector<16xf32>
      %parallel_loop3A_286 = vector.shape_cast %parallel_loop3A_281 : vector<16xf32> to vector<1x16xf32>
      tpu.vector_store %arg10[%parallel_loop3A_282, %parallel_loop3A_283], %parallel_loop3A_286 {strides = array<i32>} : memref<128x128xf32, #tpu.memory_space<vmem>>, vector<1x16xf32>,
    } {sc.loop_unroll_factor = 4 : i64, sc.parallel_access}
    %add3A_89 = arith.constant 256 : i32
    %add3A_90 = arith.addi %multiple_of3A, %add3A_89 : i32
    %dma_start3A_91 = arith.constant 0 : i32
    %dma_start3A_92 = tpu.memref_slice %arg5[%add3A_90, %dma_start3A_91] : memref<32768x128xf32, #tpu.memory_space<hbm>> -> memref<128x128xf32, #tpu.memory_space<hbm>>
    %dma_start3A_93 = arith.constant 0 : i32
    %dma_start3A_94 = tpu.memref_slice %arg5[%add3A_90, %dma_start3A_93] : memref<32768x128xf32, #tpu.memory_space<hbm>> -> memref<128x128xf32, #tpu.memory_space<hbm>>
    tpu.enqueue_dma source(%arg10 : memref<128x128xf32, #tpu.memory_space<vmem>>) target(%dma_start3A_94 : memref<128x128xf32, #tpu.memory_space<hbm>>) target_semaphore(%arg13 : memref<!tpu.dma_semaphore, #tpu.memory_space<semaphore_mem>>)
    %dma_wait3A_95 = arith.constant 0 : i32
    %dma_wait3A_96 = tpu.memref_slice %arg5[%add3A_90, %dma_wait3A_95] : memref<32768x128xf32, #tpu.memory_space<hbm>> -> memref<128x128xf32, #tpu.memory_space<hbm>>
    %dma_wait3A_97 = arith.constant 0 : i32
    %dma_wait3A_98 = tpu.memref_slice %arg5[%add3A_90, %dma_wait3A_97] : memref<32768x128xf32, #tpu.memory_space<hbm>> -> memref<128x128xf32, #tpu.memory_space<hbm>>
    tpu.wait_dma2 semaphore(%arg13 : memref<!tpu.dma_semaphore, #tpu.memory_space<semaphore_mem>>) src(%arg10 : memref<128x128xf32, #tpu.memory_space<vmem>>) dst(%dma_wait3A_98 : memref<128x128xf32, #tpu.memory_space<hbm>>)
    %dma_start3A_99 = arith.constant 768 : i32
    %dma_start3A_100 = tpu.memref_slice %arg6[%dma_start3A_99] : memref<1024xi32, #tpu.memory_space<vmem>> -> memref<128xi32, #tpu.memory_space<vmem>>
    %dma_start3A_101 = arith.constant 0 : i32
    %dma_start3A_102 = arith.constant 0 : i32
    %dma_start3A_103 = tpu.memref_slice %arg3[%dma_start3A_101, %dma_start3A_102] : memref<100000x128xf32, #tpu.memory_space<hbm>> -> memref<100000x128xf32, #tpu.memory_space<hbm>>
    tpu.enqueue_indirect_dma source(%dma_start3A_103 : memref<100000x128xf32, #tpu.memory_space<hbm>>) target(%arg10 : memref<128x128xf32, #tpu.memory_space<vmem>>) offsets(%dma_start3A_100 : memref<128xi32, #tpu.memory_space<vmem>>) semaphore(%arg12 : memref<!tpu.dma_semaphore, #tpu.memory_space<semaphore_mem>>)
    %dma_wait3A_104 = arith.constant 384 : i32
    %dma_wait3A_105 = tpu.memref_slice %arg6[%dma_wait3A_104] : memref<1024xi32, #tpu.memory_space<vmem>> -> memref<128xi32, #tpu.memory_space<vmem>>
    %dma_wait3A_106 = arith.constant 0 : i32
    %dma_wait3A_107 = arith.constant 0 : i32
    %dma_wait3A_108 = tpu.memref_slice %arg3[%dma_wait3A_106, %dma_wait3A_107] : memref<100000x128xf32, #tpu.memory_space<hbm>> -> memref<100000x128xf32, #tpu.memory_space<hbm>>
    tpu.wait_indirect_dma semaphore(%arg12 : memref<!tpu.dma_semaphore, #tpu.memory_space<semaphore_mem>>) src(%dma_wait3A_108 : memref<100000x128xf32, #tpu.memory_space<hbm>>) dst(%arg11 : memref<128x128xf32, #tpu.memory_space<vmem>>)
    %parallel_loop3A_109 = arith.constant 0 : i32
    %parallel_loop3A_110 = arith.constant 128 : i32
    %parallel_loop3A_111 = arith.constant 1 : i32
    scf.for %parallel_loop3A_199 = %parallel_loop3A_109 to %parallel_loop3A_110 step %parallel_loop3A_111  : i32 {
      %parallel_loop3A_200 = arith.index_cast %parallel_loop3A_199 : i32 to index
      %parallel_loop3A_201 = arith.constant 0 : index
      %parallel_loop3A_202 = tpu.vector_load %arg11[%parallel_loop3A_200, %parallel_loop3A_201] {strides = array<i32>} : memref<128x128xf32, #tpu.memory_space<vmem>>, vector<1x16xf32>,
      %parallel_loop3A_203 = vector.shape_cast %parallel_loop3A_202 : vector<1x16xf32> to vector<16xf32>
      %parallel_loop3A_204 = arith.constant 384 : i32
      %parallel_loop3A_205 = arith.addi %parallel_loop3A_204, %parallel_loop3A_199 : i32
      %parallel_loop3A_206 = arith.constant 16 : i32
      %parallel_loop3A_207 = arith.muli %parallel_loop3A_205, %parallel_loop3A_206 : i32
      %parallel_loop3A_208 = arith.index_cast %parallel_loop3A_207 : i32 to index
      %parallel_loop3A_209 = tpu.vector_load %arg7[%parallel_loop3A_208] {strides = array<i32>} : memref<16384xf32, #tpu.memory_space<vmem>>, vector<16xf32>,
      %parallel_loop3A_210 = vector.shape_cast %parallel_loop3A_209 : vector<16xf32> to vector<16xf32>
      %parallel_loop3A_211 = arith.addf %parallel_loop3A_203, %parallel_loop3A_210 : vector<16xf32>
      %parallel_loop3A_212 = arith.index_cast %parallel_loop3A_199 : i32 to index
      %parallel_loop3A_213 = arith.constant 0 : index
      %parallel_loop3A_214 = tpu.vector_load %arg11[%parallel_loop3A_212, %parallel_loop3A_213] {strides = array<i32>} : memref<128x128xf32, #tpu.memory_space<vmem>>, vector<1x16xf32>,
      %parallel_loop3A_215 = vector.shape_cast %parallel_loop3A_214 : vector<1x16xf32> to vector<16xf32>
      %parallel_loop3A_216 = vector.shape_cast %parallel_loop3A_211 : vector<16xf32> to vector<1x16xf32>
      tpu.vector_store %arg11[%parallel_loop3A_212, %parallel_loop3A_213], %parallel_loop3A_216 {strides = array<i32>} : memref<128x128xf32, #tpu.memory_space<vmem>>, vector<1x16xf32>,
      %parallel_loop3A_217 = arith.index_cast %parallel_loop3A_199 : i32 to index
      %parallel_loop3A_218 = arith.constant 16 : index
      %parallel_loop3A_219 = tpu.vector_load %arg11[%parallel_loop3A_217, %parallel_loop3A_218] {strides = array<i32>} : memref<128x128xf32, #tpu.memory_space<vmem>>, vector<1x16xf32>,
      %parallel_loop3A_220 = vector.shape_cast %parallel_loop3A_219 : vector<1x16xf32> to vector<16xf32>
      %parallel_loop3A_221 = arith.addf %parallel_loop3A_220, %convert_element_type3A : vector<16xf32>
      %parallel_loop3A_222 = arith.index_cast %parallel_loop3A_199 : i32 to index
      %parallel_loop3A_223 = arith.constant 16 : index
      %parallel_loop3A_224 = tpu.vector_load %arg11[%parallel_loop3A_222, %parallel_loop3A_223] {strides = array<i32>} : memref<128x128xf32, #tpu.memory_space<vmem>>, vector<1x16xf32>,
      %parallel_loop3A_225 = vector.shape_cast %parallel_loop3A_224 : vector<1x16xf32> to vector<16xf32>
      %parallel_loop3A_226 = vector.shape_cast %parallel_loop3A_221 : vector<16xf32> to vector<1x16xf32>
      tpu.vector_store %arg11[%parallel_loop3A_222, %parallel_loop3A_223], %parallel_loop3A_226 {strides = array<i32>} : memref<128x128xf32, #tpu.memory_space<vmem>>, vector<1x16xf32>,
      %parallel_loop3A_227 = arith.index_cast %parallel_loop3A_199 : i32 to index
      %parallel_loop3A_228 = arith.constant 32 : index
      %parallel_loop3A_229 = tpu.vector_load %arg11[%parallel_loop3A_227, %parallel_loop3A_228] {strides = array<i32>} : memref<128x128xf32, #tpu.memory_space<vmem>>, vector<1x16xf32>,
      %parallel_loop3A_230 = vector.shape_cast %parallel_loop3A_229 : vector<1x16xf32> to vector<16xf32>
      %parallel_loop3A_231 = arith.addf %parallel_loop3A_230, %convert_element_type3A : vector<16xf32>
      %parallel_loop3A_232 = arith.index_cast %parallel_loop3A_199 : i32 to index
      %parallel_loop3A_233 = arith.constant 32 : index
      %parallel_loop3A_234 = tpu.vector_load %arg11[%parallel_loop3A_232, %parallel_loop3A_233] {strides = array<i32>} : memref<128x128xf32, #tpu.memory_space<vmem>>, vector<1x16xf32>,
      %parallel_loop3A_235 = vector.shape_cast %parallel_loop3A_234 : vector<1x16xf32> to vector<16xf32>
      %parallel_loop3A_236 = vector.shape_cast %parallel_loop3A_231 : vector<16xf32> to vector<1x16xf32>
      tpu.vector_store %arg11[%parallel_loop3A_232, %parallel_loop3A_233], %parallel_loop3A_236 {strides = array<i32>} : memref<128x128xf32, #tpu.memory_space<vmem>>, vector<1x16xf32>,
      %parallel_loop3A_237 = arith.index_cast %parallel_loop3A_199 : i32 to index
      %parallel_loop3A_238 = arith.constant 48 : index
      %parallel_loop3A_239 = tpu.vector_load %arg11[%parallel_loop3A_237, %parallel_loop3A_238] {strides = array<i32>} : memref<128x128xf32, #tpu.memory_space<vmem>>, vector<1x16xf32>,
      %parallel_loop3A_240 = vector.shape_cast %parallel_loop3A_239 : vector<1x16xf32> to vector<16xf32>
      %parallel_loop3A_241 = arith.addf %parallel_loop3A_240, %convert_element_type3A : vector<16xf32>
      %parallel_loop3A_242 = arith.index_cast %parallel_loop3A_199 : i32 to index
      %parallel_loop3A_243 = arith.constant 48 : index
      %parallel_loop3A_244 = tpu.vector_load %arg11[%parallel_loop3A_242, %parallel_loop3A_243] {strides = array<i32>} : memref<128x128xf32, #tpu.memory_space<vmem>>, vector<1x16xf32>,
      %parallel_loop3A_245 = vector.shape_cast %parallel_loop3A_244 : vector<1x16xf32> to vector<16xf32>
      %parallel_loop3A_246 = vector.shape_cast %parallel_loop3A_241 : vector<16xf32> to vector<1x16xf32>
      tpu.vector_store %arg11[%parallel_loop3A_242, %parallel_loop3A_243], %parallel_loop3A_246 {strides = array<i32>} : memref<128x128xf32, #tpu.memory_space<vmem>>, vector<1x16xf32>,
      %parallel_loop3A_247 = arith.index_cast %parallel_loop3A_199 : i32 to index
      %parallel_loop3A_248 = arith.constant 64 : index
      %parallel_loop3A_249 = tpu.vector_load %arg11[%parallel_loop3A_247, %parallel_loop3A_248] {strides = array<i32>} : memref<128x128xf32, #tpu.memory_space<vmem>>, vector<1x16xf32>,
      %parallel_loop3A_250 = vector.shape_cast %parallel_loop3A_249 : vector<1x16xf32> to vector<16xf32>
      %parallel_loop3A_251 = arith.addf %parallel_loop3A_250, %convert_element_type3A : vector<16xf32>
      %parallel_loop3A_252 = arith.index_cast %parallel_loop3A_199 : i32 to index
      %parallel_loop3A_253 = arith.constant 64 : index
      %parallel_loop3A_254 = tpu.vector_load %arg11[%parallel_loop3A_252, %parallel_loop3A_253] {strides = array<i32>} : memref<128x128xf32, #tpu.memory_space<vmem>>, vector<1x16xf32>,
      %parallel_loop3A_255 = vector.shape_cast %parallel_loop3A_254 : vector<1x16xf32> to vector<16xf32>
      %parallel_loop3A_256 = vector.shape_cast %parallel_loop3A_251 : vector<16xf32> to vector<1x16xf32>
      tpu.vector_store %arg11[%parallel_loop3A_252, %parallel_loop3A_253], %parallel_loop3A_256 {strides = array<i32>} : memref<128x128xf32, #tpu.memory_space<vmem>>, vector<1x16xf32>,
      %parallel_loop3A_257 = arith.index_cast %parallel_loop3A_199 : i32 to index
      %parallel_loop3A_258 = arith.constant 80 : index
      %parallel_loop3A_259 = tpu.vector_load %arg11[%parallel_loop3A_257, %parallel_loop3A_258] {strides = array<i32>} : memref<128x128xf32, #tpu.memory_space<vmem>>, vector<1x16xf32>,
      %parallel_loop3A_260 = vector.shape_cast %parallel_loop3A_259 : vector<1x16xf32> to vector<16xf32>
      %parallel_loop3A_261 = arith.addf %parallel_loop3A_260, %convert_element_type3A : vector<16xf32>
      %parallel_loop3A_262 = arith.index_cast %parallel_loop3A_199 : i32 to index
      %parallel_loop3A_263 = arith.constant 80 : index
      %parallel_loop3A_264 = tpu.vector_load %arg11[%parallel_loop3A_262, %parallel_loop3A_263] {strides = array<i32>} : memref<128x128xf32, #tpu.memory_space<vmem>>, vector<1x16xf32>,
      %parallel_loop3A_265 = vector.shape_cast %parallel_loop3A_264 : vector<1x16xf32> to vector<16xf32>
      %parallel_loop3A_266 = vector.shape_cast %parallel_loop3A_261 : vector<16xf32> to vector<1x16xf32>
      tpu.vector_store %arg11[%parallel_loop3A_262, %parallel_loop3A_263], %parallel_loop3A_266 {strides = array<i32>} : memref<128x128xf32, #tpu.memory_space<vmem>>, vector<1x16xf32>,
      %parallel_loop3A_267 = arith.index_cast %parallel_loop3A_199 : i32 to index
      %parallel_loop3A_268 = arith.constant 96 : index
      %parallel_loop3A_269 = tpu.vector_load %arg11[%parallel_loop3A_267, %parallel_loop3A_268] {strides = array<i32>} : memref<128x128xf32, #tpu.memory_space<vmem>>, vector<1x16xf32>,
      %parallel_loop3A_270 = vector.shape_cast %parallel_loop3A_269 : vector<1x16xf32> to vector<16xf32>
      %parallel_loop3A_271 = arith.addf %parallel_loop3A_270, %convert_element_type3A : vector<16xf32>
      %parallel_loop3A_272 = arith.index_cast %parallel_loop3A_199 : i32 to index
      %parallel_loop3A_273 = arith.constant 96 : index
      %parallel_loop3A_274 = tpu.vector_load %arg11[%parallel_loop3A_272, %parallel_loop3A_273] {strides = array<i32>} : memref<128x128xf32, #tpu.memory_space<vmem>>, vector<1x16xf32>,
      %parallel_loop3A_275 = vector.shape_cast %parallel_loop3A_274 : vector<1x16xf32> to vector<16xf32>
      %parallel_loop3A_276 = vector.shape_cast %parallel_loop3A_271 : vector<16xf32> to vector<1x16xf32>
      tpu.vector_store %arg11[%parallel_loop3A_272, %parallel_loop3A_273], %parallel_loop3A_276 {strides = array<i32>} : memref<128x128xf32, #tpu.memory_space<vmem>>, vector<1x16xf32>,
      %parallel_loop3A_277 = arith.index_cast %parallel_loop3A_199 : i32 to index
      %parallel_loop3A_278 = arith.constant 112 : index
      %parallel_loop3A_279 = tpu.vector_load %arg11[%parallel_loop3A_277, %parallel_loop3A_278] {strides = array<i32>} : memref<128x128xf32, #tpu.memory_space<vmem>>, vector<1x16xf32>,
      %parallel_loop3A_280 = vector.shape_cast %parallel_loop3A_279 : vector<1x16xf32> to vector<16xf32>
      %parallel_loop3A_281 = arith.addf %parallel_loop3A_280, %convert_element_type3A : vector<16xf32>
      %parallel_loop3A_282 = arith.index_cast %parallel_loop3A_199 : i32 to index
      %parallel_loop3A_283 = arith.constant 112 : index
      %parallel_loop3A_284 = tpu.vector_load %arg11[%parallel_loop3A_282, %parallel_loop3A_283] {strides = array<i32>} : memref<128x128xf32, #tpu.memory_space<vmem>>, vector<1x16xf32>,
      %parallel_loop3A_285 = vector.shape_cast %parallel_loop3A_284 : vector<1x16xf32> to vector<16xf32>
      %parallel_loop3A_286 = vector.shape_cast %parallel_loop3A_281 : vector<16xf32> to vector<1x16xf32>
      tpu.vector_store %arg11[%parallel_loop3A_282, %parallel_loop3A_283], %parallel_loop3A_286 {strides = array<i32>} : memref<128x128xf32, #tpu.memory_space<vmem>>, vector<1x16xf32>,
    } {sc.loop_unroll_factor = 4 : i64, sc.parallel_access}
    %add3A_112 = arith.constant 384 : i32
    %add3A_113 = arith.addi %multiple_of3A, %add3A_112 : i32
    %dma_start3A_114 = arith.constant 0 : i32
    %dma_start3A_115 = tpu.memref_slice %arg5[%add3A_113, %dma_start3A_114] : memref<32768x128xf32, #tpu.memory_space<hbm>> -> memref<128x128xf32, #tpu.memory_space<hbm>>
    %dma_start3A_116 = arith.constant 0 : i32
    %dma_start3A_117 = tpu.memref_slice %arg5[%add3A_113, %dma_start3A_116] : memref<32768x128xf32, #tpu.memory_space<hbm>> -> memref<128x128xf32, #tpu.memory_space<hbm>>
    tpu.enqueue_dma source(%arg11 : memref<128x128xf32, #tpu.memory_space<vmem>>) target(%dma_start3A_117 : memref<128x128xf32, #tpu.memory_space<hbm>>) target_semaphore(%arg13 : memref<!tpu.dma_semaphore, #tpu.memory_space<semaphore_mem>>)
    %dma_wait3A_118 = arith.constant 0 : i32
    %dma_wait3A_119 = tpu.memref_slice %arg5[%add3A_113, %dma_wait3A_118] : memref<32768x128xf32, #tpu.memory_space<hbm>> -> memref<128x128xf32, #tpu.memory_space<hbm>>
    %dma_wait3A_120 = arith.constant 0 : i32
    %dma_wait3A_121 = tpu.memref_slice %arg5[%add3A_113, %dma_wait3A_120] : memref<32768x128xf32, #tpu.memory_space<hbm>> -> memref<128x128xf32, #tpu.memory_space<hbm>>
    tpu.wait_dma2 semaphore(%arg13 : memref<!tpu.dma_semaphore, #tpu.memory_space<semaphore_mem>>) src(%arg11 : memref<128x128xf32, #tpu.memory_space<vmem>>) dst(%dma_wait3A_121 : memref<128x128xf32, #tpu.memory_space<hbm>>)
    %dma_start3A_122 = arith.constant 896 : i32
    %dma_start3A_123 = tpu.memref_slice %arg6[%dma_start3A_122] : memref<1024xi32, #tpu.memory_space<vmem>> -> memref<128xi32, #tpu.memory_space<vmem>>
    %dma_start3A_124 = arith.constant 0 : i32
    %dma_start3A_125 = arith.constant 0 : i32
    %dma_start3A_126 = tpu.memref_slice %arg3[%dma_start3A_124, %dma_start3A_125] : memref<100000x128xf32, #tpu.memory_space<hbm>> -> memref<100000x128xf32, #tpu.memory_space<hbm>>
    tpu.enqueue_indirect_dma source(%dma_start3A_126 : memref<100000x128xf32, #tpu.memory_space<hbm>>) target(%arg11 : memref<128x128xf32, #tpu.memory_space<vmem>>) offsets(%dma_start3A_123 : memref<128xi32, #tpu.memory_space<vmem>>) semaphore(%arg12 : memref<!tpu.dma_semaphore, #tpu.memory_space<semaphore_mem>>)
    %dma_wait3A_127 = arith.constant 512 : i32
    %dma_wait3A_128 = tpu.memref_slice %arg6[%dma_wait3A_127] : memref<1024xi32, #tpu.memory_space<vmem>> -> memref<128xi32, #tpu.memory_space<vmem>>
    %dma_wait3A_129 = arith.constant 0 : i32
    %dma_wait3A_130 = arith.constant 0 : i32
    %dma_wait3A_131 = tpu.memref_slice %arg3[%dma_wait3A_129, %dma_wait3A_130] : memref<100000x128xf32, #tpu.memory_space<hbm>> -> memref<100000x128xf32, #tpu.memory_space<hbm>>
    tpu.wait_indirect_dma semaphore(%arg12 : memref<!tpu.dma_semaphore, #tpu.memory_space<semaphore_mem>>) src(%dma_wait3A_131 : memref<100000x128xf32, #tpu.memory_space<hbm>>) dst(%arg8 : memref<128x128xf32, #tpu.memory_space<vmem>>)
    %parallel_loop3A_132 = arith.constant 0 : i32
    %parallel_loop3A_133 = arith.constant 128 : i32
    %parallel_loop3A_134 = arith.constant 1 : i32
    scf.for %parallel_loop3A_199 = %parallel_loop3A_132 to %parallel_loop3A_133 step %parallel_loop3A_134  : i32 {
      %parallel_loop3A_200 = arith.index_cast %parallel_loop3A_199 : i32 to index
      %parallel_loop3A_201 = arith.constant 0 : index
      %parallel_loop3A_202 = tpu.vector_load %arg8[%parallel_loop3A_200, %parallel_loop3A_201] {strides = array<i32>} : memref<128x128xf32, #tpu.memory_space<vmem>>, vector<1x16xf32>,
      %parallel_loop3A_203 = vector.shape_cast %parallel_loop3A_202 : vector<1x16xf32> to vector<16xf32>
      %parallel_loop3A_204 = arith.constant 512 : i32
      %parallel_loop3A_205 = arith.addi %parallel_loop3A_204, %parallel_loop3A_199 : i32
      %parallel_loop3A_206 = arith.constant 16 : i32
      %parallel_loop3A_207 = arith.muli %parallel_loop3A_205, %parallel_loop3A_206 : i32
      %parallel_loop3A_208 = arith.index_cast %parallel_loop3A_207 : i32 to index
      %parallel_loop3A_209 = tpu.vector_load %arg7[%parallel_loop3A_208] {strides = array<i32>} : memref<16384xf32, #tpu.memory_space<vmem>>, vector<16xf32>,
      %parallel_loop3A_210 = vector.shape_cast %parallel_loop3A_209 : vector<16xf32> to vector<16xf32>
      %parallel_loop3A_211 = arith.addf %parallel_loop3A_203, %parallel_loop3A_210 : vector<16xf32>
      %parallel_loop3A_212 = arith.index_cast %parallel_loop3A_199 : i32 to index
      %parallel_loop3A_213 = arith.constant 0 : index
      %parallel_loop3A_214 = tpu.vector_load %arg8[%parallel_loop3A_212, %parallel_loop3A_213] {strides = array<i32>} : memref<128x128xf32, #tpu.memory_space<vmem>>, vector<1x16xf32>,
      %parallel_loop3A_215 = vector.shape_cast %parallel_loop3A_214 : vector<1x16xf32> to vector<16xf32>
      %parallel_loop3A_216 = vector.shape_cast %parallel_loop3A_211 : vector<16xf32> to vector<1x16xf32>
      tpu.vector_store %arg8[%parallel_loop3A_212, %parallel_loop3A_213], %parallel_loop3A_216 {strides = array<i32>} : memref<128x128xf32, #tpu.memory_space<vmem>>, vector<1x16xf32>,
      %parallel_loop3A_217 = arith.index_cast %parallel_loop3A_199 : i32 to index
      %parallel_loop3A_218 = arith.constant 16 : index
      %parallel_loop3A_219 = tpu.vector_load %arg8[%parallel_loop3A_217, %parallel_loop3A_218] {strides = array<i32>} : memref<128x128xf32, #tpu.memory_space<vmem>>, vector<1x16xf32>,
      %parallel_loop3A_220 = vector.shape_cast %parallel_loop3A_219 : vector<1x16xf32> to vector<16xf32>
      %parallel_loop3A_221 = arith.addf %parallel_loop3A_220, %convert_element_type3A : vector<16xf32>
      %parallel_loop3A_222 = arith.index_cast %parallel_loop3A_199 : i32 to index
      %parallel_loop3A_223 = arith.constant 16 : index
      %parallel_loop3A_224 = tpu.vector_load %arg8[%parallel_loop3A_222, %parallel_loop3A_223] {strides = array<i32>} : memref<128x128xf32, #tpu.memory_space<vmem>>, vector<1x16xf32>,
      %parallel_loop3A_225 = vector.shape_cast %parallel_loop3A_224 : vector<1x16xf32> to vector<16xf32>
      %parallel_loop3A_226 = vector.shape_cast %parallel_loop3A_221 : vector<16xf32> to vector<1x16xf32>
      tpu.vector_store %arg8[%parallel_loop3A_222, %parallel_loop3A_223], %parallel_loop3A_226 {strides = array<i32>} : memref<128x128xf32, #tpu.memory_space<vmem>>, vector<1x16xf32>,
      %parallel_loop3A_227 = arith.index_cast %parallel_loop3A_199 : i32 to index
      %parallel_loop3A_228 = arith.constant 32 : index
      %parallel_loop3A_229 = tpu.vector_load %arg8[%parallel_loop3A_227, %parallel_loop3A_228] {strides = array<i32>} : memref<128x128xf32, #tpu.memory_space<vmem>>, vector<1x16xf32>,
      %parallel_loop3A_230 = vector.shape_cast %parallel_loop3A_229 : vector<1x16xf32> to vector<16xf32>
      %parallel_loop3A_231 = arith.addf %parallel_loop3A_230, %convert_element_type3A : vector<16xf32>
      %parallel_loop3A_232 = arith.index_cast %parallel_loop3A_199 : i32 to index
      %parallel_loop3A_233 = arith.constant 32 : index
      %parallel_loop3A_234 = tpu.vector_load %arg8[%parallel_loop3A_232, %parallel_loop3A_233] {strides = array<i32>} : memref<128x128xf32, #tpu.memory_space<vmem>>, vector<1x16xf32>,
      %parallel_loop3A_235 = vector.shape_cast %parallel_loop3A_234 : vector<1x16xf32> to vector<16xf32>
      %parallel_loop3A_236 = vector.shape_cast %parallel_loop3A_231 : vector<16xf32> to vector<1x16xf32>
      tpu.vector_store %arg8[%parallel_loop3A_232, %parallel_loop3A_233], %parallel_loop3A_236 {strides = array<i32>} : memref<128x128xf32, #tpu.memory_space<vmem>>, vector<1x16xf32>,
      %parallel_loop3A_237 = arith.index_cast %parallel_loop3A_199 : i32 to index
      %parallel_loop3A_238 = arith.constant 48 : index
      %parallel_loop3A_239 = tpu.vector_load %arg8[%parallel_loop3A_237, %parallel_loop3A_238] {strides = array<i32>} : memref<128x128xf32, #tpu.memory_space<vmem>>, vector<1x16xf32>,
      %parallel_loop3A_240 = vector.shape_cast %parallel_loop3A_239 : vector<1x16xf32> to vector<16xf32>
      %parallel_loop3A_241 = arith.addf %parallel_loop3A_240, %convert_element_type3A : vector<16xf32>
      %parallel_loop3A_242 = arith.index_cast %parallel_loop3A_199 : i32 to index
      %parallel_loop3A_243 = arith.constant 48 : index
      %parallel_loop3A_244 = tpu.vector_load %arg8[%parallel_loop3A_242, %parallel_loop3A_243] {strides = array<i32>} : memref<128x128xf32, #tpu.memory_space<vmem>>, vector<1x16xf32>,
      %parallel_loop3A_245 = vector.shape_cast %parallel_loop3A_244 : vector<1x16xf32> to vector<16xf32>
      %parallel_loop3A_246 = vector.shape_cast %parallel_loop3A_241 : vector<16xf32> to vector<1x16xf32>
      tpu.vector_store %arg8[%parallel_loop3A_242, %parallel_loop3A_243], %parallel_loop3A_246 {strides = array<i32>} : memref<128x128xf32, #tpu.memory_space<vmem>>, vector<1x16xf32>,
      %parallel_loop3A_247 = arith.index_cast %parallel_loop3A_199 : i32 to index
      %parallel_loop3A_248 = arith.constant 64 : index
      %parallel_loop3A_249 = tpu.vector_load %arg8[%parallel_loop3A_247, %parallel_loop3A_248] {strides = array<i32>} : memref<128x128xf32, #tpu.memory_space<vmem>>, vector<1x16xf32>,
      %parallel_loop3A_250 = vector.shape_cast %parallel_loop3A_249 : vector<1x16xf32> to vector<16xf32>
      %parallel_loop3A_251 = arith.addf %parallel_loop3A_250, %convert_element_type3A : vector<16xf32>
      %parallel_loop3A_252 = arith.index_cast %parallel_loop3A_199 : i32 to index
      %parallel_loop3A_253 = arith.constant 64 : index
      %parallel_loop3A_254 = tpu.vector_load %arg8[%parallel_loop3A_252, %parallel_loop3A_253] {strides = array<i32>} : memref<128x128xf32, #tpu.memory_space<vmem>>, vector<1x16xf32>,
      %parallel_loop3A_255 = vector.shape_cast %parallel_loop3A_254 : vector<1x16xf32> to vector<16xf32>
      %parallel_loop3A_256 = vector.shape_cast %parallel_loop3A_251 : vector<16xf32> to vector<1x16xf32>
      tpu.vector_store %arg8[%parallel_loop3A_252, %parallel_loop3A_253], %parallel_loop3A_256 {strides = array<i32>} : memref<128x128xf32, #tpu.memory_space<vmem>>, vector<1x16xf32>,
      %parallel_loop3A_257 = arith.index_cast %parallel_loop3A_199 : i32 to index
      %parallel_loop3A_258 = arith.constant 80 : index
      %parallel_loop3A_259 = tpu.vector_load %arg8[%parallel_loop3A_257, %parallel_loop3A_258] {strides = array<i32>} : memref<128x128xf32, #tpu.memory_space<vmem>>, vector<1x16xf32>,
      %parallel_loop3A_260 = vector.shape_cast %parallel_loop3A_259 : vector<1x16xf32> to vector<16xf32>
      %parallel_loop3A_261 = arith.addf %parallel_loop3A_260, %convert_element_type3A : vector<16xf32>
      %parallel_loop3A_262 = arith.index_cast %parallel_loop3A_199 : i32 to index
      %parallel_loop3A_263 = arith.constant 80 : index
      %parallel_loop3A_264 = tpu.vector_load %arg8[%parallel_loop3A_262, %parallel_loop3A_263] {strides = array<i32>} : memref<128x128xf32, #tpu.memory_space<vmem>>, vector<1x16xf32>,
      %parallel_loop3A_265 = vector.shape_cast %parallel_loop3A_264 : vector<1x16xf32> to vector<16xf32>
      %parallel_loop3A_266 = vector.shape_cast %parallel_loop3A_261 : vector<16xf32> to vector<1x16xf32>
      tpu.vector_store %arg8[%parallel_loop3A_262, %parallel_loop3A_263], %parallel_loop3A_266 {strides = array<i32>} : memref<128x128xf32, #tpu.memory_space<vmem>>, vector<1x16xf32>,
      %parallel_loop3A_267 = arith.index_cast %parallel_loop3A_199 : i32 to index
      %parallel_loop3A_268 = arith.constant 96 : index
      %parallel_loop3A_269 = tpu.vector_load %arg8[%parallel_loop3A_267, %parallel_loop3A_268] {strides = array<i32>} : memref<128x128xf32, #tpu.memory_space<vmem>>, vector<1x16xf32>,
      %parallel_loop3A_270 = vector.shape_cast %parallel_loop3A_269 : vector<1x16xf32> to vector<16xf32>
      %parallel_loop3A_271 = arith.addf %parallel_loop3A_270, %convert_element_type3A : vector<16xf32>
      %parallel_loop3A_272 = arith.index_cast %parallel_loop3A_199 : i32 to index
      %parallel_loop3A_273 = arith.constant 96 : index
      %parallel_loop3A_274 = tpu.vector_load %arg8[%parallel_loop3A_272, %parallel_loop3A_273] {strides = array<i32>} : memref<128x128xf32, #tpu.memory_space<vmem>>, vector<1x16xf32>,
      %parallel_loop3A_275 = vector.shape_cast %parallel_loop3A_274 : vector<1x16xf32> to vector<16xf32>
      %parallel_loop3A_276 = vector.shape_cast %parallel_loop3A_271 : vector<16xf32> to vector<1x16xf32>
      tpu.vector_store %arg8[%parallel_loop3A_272, %parallel_loop3A_273], %parallel_loop3A_276 {strides = array<i32>} : memref<128x128xf32, #tpu.memory_space<vmem>>, vector<1x16xf32>,
      %parallel_loop3A_277 = arith.index_cast %parallel_loop3A_199 : i32 to index
      %parallel_loop3A_278 = arith.constant 112 : index
      %parallel_loop3A_279 = tpu.vector_load %arg8[%parallel_loop3A_277, %parallel_loop3A_278] {strides = array<i32>} : memref<128x128xf32, #tpu.memory_space<vmem>>, vector<1x16xf32>,
      %parallel_loop3A_280 = vector.shape_cast %parallel_loop3A_279 : vector<1x16xf32> to vector<16xf32>
      %parallel_loop3A_281 = arith.addf %parallel_loop3A_280, %convert_element_type3A : vector<16xf32>
      %parallel_loop3A_282 = arith.index_cast %parallel_loop3A_199 : i32 to index
      %parallel_loop3A_283 = arith.constant 112 : index
      %parallel_loop3A_284 = tpu.vector_load %arg8[%parallel_loop3A_282, %parallel_loop3A_283] {strides = array<i32>} : memref<128x128xf32, #tpu.memory_space<vmem>>, vector<1x16xf32>,
      %parallel_loop3A_285 = vector.shape_cast %parallel_loop3A_284 : vector<1x16xf32> to vector<16xf32>
      %parallel_loop3A_286 = vector.shape_cast %parallel_loop3A_281 : vector<16xf32> to vector<1x16xf32>
      tpu.vector_store %arg8[%parallel_loop3A_282, %parallel_loop3A_283], %parallel_loop3A_286 {strides = array<i32>} : memref<128x128xf32, #tpu.memory_space<vmem>>, vector<1x16xf32>,
    } {sc.loop_unroll_factor = 4 : i64, sc.parallel_access}
    %add3A_135 = arith.constant 512 : i32
    %add3A_136 = arith.addi %multiple_of3A, %add3A_135 : i32
    %dma_start3A_137 = arith.constant 0 : i32
    %dma_start3A_138 = tpu.memref_slice %arg5[%add3A_136, %dma_start3A_137] : memref<32768x128xf32, #tpu.memory_space<hbm>> -> memref<128x128xf32, #tpu.memory_space<hbm>>
    %dma_start3A_139 = arith.constant 0 : i32
    %dma_start3A_140 = tpu.memref_slice %arg5[%add3A_136, %dma_start3A_139] : memref<32768x128xf32, #tpu.memory_space<hbm>> -> memref<128x128xf32, #tpu.memory_space<hbm>>
    tpu.enqueue_dma source(%arg8 : memref<128x128xf32, #tpu.memory_space<vmem>>) target(%dma_start3A_140 : memref<128x128xf32, #tpu.memory_space<hbm>>) target_semaphore(%arg13 : memref<!tpu.dma_semaphore, #tpu.memory_space<semaphore_mem>>)
    %dma_wait3A_141 = arith.constant 640 : i32
    %dma_wait3A_142 = tpu.memref_slice %arg6[%dma_wait3A_141] : memref<1024xi32, #tpu.memory_space<vmem>> -> memref<128xi32, #tpu.memory_space<vmem>>
    %dma_wait3A_143 = arith.constant 0 : i32
    %dma_wait3A_144 = arith.constant 0 : i32
    %dma_wait3A_145 = tpu.memref_slice %arg3[%dma_wait3A_143, %dma_wait3A_144] : memref<100000x128xf32, #tpu.memory_space<hbm>> -> memref<100000x128xf32, #tpu.memory_space<hbm>>
    tpu.wait_indirect_dma semaphore(%arg12 : memref<!tpu.dma_semaphore, #tpu.memory_space<semaphore_mem>>) src(%dma_wait3A_145 : memref<100000x128xf32, #tpu.memory_space<hbm>>) dst(%arg9 : memref<128x128xf32, #tpu.memory_space<vmem>>)
    %parallel_loop3A_146 = arith.constant 0 : i32
    %parallel_loop3A_147 = arith.constant 128 : i32
    %parallel_loop3A_148 = arith.constant 1 : i32
    scf.for %parallel_loop3A_199 = %parallel_loop3A_146 to %parallel_loop3A_147 step %parallel_loop3A_148  : i32 {
      %parallel_loop3A_200 = arith.index_cast %parallel_loop3A_199 : i32 to index
      %parallel_loop3A_201 = arith.constant 0 : index
      %parallel_loop3A_202 = tpu.vector_load %arg9[%parallel_loop3A_200, %parallel_loop3A_201] {strides = array<i32>} : memref<128x128xf32, #tpu.memory_space<vmem>>, vector<1x16xf32>,
      %parallel_loop3A_203 = vector.shape_cast %parallel_loop3A_202 : vector<1x16xf32> to vector<16xf32>
      %parallel_loop3A_204 = arith.constant 640 : i32
      %parallel_loop3A_205 = arith.addi %parallel_loop3A_204, %parallel_loop3A_199 : i32
      %parallel_loop3A_206 = arith.constant 16 : i32
      %parallel_loop3A_207 = arith.muli %parallel_loop3A_205, %parallel_loop3A_206 : i32
      %parallel_loop3A_208 = arith.index_cast %parallel_loop3A_207 : i32 to index
      %parallel_loop3A_209 = tpu.vector_load %arg7[%parallel_loop3A_208] {strides = array<i32>} : memref<16384xf32, #tpu.memory_space<vmem>>, vector<16xf32>,
      %parallel_loop3A_210 = vector.shape_cast %parallel_loop3A_209 : vector<16xf32> to vector<16xf32>
      %parallel_loop3A_211 = arith.addf %parallel_loop3A_203, %parallel_loop3A_210 : vector<16xf32>
      %parallel_loop3A_212 = arith.index_cast %parallel_loop3A_199 : i32 to index
      %parallel_loop3A_213 = arith.constant 0 : index
      %parallel_loop3A_214 = tpu.vector_load %arg9[%parallel_loop3A_212, %parallel_loop3A_213] {strides = array<i32>} : memref<128x128xf32, #tpu.memory_space<vmem>>, vector<1x16xf32>,
      %parallel_loop3A_215 = vector.shape_cast %parallel_loop3A_214 : vector<1x16xf32> to vector<16xf32>
      %parallel_loop3A_216 = vector.shape_cast %parallel_loop3A_211 : vector<16xf32> to vector<1x16xf32>
      tpu.vector_store %arg9[%parallel_loop3A_212, %parallel_loop3A_213], %parallel_loop3A_216 {strides = array<i32>} : memref<128x128xf32, #tpu.memory_space<vmem>>, vector<1x16xf32>,
      %parallel_loop3A_217 = arith.index_cast %parallel_loop3A_199 : i32 to index
      %parallel_loop3A_218 = arith.constant 16 : index
      %parallel_loop3A_219 = tpu.vector_load %arg9[%parallel_loop3A_217, %parallel_loop3A_218] {strides = array<i32>} : memref<128x128xf32, #tpu.memory_space<vmem>>, vector<1x16xf32>,
      %parallel_loop3A_220 = vector.shape_cast %parallel_loop3A_219 : vector<1x16xf32> to vector<16xf32>
      %parallel_loop3A_221 = arith.addf %parallel_loop3A_220, %convert_element_type3A : vector<16xf32>
      %parallel_loop3A_222 = arith.index_cast %parallel_loop3A_199 : i32 to index
      %parallel_loop3A_223 = arith.constant 16 : index
      %parallel_loop3A_224 = tpu.vector_load %arg9[%parallel_loop3A_222, %parallel_loop3A_223] {strides = array<i32>} : memref<128x128xf32, #tpu.memory_space<vmem>>, vector<1x16xf32>,
      %parallel_loop3A_225 = vector.shape_cast %parallel_loop3A_224 : vector<1x16xf32> to vector<16xf32>
      %parallel_loop3A_226 = vector.shape_cast %parallel_loop3A_221 : vector<16xf32> to vector<1x16xf32>
      tpu.vector_store %arg9[%parallel_loop3A_222, %parallel_loop3A_223], %parallel_loop3A_226 {strides = array<i32>} : memref<128x128xf32, #tpu.memory_space<vmem>>, vector<1x16xf32>,
      %parallel_loop3A_227 = arith.index_cast %parallel_loop3A_199 : i32 to index
      %parallel_loop3A_228 = arith.constant 32 : index
      %parallel_loop3A_229 = tpu.vector_load %arg9[%parallel_loop3A_227, %parallel_loop3A_228] {strides = array<i32>} : memref<128x128xf32, #tpu.memory_space<vmem>>, vector<1x16xf32>,
      %parallel_loop3A_230 = vector.shape_cast %parallel_loop3A_229 : vector<1x16xf32> to vector<16xf32>
      %parallel_loop3A_231 = arith.addf %parallel_loop3A_230, %convert_element_type3A : vector<16xf32>
      %parallel_loop3A_232 = arith.index_cast %parallel_loop3A_199 : i32 to index
      %parallel_loop3A_233 = arith.constant 32 : index
      %parallel_loop3A_234 = tpu.vector_load %arg9[%parallel_loop3A_232, %parallel_loop3A_233] {strides = array<i32>} : memref<128x128xf32, #tpu.memory_space<vmem>>, vector<1x16xf32>,
      %parallel_loop3A_235 = vector.shape_cast %parallel_loop3A_234 : vector<1x16xf32> to vector<16xf32>
      %parallel_loop3A_236 = vector.shape_cast %parallel_loop3A_231 : vector<16xf32> to vector<1x16xf32>
      tpu.vector_store %arg9[%parallel_loop3A_232, %parallel_loop3A_233], %parallel_loop3A_236 {strides = array<i32>} : memref<128x128xf32, #tpu.memory_space<vmem>>, vector<1x16xf32>,
      %parallel_loop3A_237 = arith.index_cast %parallel_loop3A_199 : i32 to index
      %parallel_loop3A_238 = arith.constant 48 : index
      %parallel_loop3A_239 = tpu.vector_load %arg9[%parallel_loop3A_237, %parallel_loop3A_238] {strides = array<i32>} : memref<128x128xf32, #tpu.memory_space<vmem>>, vector<1x16xf32>,
      %parallel_loop3A_240 = vector.shape_cast %parallel_loop3A_239 : vector<1x16xf32> to vector<16xf32>
      %parallel_loop3A_241 = arith.addf %parallel_loop3A_240, %convert_element_type3A : vector<16xf32>
      %parallel_loop3A_242 = arith.index_cast %parallel_loop3A_199 : i32 to index
      %parallel_loop3A_243 = arith.constant 48 : index
      %parallel_loop3A_244 = tpu.vector_load %arg9[%parallel_loop3A_242, %parallel_loop3A_243] {strides = array<i32>} : memref<128x128xf32, #tpu.memory_space<vmem>>, vector<1x16xf32>,
      %parallel_loop3A_245 = vector.shape_cast %parallel_loop3A_244 : vector<1x16xf32> to vector<16xf32>
      %parallel_loop3A_246 = vector.shape_cast %parallel_loop3A_241 : vector<16xf32> to vector<1x16xf32>
      tpu.vector_store %arg9[%parallel_loop3A_242, %parallel_loop3A_243], %parallel_loop3A_246 {strides = array<i32>} : memref<128x128xf32, #tpu.memory_space<vmem>>, vector<1x16xf32>,
      %parallel_loop3A_247 = arith.index_cast %parallel_loop3A_199 : i32 to index
      %parallel_loop3A_248 = arith.constant 64 : index
      %parallel_loop3A_249 = tpu.vector_load %arg9[%parallel_loop3A_247, %parallel_loop3A_248] {strides = array<i32>} : memref<128x128xf32, #tpu.memory_space<vmem>>, vector<1x16xf32>,
      %parallel_loop3A_250 = vector.shape_cast %parallel_loop3A_249 : vector<1x16xf32> to vector<16xf32>
      %parallel_loop3A_251 = arith.addf %parallel_loop3A_250, %convert_element_type3A : vector<16xf32>
      %parallel_loop3A_252 = arith.index_cast %parallel_loop3A_199 : i32 to index
      %parallel_loop3A_253 = arith.constant 64 : index
      %parallel_loop3A_254 = tpu.vector_load %arg9[%parallel_loop3A_252, %parallel_loop3A_253] {strides = array<i32>} : memref<128x128xf32, #tpu.memory_space<vmem>>, vector<1x16xf32>,
      %parallel_loop3A_255 = vector.shape_cast %parallel_loop3A_254 : vector<1x16xf32> to vector<16xf32>
      %parallel_loop3A_256 = vector.shape_cast %parallel_loop3A_251 : vector<16xf32> to vector<1x16xf32>
      tpu.vector_store %arg9[%parallel_loop3A_252, %parallel_loop3A_253], %parallel_loop3A_256 {strides = array<i32>} : memref<128x128xf32, #tpu.memory_space<vmem>>, vector<1x16xf32>,
      %parallel_loop3A_257 = arith.index_cast %parallel_loop3A_199 : i32 to index
      %parallel_loop3A_258 = arith.constant 80 : index
      %parallel_loop3A_259 = tpu.vector_load %arg9[%parallel_loop3A_257, %parallel_loop3A_258] {strides = array<i32>} : memref<128x128xf32, #tpu.memory_space<vmem>>, vector<1x16xf32>,
      %parallel_loop3A_260 = vector.shape_cast %parallel_loop3A_259 : vector<1x16xf32> to vector<16xf32>
      %parallel_loop3A_261 = arith.addf %parallel_loop3A_260, %convert_element_type3A : vector<16xf32>
      %parallel_loop3A_262 = arith.index_cast %parallel_loop3A_199 : i32 to index
      %parallel_loop3A_263 = arith.constant 80 : index
      %parallel_loop3A_264 = tpu.vector_load %arg9[%parallel_loop3A_262, %parallel_loop3A_263] {strides = array<i32>} : memref<128x128xf32, #tpu.memory_space<vmem>>, vector<1x16xf32>,
      %parallel_loop3A_265 = vector.shape_cast %parallel_loop3A_264 : vector<1x16xf32> to vector<16xf32>
      %parallel_loop3A_266 = vector.shape_cast %parallel_loop3A_261 : vector<16xf32> to vector<1x16xf32>
      tpu.vector_store %arg9[%parallel_loop3A_262, %parallel_loop3A_263], %parallel_loop3A_266 {strides = array<i32>} : memref<128x128xf32, #tpu.memory_space<vmem>>, vector<1x16xf32>,
      %parallel_loop3A_267 = arith.index_cast %parallel_loop3A_199 : i32 to index
      %parallel_loop3A_268 = arith.constant 96 : index
      %parallel_loop3A_269 = tpu.vector_load %arg9[%parallel_loop3A_267, %parallel_loop3A_268] {strides = array<i32>} : memref<128x128xf32, #tpu.memory_space<vmem>>, vector<1x16xf32>,
      %parallel_loop3A_270 = vector.shape_cast %parallel_loop3A_269 : vector<1x16xf32> to vector<16xf32>
      %parallel_loop3A_271 = arith.addf %parallel_loop3A_270, %convert_element_type3A : vector<16xf32>
      %parallel_loop3A_272 = arith.index_cast %parallel_loop3A_199 : i32 to index
      %parallel_loop3A_273 = arith.constant 96 : index
      %parallel_loop3A_274 = tpu.vector_load %arg9[%parallel_loop3A_272, %parallel_loop3A_273] {strides = array<i32>} : memref<128x128xf32, #tpu.memory_space<vmem>>, vector<1x16xf32>,
      %parallel_loop3A_275 = vector.shape_cast %parallel_loop3A_274 : vector<1x16xf32> to vector<16xf32>
      %parallel_loop3A_276 = vector.shape_cast %parallel_loop3A_271 : vector<16xf32> to vector<1x16xf32>
      tpu.vector_store %arg9[%parallel_loop3A_272, %parallel_loop3A_273], %parallel_loop3A_276 {strides = array<i32>} : memref<128x128xf32, #tpu.memory_space<vmem>>, vector<1x16xf32>,
      %parallel_loop3A_277 = arith.index_cast %parallel_loop3A_199 : i32 to index
      %parallel_loop3A_278 = arith.constant 112 : index
      %parallel_loop3A_279 = tpu.vector_load %arg9[%parallel_loop3A_277, %parallel_loop3A_278] {strides = array<i32>} : memref<128x128xf32, #tpu.memory_space<vmem>>, vector<1x16xf32>,
      %parallel_loop3A_280 = vector.shape_cast %parallel_loop3A_279 : vector<1x16xf32> to vector<16xf32>
      %parallel_loop3A_281 = arith.addf %parallel_loop3A_280, %convert_element_type3A : vector<16xf32>
      %parallel_loop3A_282 = arith.index_cast %parallel_loop3A_199 : i32 to index
      %parallel_loop3A_283 = arith.constant 112 : index
      %parallel_loop3A_284 = tpu.vector_load %arg9[%parallel_loop3A_282, %parallel_loop3A_283] {strides = array<i32>} : memref<128x128xf32, #tpu.memory_space<vmem>>, vector<1x16xf32>,
      %parallel_loop3A_285 = vector.shape_cast %parallel_loop3A_284 : vector<1x16xf32> to vector<16xf32>
      %parallel_loop3A_286 = vector.shape_cast %parallel_loop3A_281 : vector<16xf32> to vector<1x16xf32>
      tpu.vector_store %arg9[%parallel_loop3A_282, %parallel_loop3A_283], %parallel_loop3A_286 {strides = array<i32>} : memref<128x128xf32, #tpu.memory_space<vmem>>, vector<1x16xf32>,
    } {sc.loop_unroll_factor = 4 : i64, sc.parallel_access}
    %add3A_149 = arith.constant 640 : i32
    %add3A_150 = arith.addi %multiple_of3A, %add3A_149 : i32
    %dma_start3A_151 = arith.constant 0 : i32
    %dma_start3A_152 = tpu.memref_slice %arg5[%add3A_150, %dma_start3A_151] : memref<32768x128xf32, #tpu.memory_space<hbm>> -> memref<128x128xf32, #tpu.memory_space<hbm>>
    %dma_start3A_153 = arith.constant 0 : i32
    %dma_start3A_154 = tpu.memref_slice %arg5[%add3A_150, %dma_start3A_153] : memref<32768x128xf32, #tpu.memory_space<hbm>> -> memref<128x128xf32, #tpu.memory_space<hbm>>
    tpu.enqueue_dma source(%arg9 : memref<128x128xf32, #tpu.memory_space<vmem>>) target(%dma_start3A_154 : memref<128x128xf32, #tpu.memory_space<hbm>>) target_semaphore(%arg13 : memref<!tpu.dma_semaphore, #tpu.memory_space<semaphore_mem>>)
    %dma_wait3A_155 = arith.constant 768 : i32
    %dma_wait3A_156 = tpu.memref_slice %arg6[%dma_wait3A_155] : memref<1024xi32, #tpu.memory_space<vmem>> -> memref<128xi32, #tpu.memory_space<vmem>>
    %dma_wait3A_157 = arith.constant 0 : i32
    %dma_wait3A_158 = arith.constant 0 : i32
    %dma_wait3A_159 = tpu.memref_slice %arg3[%dma_wait3A_157, %dma_wait3A_158] : memref<100000x128xf32, #tpu.memory_space<hbm>> -> memref<100000x128xf32, #tpu.memory_space<hbm>>
    tpu.wait_indirect_dma semaphore(%arg12 : memref<!tpu.dma_semaphore, #tpu.memory_space<semaphore_mem>>) src(%dma_wait3A_159 : memref<100000x128xf32, #tpu.memory_space<hbm>>) dst(%arg10 : memref<128x128xf32, #tpu.memory_space<vmem>>)
    %parallel_loop3A_160 = arith.constant 0 : i32
    %parallel_loop3A_161 = arith.constant 128 : i32
    %parallel_loop3A_162 = arith.constant 1 : i32
    scf.for %parallel_loop3A_199 = %parallel_loop3A_160 to %parallel_loop3A_161 step %parallel_loop3A_162  : i32 {
      %parallel_loop3A_200 = arith.index_cast %parallel_loop3A_199 : i32 to index
      %parallel_loop3A_201 = arith.constant 0 : index
      %parallel_loop3A_202 = tpu.vector_load %arg10[%parallel_loop3A_200, %parallel_loop3A_201] {strides = array<i32>} : memref<128x128xf32, #tpu.memory_space<vmem>>, vector<1x16xf32>,
      %parallel_loop3A_203 = vector.shape_cast %parallel_loop3A_202 : vector<1x16xf32> to vector<16xf32>
      %parallel_loop3A_204 = arith.constant 768 : i32
      %parallel_loop3A_205 = arith.addi %parallel_loop3A_204, %parallel_loop3A_199 : i32
      %parallel_loop3A_206 = arith.constant 16 : i32
      %parallel_loop3A_207 = arith.muli %parallel_loop3A_205, %parallel_loop3A_206 : i32
      %parallel_loop3A_208 = arith.index_cast %parallel_loop3A_207 : i32 to index
      %parallel_loop3A_209 = tpu.vector_load %arg7[%parallel_loop3A_208] {strides = array<i32>} : memref<16384xf32, #tpu.memory_space<vmem>>, vector<16xf32>,
      %parallel_loop3A_210 = vector.shape_cast %parallel_loop3A_209 : vector<16xf32> to vector<16xf32>
      %parallel_loop3A_211 = arith.addf %parallel_loop3A_203, %parallel_loop3A_210 : vector<16xf32>
      %parallel_loop3A_212 = arith.index_cast %parallel_loop3A_199 : i32 to index
      %parallel_loop3A_213 = arith.constant 0 : index
      %parallel_loop3A_214 = tpu.vector_load %arg10[%parallel_loop3A_212, %parallel_loop3A_213] {strides = array<i32>} : memref<128x128xf32, #tpu.memory_space<vmem>>, vector<1x16xf32>,
      %parallel_loop3A_215 = vector.shape_cast %parallel_loop3A_214 : vector<1x16xf32> to vector<16xf32>
      %parallel_loop3A_216 = vector.shape_cast %parallel_loop3A_211 : vector<16xf32> to vector<1x16xf32>
      tpu.vector_store %arg10[%parallel_loop3A_212, %parallel_loop3A_213], %parallel_loop3A_216 {strides = array<i32>} : memref<128x128xf32, #tpu.memory_space<vmem>>, vector<1x16xf32>,
      %parallel_loop3A_217 = arith.index_cast %parallel_loop3A_199 : i32 to index
      %parallel_loop3A_218 = arith.constant 16 : index
      %parallel_loop3A_219 = tpu.vector_load %arg10[%parallel_loop3A_217, %parallel_loop3A_218] {strides = array<i32>} : memref<128x128xf32, #tpu.memory_space<vmem>>, vector<1x16xf32>,
      %parallel_loop3A_220 = vector.shape_cast %parallel_loop3A_219 : vector<1x16xf32> to vector<16xf32>
      %parallel_loop3A_221 = arith.addf %parallel_loop3A_220, %convert_element_type3A : vector<16xf32>
      %parallel_loop3A_222 = arith.index_cast %parallel_loop3A_199 : i32 to index
      %parallel_loop3A_223 = arith.constant 16 : index
      %parallel_loop3A_224 = tpu.vector_load %arg10[%parallel_loop3A_222, %parallel_loop3A_223] {strides = array<i32>} : memref<128x128xf32, #tpu.memory_space<vmem>>, vector<1x16xf32>,
      %parallel_loop3A_225 = vector.shape_cast %parallel_loop3A_224 : vector<1x16xf32> to vector<16xf32>
      %parallel_loop3A_226 = vector.shape_cast %parallel_loop3A_221 : vector<16xf32> to vector<1x16xf32>
      tpu.vector_store %arg10[%parallel_loop3A_222, %parallel_loop3A_223], %parallel_loop3A_226 {strides = array<i32>} : memref<128x128xf32, #tpu.memory_space<vmem>>, vector<1x16xf32>,
      %parallel_loop3A_227 = arith.index_cast %parallel_loop3A_199 : i32 to index
      %parallel_loop3A_228 = arith.constant 32 : index
      %parallel_loop3A_229 = tpu.vector_load %arg10[%parallel_loop3A_227, %parallel_loop3A_228] {strides = array<i32>} : memref<128x128xf32, #tpu.memory_space<vmem>>, vector<1x16xf32>,
      %parallel_loop3A_230 = vector.shape_cast %parallel_loop3A_229 : vector<1x16xf32> to vector<16xf32>
      %parallel_loop3A_231 = arith.addf %parallel_loop3A_230, %convert_element_type3A : vector<16xf32>
      %parallel_loop3A_232 = arith.index_cast %parallel_loop3A_199 : i32 to index
      %parallel_loop3A_233 = arith.constant 32 : index
      %parallel_loop3A_234 = tpu.vector_load %arg10[%parallel_loop3A_232, %parallel_loop3A_233] {strides = array<i32>} : memref<128x128xf32, #tpu.memory_space<vmem>>, vector<1x16xf32>,
      %parallel_loop3A_235 = vector.shape_cast %parallel_loop3A_234 : vector<1x16xf32> to vector<16xf32>
      %parallel_loop3A_236 = vector.shape_cast %parallel_loop3A_231 : vector<16xf32> to vector<1x16xf32>
      tpu.vector_store %arg10[%parallel_loop3A_232, %parallel_loop3A_233], %parallel_loop3A_236 {strides = array<i32>} : memref<128x128xf32, #tpu.memory_space<vmem>>, vector<1x16xf32>,
      %parallel_loop3A_237 = arith.index_cast %parallel_loop3A_199 : i32 to index
      %parallel_loop3A_238 = arith.constant 48 : index
      %parallel_loop3A_239 = tpu.vector_load %arg10[%parallel_loop3A_237, %parallel_loop3A_238] {strides = array<i32>} : memref<128x128xf32, #tpu.memory_space<vmem>>, vector<1x16xf32>,
      %parallel_loop3A_240 = vector.shape_cast %parallel_loop3A_239 : vector<1x16xf32> to vector<16xf32>
      %parallel_loop3A_241 = arith.addf %parallel_loop3A_240, %convert_element_type3A : vector<16xf32>
      %parallel_loop3A_242 = arith.index_cast %parallel_loop3A_199 : i32 to index
      %parallel_loop3A_243 = arith.constant 48 : index
      %parallel_loop3A_244 = tpu.vector_load %arg10[%parallel_loop3A_242, %parallel_loop3A_243] {strides = array<i32>} : memref<128x128xf32, #tpu.memory_space<vmem>>, vector<1x16xf32>,
      %parallel_loop3A_245 = vector.shape_cast %parallel_loop3A_244 : vector<1x16xf32> to vector<16xf32>
      %parallel_loop3A_246 = vector.shape_cast %parallel_loop3A_241 : vector<16xf32> to vector<1x16xf32>
      tpu.vector_store %arg10[%parallel_loop3A_242, %parallel_loop3A_243], %parallel_loop3A_246 {strides = array<i32>} : memref<128x128xf32, #tpu.memory_space<vmem>>, vector<1x16xf32>,
      %parallel_loop3A_247 = arith.index_cast %parallel_loop3A_199 : i32 to index
      %parallel_loop3A_248 = arith.constant 64 : index
      %parallel_loop3A_249 = tpu.vector_load %arg10[%parallel_loop3A_247, %parallel_loop3A_248] {strides = array<i32>} : memref<128x128xf32, #tpu.memory_space<vmem>>, vector<1x16xf32>,
      %parallel_loop3A_250 = vector.shape_cast %parallel_loop3A_249 : vector<1x16xf32> to vector<16xf32>
      %parallel_loop3A_251 = arith.addf %parallel_loop3A_250, %convert_element_type3A : vector<16xf32>
      %parallel_loop3A_252 = arith.index_cast %parallel_loop3A_199 : i32 to index
      %parallel_loop3A_253 = arith.constant 64 : index
      %parallel_loop3A_254 = tpu.vector_load %arg10[%parallel_loop3A_252, %parallel_loop3A_253] {strides = array<i32>} : memref<128x128xf32, #tpu.memory_space<vmem>>, vector<1x16xf32>,
      %parallel_loop3A_255 = vector.shape_cast %parallel_loop3A_254 : vector<1x16xf32> to vector<16xf32>
      %parallel_loop3A_256 = vector.shape_cast %parallel_loop3A_251 : vector<16xf32> to vector<1x16xf32>
      tpu.vector_store %arg10[%parallel_loop3A_252, %parallel_loop3A_253], %parallel_loop3A_256 {strides = array<i32>} : memref<128x128xf32, #tpu.memory_space<vmem>>, vector<1x16xf32>,
      %parallel_loop3A_257 = arith.index_cast %parallel_loop3A_199 : i32 to index
      %parallel_loop3A_258 = arith.constant 80 : index
      %parallel_loop3A_259 = tpu.vector_load %arg10[%parallel_loop3A_257, %parallel_loop3A_258] {strides = array<i32>} : memref<128x128xf32, #tpu.memory_space<vmem>>, vector<1x16xf32>,
      %parallel_loop3A_260 = vector.shape_cast %parallel_loop3A_259 : vector<1x16xf32> to vector<16xf32>
      %parallel_loop3A_261 = arith.addf %parallel_loop3A_260, %convert_element_type3A : vector<16xf32>
      %parallel_loop3A_262 = arith.index_cast %parallel_loop3A_199 : i32 to index
      %parallel_loop3A_263 = arith.constant 80 : index
      %parallel_loop3A_264 = tpu.vector_load %arg10[%parallel_loop3A_262, %parallel_loop3A_263] {strides = array<i32>} : memref<128x128xf32, #tpu.memory_space<vmem>>, vector<1x16xf32>,
      %parallel_loop3A_265 = vector.shape_cast %parallel_loop3A_264 : vector<1x16xf32> to vector<16xf32>
      %parallel_loop3A_266 = vector.shape_cast %parallel_loop3A_261 : vector<16xf32> to vector<1x16xf32>
      tpu.vector_store %arg10[%parallel_loop3A_262, %parallel_loop3A_263], %parallel_loop3A_266 {strides = array<i32>} : memref<128x128xf32, #tpu.memory_space<vmem>>, vector<1x16xf32>,
      %parallel_loop3A_267 = arith.index_cast %parallel_loop3A_199 : i32 to index
      %parallel_loop3A_268 = arith.constant 96 : index
      %parallel_loop3A_269 = tpu.vector_load %arg10[%parallel_loop3A_267, %parallel_loop3A_268] {strides = array<i32>} : memref<128x128xf32, #tpu.memory_space<vmem>>, vector<1x16xf32>,
      %parallel_loop3A_270 = vector.shape_cast %parallel_loop3A_269 : vector<1x16xf32> to vector<16xf32>
      %parallel_loop3A_271 = arith.addf %parallel_loop3A_270, %convert_element_type3A : vector<16xf32>
      %parallel_loop3A_272 = arith.index_cast %parallel_loop3A_199 : i32 to index
      %parallel_loop3A_273 = arith.constant 96 : index
      %parallel_loop3A_274 = tpu.vector_load %arg10[%parallel_loop3A_272, %parallel_loop3A_273] {strides = array<i32>} : memref<128x128xf32, #tpu.memory_space<vmem>>, vector<1x16xf32>,
      %parallel_loop3A_275 = vector.shape_cast %parallel_loop3A_274 : vector<1x16xf32> to vector<16xf32>
      %parallel_loop3A_276 = vector.shape_cast %parallel_loop3A_271 : vector<16xf32> to vector<1x16xf32>
      tpu.vector_store %arg10[%parallel_loop3A_272, %parallel_loop3A_273], %parallel_loop3A_276 {strides = array<i32>} : memref<128x128xf32, #tpu.memory_space<vmem>>, vector<1x16xf32>,
      %parallel_loop3A_277 = arith.index_cast %parallel_loop3A_199 : i32 to index
      %parallel_loop3A_278 = arith.constant 112 : index
      %parallel_loop3A_279 = tpu.vector_load %arg10[%parallel_loop3A_277, %parallel_loop3A_278] {strides = array<i32>} : memref<128x128xf32, #tpu.memory_space<vmem>>, vector<1x16xf32>,
      %parallel_loop3A_280 = vector.shape_cast %parallel_loop3A_279 : vector<1x16xf32> to vector<16xf32>
      %parallel_loop3A_281 = arith.addf %parallel_loop3A_280, %convert_element_type3A : vector<16xf32>
      %parallel_loop3A_282 = arith.index_cast %parallel_loop3A_199 : i32 to index
      %parallel_loop3A_283 = arith.constant 112 : index
      %parallel_loop3A_284 = tpu.vector_load %arg10[%parallel_loop3A_282, %parallel_loop3A_283] {strides = array<i32>} : memref<128x128xf32, #tpu.memory_space<vmem>>, vector<1x16xf32>,
      %parallel_loop3A_285 = vector.shape_cast %parallel_loop3A_284 : vector<1x16xf32> to vector<16xf32>
      %parallel_loop3A_286 = vector.shape_cast %parallel_loop3A_281 : vector<16xf32> to vector<1x16xf32>
      tpu.vector_store %arg10[%parallel_loop3A_282, %parallel_loop3A_283], %parallel_loop3A_286 {strides = array<i32>} : memref<128x128xf32, #tpu.memory_space<vmem>>, vector<1x16xf32>,
    } {sc.loop_unroll_factor = 4 : i64, sc.parallel_access}
    %add3A_163 = arith.constant 768 : i32
    %add3A_164 = arith.addi %multiple_of3A, %add3A_163 : i32
    %dma_start3A_165 = arith.constant 0 : i32
    %dma_start3A_166 = tpu.memref_slice %arg5[%add3A_164, %dma_start3A_165] : memref<32768x128xf32, #tpu.memory_space<hbm>> -> memref<128x128xf32, #tpu.memory_space<hbm>>
    %dma_start3A_167 = arith.constant 0 : i32
    %dma_start3A_168 = tpu.memref_slice %arg5[%add3A_164, %dma_start3A_167] : memref<32768x128xf32, #tpu.memory_space<hbm>> -> memref<128x128xf32, #tpu.memory_space<hbm>>
    tpu.enqueue_dma source(%arg10 : memref<128x128xf32, #tpu.memory_space<vmem>>) target(%dma_start3A_168 : memref<128x128xf32, #tpu.memory_space<hbm>>) target_semaphore(%arg13 : memref<!tpu.dma_semaphore, #tpu.memory_space<semaphore_mem>>)
    %dma_wait3A_169 = arith.constant 896 : i32
    %dma_wait3A_170 = tpu.memref_slice %arg6[%dma_wait3A_169] : memref<1024xi32, #tpu.memory_space<vmem>> -> memref<128xi32, #tpu.memory_space<vmem>>
    %dma_wait3A_171 = arith.constant 0 : i32
    %dma_wait3A_172 = arith.constant 0 : i32
    %dma_wait3A_173 = tpu.memref_slice %arg3[%dma_wait3A_171, %dma_wait3A_172] : memref<100000x128xf32, #tpu.memory_space<hbm>> -> memref<100000x128xf32, #tpu.memory_space<hbm>>
    tpu.wait_indirect_dma semaphore(%arg12 : memref<!tpu.dma_semaphore, #tpu.memory_space<semaphore_mem>>) src(%dma_wait3A_173 : memref<100000x128xf32, #tpu.memory_space<hbm>>) dst(%arg11 : memref<128x128xf32, #tpu.memory_space<vmem>>)
    %parallel_loop3A_174 = arith.constant 0 : i32
    %parallel_loop3A_175 = arith.constant 128 : i32
    %parallel_loop3A_176 = arith.constant 1 : i32
    scf.for %parallel_loop3A_199 = %parallel_loop3A_174 to %parallel_loop3A_175 step %parallel_loop3A_176  : i32 {
      %parallel_loop3A_200 = arith.index_cast %parallel_loop3A_199 : i32 to index
      %parallel_loop3A_201 = arith.constant 0 : index
      %parallel_loop3A_202 = tpu.vector_load %arg11[%parallel_loop3A_200, %parallel_loop3A_201] {strides = array<i32>} : memref<128x128xf32, #tpu.memory_space<vmem>>, vector<1x16xf32>,
      %parallel_loop3A_203 = vector.shape_cast %parallel_loop3A_202 : vector<1x16xf32> to vector<16xf32>
      %parallel_loop3A_204 = arith.constant 896 : i32
      %parallel_loop3A_205 = arith.addi %parallel_loop3A_204, %parallel_loop3A_199 : i32
      %parallel_loop3A_206 = arith.constant 16 : i32
      %parallel_loop3A_207 = arith.muli %parallel_loop3A_205, %parallel_loop3A_206 : i32
      %parallel_loop3A_208 = arith.index_cast %parallel_loop3A_207 : i32 to index
      %parallel_loop3A_209 = tpu.vector_load %arg7[%parallel_loop3A_208] {strides = array<i32>} : memref<16384xf32, #tpu.memory_space<vmem>>, vector<16xf32>,
      %parallel_loop3A_210 = vector.shape_cast %parallel_loop3A_209 : vector<16xf32> to vector<16xf32>
      %parallel_loop3A_211 = arith.addf %parallel_loop3A_203, %parallel_loop3A_210 : vector<16xf32>
      %parallel_loop3A_212 = arith.index_cast %parallel_loop3A_199 : i32 to index
      %parallel_loop3A_213 = arith.constant 0 : index
      %parallel_loop3A_214 = tpu.vector_load %arg11[%parallel_loop3A_212, %parallel_loop3A_213] {strides = array<i32>} : memref<128x128xf32, #tpu.memory_space<vmem>>, vector<1x16xf32>,
      %parallel_loop3A_215 = vector.shape_cast %parallel_loop3A_214 : vector<1x16xf32> to vector<16xf32>
      %parallel_loop3A_216 = vector.shape_cast %parallel_loop3A_211 : vector<16xf32> to vector<1x16xf32>
      tpu.vector_store %arg11[%parallel_loop3A_212, %parallel_loop3A_213], %parallel_loop3A_216 {strides = array<i32>} : memref<128x128xf32, #tpu.memory_space<vmem>>, vector<1x16xf32>,
      %parallel_loop3A_217 = arith.index_cast %parallel_loop3A_199 : i32 to index
      %parallel_loop3A_218 = arith.constant 16 : index
      %parallel_loop3A_219 = tpu.vector_load %arg11[%parallel_loop3A_217, %parallel_loop3A_218] {strides = array<i32>} : memref<128x128xf32, #tpu.memory_space<vmem>>, vector<1x16xf32>,
      %parallel_loop3A_220 = vector.shape_cast %parallel_loop3A_219 : vector<1x16xf32> to vector<16xf32>
      %parallel_loop3A_221 = arith.addf %parallel_loop3A_220, %convert_element_type3A : vector<16xf32>
      %parallel_loop3A_222 = arith.index_cast %parallel_loop3A_199 : i32 to index
      %parallel_loop3A_223 = arith.constant 16 : index
      %parallel_loop3A_224 = tpu.vector_load %arg11[%parallel_loop3A_222, %parallel_loop3A_223] {strides = array<i32>} : memref<128x128xf32, #tpu.memory_space<vmem>>, vector<1x16xf32>,
      %parallel_loop3A_225 = vector.shape_cast %parallel_loop3A_224 : vector<1x16xf32> to vector<16xf32>
      %parallel_loop3A_226 = vector.shape_cast %parallel_loop3A_221 : vector<16xf32> to vector<1x16xf32>
      tpu.vector_store %arg11[%parallel_loop3A_222, %parallel_loop3A_223], %parallel_loop3A_226 {strides = array<i32>} : memref<128x128xf32, #tpu.memory_space<vmem>>, vector<1x16xf32>,
      %parallel_loop3A_227 = arith.index_cast %parallel_loop3A_199 : i32 to index
      %parallel_loop3A_228 = arith.constant 32 : index
      %parallel_loop3A_229 = tpu.vector_load %arg11[%parallel_loop3A_227, %parallel_loop3A_228] {strides = array<i32>} : memref<128x128xf32, #tpu.memory_space<vmem>>, vector<1x16xf32>,
      %parallel_loop3A_230 = vector.shape_cast %parallel_loop3A_229 : vector<1x16xf32> to vector<16xf32>
      %parallel_loop3A_231 = arith.addf %parallel_loop3A_230, %convert_element_type3A : vector<16xf32>
      %parallel_loop3A_232 = arith.index_cast %parallel_loop3A_199 : i32 to index
      %parallel_loop3A_233 = arith.constant 32 : index
      %parallel_loop3A_234 = tpu.vector_load %arg11[%parallel_loop3A_232, %parallel_loop3A_233] {strides = array<i32>} : memref<128x128xf32, #tpu.memory_space<vmem>>, vector<1x16xf32>,
      %parallel_loop3A_235 = vector.shape_cast %parallel_loop3A_234 : vector<1x16xf32> to vector<16xf32>
      %parallel_loop3A_236 = vector.shape_cast %parallel_loop3A_231 : vector<16xf32> to vector<1x16xf32>
      tpu.vector_store %arg11[%parallel_loop3A_232, %parallel_loop3A_233], %parallel_loop3A_236 {strides = array<i32>} : memref<128x128xf32, #tpu.memory_space<vmem>>, vector<1x16xf32>,
      %parallel_loop3A_237 = arith.index_cast %parallel_loop3A_199 : i32 to index
      %parallel_loop3A_238 = arith.constant 48 : index
      %parallel_loop3A_239 = tpu.vector_load %arg11[%parallel_loop3A_237, %parallel_loop3A_238] {strides = array<i32>} : memref<128x128xf32, #tpu.memory_space<vmem>>, vector<1x16xf32>,
      %parallel_loop3A_240 = vector.shape_cast %parallel_loop3A_239 : vector<1x16xf32> to vector<16xf32>
      %parallel_loop3A_241 = arith.addf %parallel_loop3A_240, %convert_element_type3A : vector<16xf32>
      %parallel_loop3A_242 = arith.index_cast %parallel_loop3A_199 : i32 to index
      %parallel_loop3A_243 = arith.constant 48 : index
      %parallel_loop3A_244 = tpu.vector_load %arg11[%parallel_loop3A_242, %parallel_loop3A_243] {strides = array<i32>} : memref<128x128xf32, #tpu.memory_space<vmem>>, vector<1x16xf32>,
      %parallel_loop3A_245 = vector.shape_cast %parallel_loop3A_244 : vector<1x16xf32> to vector<16xf32>
      %parallel_loop3A_246 = vector.shape_cast %parallel_loop3A_241 : vector<16xf32> to vector<1x16xf32>
      tpu.vector_store %arg11[%parallel_loop3A_242, %parallel_loop3A_243], %parallel_loop3A_246 {strides = array<i32>} : memref<128x128xf32, #tpu.memory_space<vmem>>, vector<1x16xf32>,
      %parallel_loop3A_247 = arith.index_cast %parallel_loop3A_199 : i32 to index
      %parallel_loop3A_248 = arith.constant 64 : index
      %parallel_loop3A_249 = tpu.vector_load %arg11[%parallel_loop3A_247, %parallel_loop3A_248] {strides = array<i32>} : memref<128x128xf32, #tpu.memory_space<vmem>>, vector<1x16xf32>,
      %parallel_loop3A_250 = vector.shape_cast %parallel_loop3A_249 : vector<1x16xf32> to vector<16xf32>
      %parallel_loop3A_251 = arith.addf %parallel_loop3A_250, %convert_element_type3A : vector<16xf32>
      %parallel_loop3A_252 = arith.index_cast %parallel_loop3A_199 : i32 to index
      %parallel_loop3A_253 = arith.constant 64 : index
      %parallel_loop3A_254 = tpu.vector_load %arg11[%parallel_loop3A_252, %parallel_loop3A_253] {strides = array<i32>} : memref<128x128xf32, #tpu.memory_space<vmem>>, vector<1x16xf32>,
      %parallel_loop3A_255 = vector.shape_cast %parallel_loop3A_254 : vector<1x16xf32> to vector<16xf32>
      %parallel_loop3A_256 = vector.shape_cast %parallel_loop3A_251 : vector<16xf32> to vector<1x16xf32>
      tpu.vector_store %arg11[%parallel_loop3A_252, %parallel_loop3A_253], %parallel_loop3A_256 {strides = array<i32>} : memref<128x128xf32, #tpu.memory_space<vmem>>, vector<1x16xf32>,
      %parallel_loop3A_257 = arith.index_cast %parallel_loop3A_199 : i32 to index
      %parallel_loop3A_258 = arith.constant 80 : index
      %parallel_loop3A_259 = tpu.vector_load %arg11[%parallel_loop3A_257, %parallel_loop3A_258] {strides = array<i32>} : memref<128x128xf32, #tpu.memory_space<vmem>>, vector<1x16xf32>,
      %parallel_loop3A_260 = vector.shape_cast %parallel_loop3A_259 : vector<1x16xf32> to vector<16xf32>
      %parallel_loop3A_261 = arith.addf %parallel_loop3A_260, %convert_element_type3A : vector<16xf32>
      %parallel_loop3A_262 = arith.index_cast %parallel_loop3A_199 : i32 to index
      %parallel_loop3A_263 = arith.constant 80 : index
      %parallel_loop3A_264 = tpu.vector_load %arg11[%parallel_loop3A_262, %parallel_loop3A_263] {strides = array<i32>} : memref<128x128xf32, #tpu.memory_space<vmem>>, vector<1x16xf32>,
      %parallel_loop3A_265 = vector.shape_cast %parallel_loop3A_264 : vector<1x16xf32> to vector<16xf32>
      %parallel_loop3A_266 = vector.shape_cast %parallel_loop3A_261 : vector<16xf32> to vector<1x16xf32>
      tpu.vector_store %arg11[%parallel_loop3A_262, %parallel_loop3A_263], %parallel_loop3A_266 {strides = array<i32>} : memref<128x128xf32, #tpu.memory_space<vmem>>, vector<1x16xf32>,
      %parallel_loop3A_267 = arith.index_cast %parallel_loop3A_199 : i32 to index
      %parallel_loop3A_268 = arith.constant 96 : index
      %parallel_loop3A_269 = tpu.vector_load %arg11[%parallel_loop3A_267, %parallel_loop3A_268] {strides = array<i32>} : memref<128x128xf32, #tpu.memory_space<vmem>>, vector<1x16xf32>,
      %parallel_loop3A_270 = vector.shape_cast %parallel_loop3A_269 : vector<1x16xf32> to vector<16xf32>
      %parallel_loop3A_271 = arith.addf %parallel_loop3A_270, %convert_element_type3A : vector<16xf32>
      %parallel_loop3A_272 = arith.index_cast %parallel_loop3A_199 : i32 to index
      %parallel_loop3A_273 = arith.constant 96 : index
      %parallel_loop3A_274 = tpu.vector_load %arg11[%parallel_loop3A_272, %parallel_loop3A_273] {strides = array<i32>} : memref<128x128xf32, #tpu.memory_space<vmem>>, vector<1x16xf32>,
      %parallel_loop3A_275 = vector.shape_cast %parallel_loop3A_274 : vector<1x16xf32> to vector<16xf32>
      %parallel_loop3A_276 = vector.shape_cast %parallel_loop3A_271 : vector<16xf32> to vector<1x16xf32>
      tpu.vector_store %arg11[%parallel_loop3A_272, %parallel_loop3A_273], %parallel_loop3A_276 {strides = array<i32>} : memref<128x128xf32, #tpu.memory_space<vmem>>, vector<1x16xf32>,
      %parallel_loop3A_277 = arith.index_cast %parallel_loop3A_199 : i32 to index
      %parallel_loop3A_278 = arith.constant 112 : index
      %parallel_loop3A_279 = tpu.vector_load %arg11[%parallel_loop3A_277, %parallel_loop3A_278] {strides = array<i32>} : memref<128x128xf32, #tpu.memory_space<vmem>>, vector<1x16xf32>,
      %parallel_loop3A_280 = vector.shape_cast %parallel_loop3A_279 : vector<1x16xf32> to vector<16xf32>
      %parallel_loop3A_281 = arith.addf %parallel_loop3A_280, %convert_element_type3A : vector<16xf32>
      %parallel_loop3A_282 = arith.index_cast %parallel_loop3A_199 : i32 to index
      %parallel_loop3A_283 = arith.constant 112 : index
      %parallel_loop3A_284 = tpu.vector_load %arg11[%parallel_loop3A_282, %parallel_loop3A_283] {strides = array<i32>} : memref<128x128xf32, #tpu.memory_space<vmem>>, vector<1x16xf32>,
      %parallel_loop3A_285 = vector.shape_cast %parallel_loop3A_284 : vector<1x16xf32> to vector<16xf32>
      %parallel_loop3A_286 = vector.shape_cast %parallel_loop3A_281 : vector<16xf32> to vector<1x16xf32>
      tpu.vector_store %arg11[%parallel_loop3A_282, %parallel_loop3A_283], %parallel_loop3A_286 {strides = array<i32>} : memref<128x128xf32, #tpu.memory_space<vmem>>, vector<1x16xf32>,
    } {sc.loop_unroll_factor = 4 : i64, sc.parallel_access}
    %add3A_177 = arith.constant 896 : i32
    %add3A_178 = arith.addi %multiple_of3A, %add3A_177 : i32
    %dma_start3A_179 = arith.constant 0 : i32
    %dma_start3A_180 = tpu.memref_slice %arg5[%add3A_178, %dma_start3A_179] : memref<32768x128xf32, #tpu.memory_space<hbm>> -> memref<128x128xf32, #tpu.memory_space<hbm>>
    %dma_start3A_181 = arith.constant 0 : i32
    %dma_start3A_182 = tpu.memref_slice %arg5[%add3A_178, %dma_start3A_181] : memref<32768x128xf32, #tpu.memory_space<hbm>> -> memref<128x128xf32, #tpu.memory_space<hbm>>
    tpu.enqueue_dma source(%arg11 : memref<128x128xf32, #tpu.memory_space<vmem>>) target(%dma_start3A_182 : memref<128x128xf32, #tpu.memory_space<hbm>>) target_semaphore(%arg13 : memref<!tpu.dma_semaphore, #tpu.memory_space<semaphore_mem>>)
    %dma_wait3A_183 = arith.constant 0 : i32
    %dma_wait3A_184 = tpu.memref_slice %arg5[%add3A_136, %dma_wait3A_183] : memref<32768x128xf32, #tpu.memory_space<hbm>> -> memref<128x128xf32, #tpu.memory_space<hbm>>
    %dma_wait3A_185 = arith.constant 0 : i32
    %dma_wait3A_186 = tpu.memref_slice %arg5[%add3A_136, %dma_wait3A_185] : memref<32768x128xf32, #tpu.memory_space<hbm>> -> memref<128x128xf32, #tpu.memory_space<hbm>>
    tpu.wait_dma2 semaphore(%arg13 : memref<!tpu.dma_semaphore, #tpu.memory_space<semaphore_mem>>) src(%arg8 : memref<128x128xf32, #tpu.memory_space<vmem>>) dst(%dma_wait3A_186 : memref<128x128xf32, #tpu.memory_space<hbm>>)
    %dma_wait3A_187 = arith.constant 0 : i32
    %dma_wait3A_188 = tpu.memref_slice %arg5[%add3A_150, %dma_wait3A_187] : memref<32768x128xf32, #tpu.memory_space<hbm>> -> memref<128x128xf32, #tpu.memory_space<hbm>>
    %dma_wait3A_189 = arith.constant 0 : i32
    %dma_wait3A_190 = tpu.memref_slice %arg5[%add3A_150, %dma_wait3A_189] : memref<32768x128xf32, #tpu.memory_space<hbm>> -> memref<128x128xf32, #tpu.memory_space<hbm>>
    tpu.wait_dma2 semaphore(%arg13 : memref<!tpu.dma_semaphore, #tpu.memory_space<semaphore_mem>>) src(%arg9 : memref<128x128xf32, #tpu.memory_space<vmem>>) dst(%dma_wait3A_190 : memref<128x128xf32, #tpu.memory_space<hbm>>)
    %dma_wait3A_191 = arith.constant 0 : i32
    %dma_wait3A_192 = tpu.memref_slice %arg5[%add3A_164, %dma_wait3A_191] : memref<32768x128xf32, #tpu.memory_space<hbm>> -> memref<128x128xf32, #tpu.memory_space<hbm>>
    %dma_wait3A_193 = arith.constant 0 : i32
    %dma_wait3A_194 = tpu.memref_slice %arg5[%add3A_164, %dma_wait3A_193] : memref<32768x128xf32, #tpu.memory_space<hbm>> -> memref<128x128xf32, #tpu.memory_space<hbm>>
    tpu.wait_dma2 semaphore(%arg13 : memref<!tpu.dma_semaphore, #tpu.memory_space<semaphore_mem>>) src(%arg10 : memref<128x128xf32, #tpu.memory_space<vmem>>) dst(%dma_wait3A_194 : memref<128x128xf32, #tpu.memory_space<hbm>>)
    %dma_wait3A_195 = arith.constant 0 : i32
    %dma_wait3A_196 = tpu.memref_slice %arg5[%add3A_178, %dma_wait3A_195] : memref<32768x128xf32, #tpu.memory_space<hbm>> -> memref<128x128xf32, #tpu.memory_space<hbm>>
    %dma_wait3A_197 = arith.constant 0 : i32
    %dma_wait3A_198 = tpu.memref_slice %arg5[%add3A_178, %dma_wait3A_197] : memref<32768x128xf32, #tpu.memory_space<hbm>> -> memref<128x128xf32, #tpu.memory_space<hbm>>
    tpu.wait_dma2 semaphore(%arg13 : memref<!tpu.dma_semaphore, #tpu.memory_space<semaphore_mem>>) src(%arg11 : memref<128x128xf32, #tpu.memory_space<vmem>>) dst(%dma_wait3A_198 : memref<128x128xf32, #tpu.memory_space<hbm>>)
    return
  }
}

</mosaic_0001>

<sc_bundles>
// kernel: kernel.3.cloned.1.call-start
scs
__scs_entry_jumppad:
0x0: {  	(pc) =	sbr.rel $0x88, $3  }
0x1: {  	(tag) =	ssettag $0x0;
	lr =	simm.s32 $0x1  }
0x2: {  	[smem:$0x3F9F] =	sst lr;
	_ =	strace $0xD0000000  }
0x3: {  	_ = 	snop  }
0x4: {  	_ = 	snop  }
0x5: {  	_ = 	snop  }
0x6: {  	_ = 	snop  }
0x7: {  	_ = 	snop  }
__scs_overlays_trampoline_lowered:
0x8: {  	[smem:$0x3FAE] =	sst s0  }
0x9: {  	[smem:$0x3FAF] =	sst s1  }
0xa: {  	[smem:$0x3FB0] =	sst s2  }
0xb: {  	[smem:$0x3FB1] =	sst s3  }
0xc: {  	[smem:$0x3FB2] =	sst s4  }
0xd: {  	[smem:$0x3FB3] =	sst s5  }
0xe: {  	[smem:$0x3FB4] =	sst s6  }
0xf: {  	[smem:$0x3FB5] =	sst s7  }
0x10: {  	[smem:$0x3FB6] =	sst s8  }
0x11: {  	[smem:$0x3FB7] =	sst s9;
	s0 =	simm.s32 @!p0 $0x0  }
0x12: {  	s1 =	sld [smem:$0x3F9D];
	s0 =	simm.s32 @p0 $0x1  }
0x13: {  	[smem:$0x3FB8] =	sst s0;
	s0 =	simm.s32 @!p1 $0x0  }
0x14: {  	s2 =	sld [smem:$0x3F9C];
	s0 =	simm.s32 @p1 $0x1  }
0x15: {  	[smem:$0x3FB9] =	sst s0;
	s0 =	simm.s32 @!p2 $0x0  }
0x16: {  	s3 =	sld [smem:$0x3FDB];
	s0 =	simm.s32 @p2 $0x1  }
0x17: {  	s4 =	simm.s32 $0x1BF5;
	[smem:$0x3FBB] =	sst s0  }
0x18: {  	s0 =	sld [smem:$0x3F9E];
	_ =	swait.ge [sflag:s4], $0x0  }
0x19: {  	s7 =	sld [smem:$0x3F9F]  }
0x1a: {  	s8 =	sadd.s32 $0xFFFFE003, lr  }
0x1b: {  	s9 =	sadd.s32 $0xFFFFFEF7, lr;
	s5 =	simm.s32 $0xFFFFFFFF;
	p2 =	slt.u32 s8, $0xFFFFF086  }
0x1c: {  	p1 =	slt.u32 s9, $0xF7A;
	s5 =	simm.s32 @!p2 $0x0  }
0x1d: {  	s5 =	simm.s32 @p1 $0x1;
	p0 =	seq.s32 s7, s2  }
0x1e: {  	s7 =	smul.u32 @!p0 $0xF7A, s2;
	p2 =	seq.s32 @!p0 s5, $0x0  }
0x1f: {  	s9 =	smul.u32 $0xF7A, s1;
	s8 =	simm.s32 @!p0 $0x1BF5;
	p2 =	por !p2, p0  }
0x20: {  	[sflag:s8] =	ssyncset.s32 @!p0 $0xFFFFF086;
	s6 =	sadd.s32 @!p0 s3, s7;
	s7 =	simm.s32 @!p0 $0x108  }
0x21: {  	s3 =	sadd.s32 s3, s9;
	s6 =	sadd.s32 @!p0 $0x88, s6;
	s7 =	simm.s32 @p2 $0x1082  }
0x22: {  	[simem:s7], [sflag:s8] =	dma.local @!p0 [hbm:s6], $0xF7A  }
0x23: {  	s9 =	sor.u32 $0xD0000000, s2;
	s6 =	simm.s32 $0x108;
	_ =	swait.ge @!p0 [sflag:s8], $0x0  }
0x24: {  	s3 =	sadd.s32 $0x88, s3;
	s6 =	simm.s32 @!p1 $0x1082;
	[sflag:s4] =	ssyncset.s32 $0xFFFFF086  }
0x25: {  	[simem:s6], [sflag:s4] =	dma.local [hbm:s3], $0xF7A  }
0x26: {  	[smem:$0x3F9F] =	sst s1;
	(tag) =	ssettag s2;
	_ =	strace s9  }
0x27: {  	s1 =	sld [smem:$0x3FAF]  }
0x28: {  	s2 =	sld [smem:$0x3FB0]  }
0x29: {  	s4 =	sld [smem:$0x3FB2]  }
0x2a: {  	p0 =	seq.s32 s5, $0x0;
	s5 =	sld [smem:$0x3FB3]  }
0x2b: {  	s6 =	sld [smem:$0x3FB4]  }
0x2c: {  	s7 =	sld [smem:$0x3FB5]  }
0x2d: {  	s3 =	simm.s32 $0x108;
	s8 =	sld [smem:$0x3FB6]  }
0x2e: {  	s3 =	simm.s32 @!p0 $0x1082;
	s9 =	sld [smem:$0x3FB7]  }
0x2f: {  	lr =	sadd.s32 s0, s3;
	s0 =	sld [smem:$0x3FAE]  }
0x30: {  	s3 =	sld [smem:$0x3FB1]  }
0x31: {  	[smem:$0x3FBA] =	sst s10  }
0x32: {  	s10 =	sld [smem:$0x3FB8];
	_ =	sdelay $0x3  }
0x33: {  	p0 =	seq.s32 s10, $0x1;
	s10 =	sld [smem:$0x3FBA];
	_ =	sdelay $0x3  }
0x34: {  	[smem:$0x3FBA] =	sst s10  }
0x35: {  	s10 =	sld [smem:$0x3FB9];
	_ =	sdelay $0x3  }
0x36: {  	p1 =	seq.s32 s10, $0x1;
	s10 =	sld [smem:$0x3FBA];
	_ =	sdelay $0x3  }
0x37: {  	[smem:$0x3FBA] =	sst s10  }
0x38: {  	s10 =	sld [smem:$0x3FBB]  }
0x39: {  	_ = 	snop;
	(pc) =	sbr.ind lr, $3  }
0x3a: {  	_ = 	snop  }
0x3b: {  	_ = 	snop  }
0x3c: {  	p2 =	seq.s32 s10, $0x1;
	s10 =	sld [smem:$0x3FBA]  }
0x3d: {  	_ =	shalt  }
0x3e: {  	_ =	shalt  }
0x3f: {  	_ =	shalt  }
0x40: {  	_ =	shalt  }
0x41: {  	_ =	shalt  }
0x42: {  	_ =	shalt  }
0x43: {  	_ =	shalt  }
0x44: {  	_ =	shalt  }
0x45: {  	_ =	shalt  }
0x46: {  	_ =	shalt  }
0x47: {  	_ =	shalt  }
0x48: {  	_ =	shalt  }
0x49: {  	_ =	shalt  }
0x4a: {  	_ =	shalt  }
0x4b: {  	_ =	shalt  }
0x4c: {  	_ =	shalt  }
0x4d: {  	_ =	shalt  }
0x4e: {  	_ =	shalt  }
0x4f: {  	_ =	shalt  }
0x50: {  	_ =	shalt  }
0x51: {  	_ =	shalt  }
0x52: {  	_ =	shalt  }
0x53: {  	_ =	shalt  }
0x54: {  	_ =	shalt  }
0x55: {  	_ =	shalt  }
0x56: {  	_ =	shalt  }
0x57: {  	_ =	shalt  }
0x58: {  	_ =	shalt  }
0x59: {  	_ =	shalt  }
0x5a: {  	_ =	shalt  }
0x5b: {  	_ =	shalt  }
0x5c: {  	_ =	shalt  }
0x5d: {  	_ =	shalt  }
0x5e: {  	_ =	shalt  }
0x5f: {  	_ =	shalt  }
0x60: {  	_ =	shalt  }
0x61: {  	_ =	shalt  }
0x62: {  	_ =	shalt  }
0x63: {  	_ =	shalt  }
0x64: {  	_ =	shalt  }
0x65: {  	_ =	shalt  }
0x66: {  	_ =	shalt  }
0x67: {  	_ =	shalt  }
0x68: {  	_ =	shalt  }
0x69: {  	_ =	shalt  }
0x6a: {  	_ =	shalt  }
0x6b: {  	_ =	shalt  }
0x6c: {  	_ =	shalt  }
0x6d: {  	_ =	shalt  }
0x6e: {  	_ =	shalt  }
0x6f: {  	_ =	shalt  }
0x70: {  	_ =	shalt  }
0x71: {  	_ =	shalt  }
0x72: {  	_ =	shalt  }
0x73: {  	_ =	shalt  }
0x74: {  	_ =	shalt  }
0x75: {  	_ =	shalt  }
0x76: {  	_ =	shalt  }
0x77: {  	_ =	shalt  }
0x78: {  	_ =	shalt  }
0x79: {  	_ =	shalt  }
0x7a: {  	_ =	shalt  }
0x7b: {  	_ =	shalt  }
0x7c: {  	_ =	shalt  }
0x7d: {  	_ =	shalt  }
0x7e: {  	_ =	shalt  }
0x7f: {  	_ =	shalt  }
0x80: {  	_ =	shalt  }
0x81: {  	_ =	shalt  }
0x82: {  	_ =	shalt  }
0x83: {  	_ =	shalt  }
0x84: {  	_ =	shalt  }
0x85: {  	_ =	shalt  }
0x86: {  	_ =	shalt  }
0x87: {  	_ =	shalt  }
.Lfunc_end0:
.L_simem_size_0:
called_computation_lowered:
.L_overlay_start_0:
0x88: {  	s2 =	sld [smem:$0x3FD9]  }
0x89: {  	s3 =	sld [smem:$0x3FFE];
	_ =	sdelay $0x1  }
0x8a: {  	s1 =	srdreg.scid  }
0x8b: {  	s0 =	sand.u32 $0x1, s1  }
0x8c: {  	s17 =	sshll.u32 s0, $0xA;
	s2 =	sadd.s32 s3, s2  }
0x8d: {  	s2 =	sadd.s32 s2, s17  }
0x8e: {  	[smem:$0x3FC6] =	sst s2  }
0x8f: {  	_ = 	snop  }
0x90: {  	s2 =	sld [smem:$0x3FC8]  }
0x91: {  	s18 =	sld [smem:$0x3FD0];
	(tm) =	ssettm $0x1  }
0x92: {  	s4 =	sld [smem:$0x3FFB];
	_ =	sdelay $0x3  }
0x93: {  	_ =	strace s4  }
0x94: {  	s4 =	sld [smem:$0x3FFC];
	_ =	sdelay $0x3  }
0x95: {  	_ =	strace s4  }
0x96: {  	s4 =	sld [smem:$0x3FFD];
	_ =	sdelay $0x3  }
0x97: {  	_ =	strace s4  }
0x98: {  	_ =	strace $0x8FFFFFFF  }
0x99: {  	s19 =	sld [smem:$0x3FDB];
	_ =	sdelay $0x1  }
0x9a: {  	s5 =	simm.s32 $_scs_section_size  }
0x9b: {  	s6 =	simm.s32 $_size__tile_overlayer_lowered;
	s7 =	simm.s32 $_tile_overlayer_lowered  }
0x9c: {  	s22 =	simm.s32 $0x1BFF;
	s21 =	sshll.u32 s7, $0x1;
	s4 =	sadd.s32 s5, s19  }
0x9d: {  	s8 =	simm.s32 $0x0;
	s20 =	sshll.u32 s6, $0x1;
	s6 =	sadd.s32 s21, s4  }
0x9e: {  	[timem:s8], [sflag:s22] =	dma.local [hbm:s6], s20  }
0x9f: {  	_ =	swait.ge [sflag:s22], s20  }
0xa0: {  	s5 =	ssub.s32 $0x0, s20;
	[sflag:s22] =	ssyncset.done $0x0  }
0xa1: {  	[sflag:s22] =	ssyncadd.s32 s5;
	_ =	sdelay $0x1  }
0xa2: {  	s23 =	simm.s32 $0x1B8B  }
0xa3: {  	_ =	swait.ge [sflag:s23], $0x1  }
0xa4: {  	[sflag:s23] =	ssyncset.done $0x0  }
0xa5: {  	s25 =	simm.s32 $0x1B8E;
	s24 =	sld [smem:$0x3FFE];
	[sflag:s23] =	ssyncadd.s32 $0xFFFFFFFF  }
0xa6: {  	s26 =	simm.s32 $execute0_lowered;
	[smem:$0x3FD2] =	sst s25  }
0xa7: {  	s6 =	sshll.u32 s26, $0x1;
	_ =	strace $0x80000046;
	[dreg:$0x1] =	wrdreg $0xFFFFFFFF  }
0xa8: {  	s28 =	simm.s32 $_size_execute0_lowered;
	s4 =	sadd.s32 s4, s6;
	[dreg:$0x0] =	wrdreg $0x0  }
0xa9: {  	s6 =	sshll.u32 s28, $0x1;
	[dreg:$0x2] =	wrdreg s4  }
0xaa: {  	[dreg:$0x3] =	wrdreg s6  }
0xab: {  	[dreg:$0x4] =	wrdreg $0xC0  }
0xac: {  	_ =	task [dreg:s8], $0x5FFFF  }
0xad: {  	[dreg:$0x1] =	wrdreg $0xFFFFFFFF  }
0xae: {  	[dreg:$0x0] =	wrdreg $0x60  }
0xaf: {  	[dreg:$0x2] =	wrdreg s24  }
0xb0: {  	[dreg:$0x3] =	wrdreg s2  }
0xb1: {  	[dreg:$0x4] =	wrdreg s18  }
0xb2: {  	[dreg:$0x5] =	wrdreg $0x9  }
0xb3: {  	_ =	task.clear_ibuf [dreg:s8], $0x6FFFF;
	_ =	strace $0x90000046  }
0xb4: {  	s29 =	simm.s32 $0x9;
	_ =	strace $0x80000048  }
0xb5: {  	_ =	swait.ge [sflag:s29], $0x1  }
0xb6: {  	[sflag:s29] =	ssyncadd.s32 $0xFFFFFFFF  }
0xb7: {  	_ =	strace $0x90000048  }
0xb8: {  	_ =	sfence  }
0xb9: {  	s30 =	sld [smem:$0x0];
	_ =	sdelay $0x2  }
0xba: {  	s31 =	sshll.u32 s1, $0xD;
	s1 =	sshrl.u32 s1, $0x2  }
0xbb: {  	s3 =	sand.u32 $0x4000, s31;
	s1 =	sadd.s32 s1, s30  }
0xbc: {  	s0 =	sor.u32 s3, s0;
	s1 =	sshll.u32 s1, $0x11  }
0xbd: {  	s0 =	sor.u32 s1, s0  }
0xbe: {  	s0 =	sadd.s32 $0x8F2B, s0  }
0xbf: {  	[sflag:s0] =	ssyncadd.remote.s32 $0x1  }
0xc0: {  	_ =	sfence.sel $0xFFFF  }
0xc1: {  	[dreg:$0x0] =	wrdreg $0xFFFFFFFF;
	(pc) =	sbr.abs _section_cstart, $3  }
0xc2: {  	[dreg:$0x1] =	wrdreg $0xFFFFFFFF  }
0xc3: {  	_ =	task.clear_ibuf [dreg:s8], $0x2FFFF;
	_ =	strace $0x9FFFFFFF  }
0xc4: {  	(tm) =	ssettm $0x7FFFFFFF  }
0xc5: {  	_ =	shalt  }
tec
execute0_lowered:
.L_overlay_start_1:
0x0: {  	(tag) =	ssettag $0x1  }
0x1: {  	s0 =	rddreg [dreg:$0x0]  }
0x2: {  	s2 =	rddreg [dreg:$0x1]  }
0x3: {  	s1 =	rddreg [dreg:$0x2];
	s3 =	srdreg.scid  }
0x4: {  	s5 =	stileid.u32;
	s15 =	simm.s32 $0x3;
	s17 =	simm.s32 $0x80  }
0x5: {  	s18 =	simm.s32 $0x4400;
	s19 =	simm.s32 $0x8400;
	s21 =	simm.s32 $0xC400  }
0x6: {  	s23 =	simm.s32 $0x10400;
	s24 =	simm.s32 $0x1;
	s25 =	simm.s32 $0x2  }
0x7: {  	s28 =	simm.s32 $0x280;
	s29 =	simm.s32 $0x300;
	s30 =	simm.s32 $0x380  }
0x8: {  	v0 =	vimm.f32 $1.000000000e+00;
	vm0 =	vcmask $0x300;
	s31 =	simm.s32 $0x0;
	s4 =	sand.u32 $0x1, s3;
	s3 =	simm.s32 $0x0  }
0x9: {  	vm9 =	vcmask $0xB08;
	s5 =	sshll.u32 s5, $0xB;
	v0 =	vsel vm0, $0x0, v0;
	s6 =	sshll.u32 s4, $0xA;
	[smem:$0x7FF] =	sst s3  }
0xa: {  	vm10 =	vcmask $0x1310;
	s7 =	ssub.s32 $0x2, s4;
	s4 =	sshll.u32 s4, $0xB;
	v0 =	vsel vm9, $0x0, v0;
	s5 =	sor.u32 s6, s5  }
0xb: {  	vm11 =	vcmask $0x1B18;
	_ =	strace $0x80000047;
	s8 =	sshrl.u32 s7, $0x1;
	v0 =	vsel vm10, $0x0, v0;
	s6 =	sshrl.u32 s5, $0x3  }
0xc: {  	vm12 =	vcmask $0x2320;
	s14 =	ssub.s32 s7, s8;
	s26 =	sshll.u32 s5, $0x4;
	v0 =	vsel vm11, $0x0, v0;
	s6 =	sadd.s32 s6, s0  }
0xd: {  	vm13 =	vcmask $0x2B28;
	s0 =	sadd.s32 s4, s0;
	v0 =	vsel vm12, $0x0, v0;
	s4 =	sadd.s32 $0x400, s6;
	s6 =	sadd.s32 s1, s26  }
0xe: {  	vm14 =	vcmask $0x3330;
	s14 =	smax.u32 s14, $0x1;
	s5 =	sadd.s32 $0x1400, s0;
	v0 =	vsel vm13, $0x0, v0;
	s7 =	sadd.s32 $0x800, s6  }
0xf: {  	vm15 =	vcmask $0x3B38;
	s8 =	sadd.s32 $0x1000, s6;
	s9 =	sadd.s32 $0x1800, s6;
	s10 =	sadd.s32 $0x2000, s6;
	v0 =	vsel vm14, $0x0, v0  }
0x10: {  	s11 =	sadd.s32 $0x2800, s6;
	s12 =	sadd.s32 $0x3000, s6;
	s13 =	sadd.s32 $0x3800, s6;
	v0 =	vsel vm15, $0x0, v0  }
.LBB2_1:
0x11: {  	[tilespmem:s3], [sflag:$0x3] =	stream.linear.gather [hbm4b:s4+s3], $0x400, $0x38;
	[tilespmem:$0x14400] =	vst v63  }
0x12: {  	_ =	swait.ge [sflag:s15], $0x400  }
0x13: {  	[sflag:s15] =	ssyncset.done $0x0  }
0x14: {  	s0 =	simm.s32 $0x400;
	[sflag:s15] =	ssyncadd.s32 $0xFFFFFC00  }
0x15: {  	[tilespmem:s0], [sflag:$0x3] =	stream.linear.gather [hbm4b:s5+s3], $0x4000, $0x38;
	[tilespmem:$0x14400] =	vst v63  }
0x16: {  	_ =	swait.ge [sflag:s15], $0x4000  }
0x17: {  	[sflag:s15] =	ssyncset.done $0x0  }
0x18: {  	[sflag:s15] =	ssyncadd.s32 $0xFFFFC000  }
0x19: {  	[tilespmem:s18], [sflag:$0x1] =	stream.indirect.gather [hbm4b:s2+s17], $0x80, s3, s17, $0xb8;
	[tilespmem:$0x14400] =	vst v63  }
0x1a: {  	_ = 	snop  }
0x1b: {  	[tilespmem:s19], [sflag:$0x1] =	stream.indirect.gather [hbm4b:s2+s17], $0x80, s17, s17, $0xb8;
	[tilespmem:$0x14400] =	vst v63  }
0x1c: {  	s22 =	simm.s32 $0x100  }
0x1d: {  	[tilespmem:s21], [sflag:$0x1] =	stream.indirect.gather [hbm4b:s2+s17], $0x80, s22, s17, $0xb8;
	[tilespmem:$0x14400] =	vst v63  }
0x1e: {  	s26 =	simm.s32 $0x180  }
0x1f: {  	[tilespmem:s23], [sflag:$0x1] =	stream.indirect.gather [hbm4b:s2+s17], $0x80, s26, s17, $0xb8;
	[tilespmem:$0x14400] =	vst v63  }
0x20: {  	_ =	swait.ge [sflag:s24], $0x4000  }
0x21: {  	[sflag:s24] =	ssyncset.done $0x0  }
0x22: {  	s0 =	simm.s32 $0x4500;
	[sflag:s24] =	ssyncadd.s32 $0xFFFFC000  }
0x23: {  	v1 =	vld [tilespmem:s0+$0xFFFFFF10]  }
0x24: {  	v2 =	vld [tilespmem:s0+$0xFFFFFF20]  }
0x25: {  	v3 =	vld [tilespmem:s0+$0xFFFFFF30]  }
0x26: {  	v4 =	vld [tilespmem:s0+$0xFFFFFF40]  }
0x27: {  	v5 =	vld [tilespmem:s0+$0xFFFFFF50]  }
0x28: {  	v7 =	vld [tilespmem:s0+$0xFFFFFF60]  }
0x29: {  	v8 =	vld [tilespmem:s0+$0xF0]  }
0x2a: {  	s1 =	simm.s32 $0x420;
	v9 =	vld [tilespmem:s0+$0xFFFFFF80]  }
0x2b: {  	v10 =	vld [tilespmem:s1+$0xFFFFFFF0]  }
0x2c: {  	v11 =	vld [tilespmem:s0+$0xFFFFFF90];
	v6 =	vadd.f32 v0, v1  }
0x2d: {  	v12 =	vld [tilespmem:s0+$0xFFFFFFA0];
	v2 =	vadd.f32 v0, v2  }
0x2e: {  	v1 =	vld [tilespmem:s1+$0xFFFFFFE0];
	v3 =	vadd.f32 v0, v3;
	[tilespmem:s0+$0xFFFFFF10] =	vst v6  }
0x2f: {  	v13 =	vld [tilespmem:s0+$0xFFFFFFB0];
	v8 =	vadd.f32 v0, v8;
	[tilespmem:s0+$0xFFFFFF20] =	vst v2  }
0x30: {  	v2 =	vld [tilespmem:s0+$0xFFFFFF70];
	[tilespmem:s0+$0xFFFFFF30] =	vst v3;
	v3 =	vadd.f32 v10, v9  }
0x31: {  	v4 =	vadd.f32 v0, v4;
	v6 =	vld [tilespmem:s1+$0x10];
	[tilespmem:s0+$0xF0] =	vst v8  }
0x32: {  	v8 =	vld [tilespmem:s0+$0xFFFFFFC0];
	[tilespmem:s0+$0xFFFFFF80] =	vst v3;
	v3 =	vadd.f32 v0, v7  }
0x33: {  	v5 =	vadd.f32 v0, v5;
	v9 =	vld [tilespmem:s0+$0xFFFFFFD0];
	[tilespmem:s0+$0xFFFFFF40] =	vst v4  }
0x34: {  	v10 =	vld [tilespmem:s1+$0x0];
	[tilespmem:s0+$0xFFFFFF60] =	vst v3;
	v3 =	vadd.f32 v0, v11  }
0x35: {  	[tilespmem:s0+$0xFFFFFF50] =	vst v5;
	v7 =	vld [tilespmem:s0+$0x0];
	v2 =	vadd.f32 v0, v2  }
0x36: {  	v4 =	vld [tilespmem:s0+$0xFFFFFFE0];
	[tilespmem:s0+$0xFFFFFF90] =	vst v3;
	v3 =	vadd.f32 v0, v13  }
0x37: {  	v5 =	vld [tilespmem:s0+$0xFFFFFFF0];
	[tilespmem:s0+$0xFFFFFF70] =	vst v2;
	v2 =	vadd.f32 v0, v12  }
0x38: {  	v11 =	vld [tilespmem:s0+$0x10];
	[tilespmem:s0+$0xFFFFFFB0] =	vst v3;
	v3 =	vadd.f32 v0, v9  }
0x39: {  	[tilespmem:s0+$0xFFFFFFA0] =	vst v2;
	v2 =	vadd.f32 v0, v8;
	v8 =	vld [tilespmem:s0+$0x20]  }
0x3a: {  	v9 =	vld [tilespmem:s0+$0x30];
	[tilespmem:s0+$0xFFFFFFD0] =	vst v3;
	v3 =	vadd.f32 v10, v7  }
0x3b: {  	[tilespmem:s0+$0xFFFFFFC0] =	vst v2;
	v2 =	vadd.f32 v0, v4;
	v4 =	vld [tilespmem:s0+$0x40]  }
0x3c: {  	v5 =	vadd.f32 v0, v5;
	v7 =	vld [tilespmem:s0+$0x50];
	[tilespmem:s0+$0x0] =	vst v3  }
0x3d: {  	v3 =	vadd.f32 v0, v11;
	[tilespmem:s0+$0xFFFFFFE0] =	vst v2;
	v2 =	vld [tilespmem:s0+$0x60]  }
0x3e: {  	[tilespmem:s0+$0xFFFFFFF0] =	vst v5;
	v5 =	vadd.f32 v0, v8;
	v8 =	vld [tilespmem:s0+$0x70]  }
0x3f: {  	[tilespmem:s0+$0x10] =	vst v3;
	v3 =	vadd.f32 v0, v9;
	v9 =	vld [tilespmem:s0+$0x80]  }
0x40: {  	v10 =	vld [tilespmem:s0+$0x90];
	[tilespmem:s0+$0x20] =	vst v5;
	v4 =	vadd.f32 v0, v4  }
0x41: {  	v11 =	vld [tilespmem:s0+$0xA0];
	[tilespmem:s0+$0x30] =	vst v3;
	v3 =	vadd.f32 v0, v7  }
0x42: {  	[tilespmem:s0+$0x40] =	vst v4;
	v4 =	vadd.f32 v0, v2;
	v2 =	vld [tilespmem:s0+$0xB0]  }
0x43: {  	[tilespmem:s0+$0x50] =	vst v3;
	v3 =	vld [tilespmem:s0+$0xC0];
	v5 =	vadd.f32 v0, v8  }
0x44: {  	v8 =	vadd.f32 v6, v9;
	[tilespmem:s0+$0x60] =	vst v4;
	v4 =	vld [tilespmem:s0+$0xD0]  }
0x45: {  	v7 =	vadd.f32 v0, v10;
	[tilespmem:s0+$0x70] =	vst v5;
	v5 =	vld [tilespmem:s0+$0xE0]  }
0x46: {  	s16 =	simm.s32 $0x0;
	s20 =	simm.s32 $0x4700;
	v6 =	vld [tilespmem:s0+$0xFFFFFF00];
	[tilespmem:s0+$0x80] =	vst v8;
	v8 =	vadd.f32 v0, v11  }
.LBB2_2:
0x47: {  	v9 =	vld [tilespmem:s20+$0xF0];
	s16 =	sadd.s32 $0x4, s16;
	[tilespmem:s0+$0x90] =	vst v7;
	v2 =	vadd.f32 v0, v2  }
0x48: {  	v7 =	vld [tilespmem:s20+$0xFFFFFF10];
	p0 =	slt.u32 s16, $0x7C;
	[tilespmem:s0+$0xA0] =	vst v8;
	v3 =	vadd.f32 v0, v3  }
0x49: {  	v8 =	vld [tilespmem:s20+$0xFFFFFF20];
	[tilespmem:s0+$0xB0] =	vst v2;
	v2 =	vadd.f32 v0, v4  }
0x4a: {  	v4 =	vld [tilespmem:s20+$0xFFFFFF30];
	[tilespmem:s0+$0xC0] =	vst v3;
	v3 =	vadd.f32 v0, v5  }
0x4b: {  	v5 =	vld [tilespmem:s20+$0xFFFFFF40];
	v1 =	vadd.f32 v1, v6;
	[tilespmem:s0+$0xD0] =	vst v2  }
0x4c: {  	v2 =	vld [tilespmem:s20+$0xFFFFFF50];
	v6 =	vadd.f32 v0, v9;
	[tilespmem:s0+$0xE0] =	vst v3  }
0x4d: {  	s1 =	sadd.s32 $0x40, s1;
	v3 =	vadd.f32 v0, v7;
	v7 =	vld [tilespmem:s20+$0xFFFFFF60];
	[tilespmem:s0+$0xFFFFFF00] =	vst v1;
	s0 =	smov.u32 s20  }
0x4e: {  	v8 =	vadd.f32 v0, v8;
	v9 =	vld [tilespmem:s1+$0x10];
	[tilespmem:s20+$0xF0] =	vst v6  }
0x4f: {  	v1 =	vld [tilespmem:s1+$0xFFFFFFE0];
	[tilespmem:s20+$0xFFFFFF10] =	vst v3;
	v3 =	vadd.f32 v0, v4  }
0x50: {  	[tilespmem:s20+$0xFFFFFF20] =	vst v8;
	v4 =	vadd.f32 v0, v5;
	v5 =	vld [tilespmem:s20+$0xFFFFFF70]  }
0x51: {  	[tilespmem:s20+$0xFFFFFF30] =	vst v3;
	v2 =	vadd.f32 v0, v2;
	v3 =	vld [tilespmem:s20+$0xFFFFFF80]  }
0x52: {  	[tilespmem:s20+$0xFFFFFF40] =	vst v4;
	v4 =	vadd.f32 v0, v7;
	v6 =	vld [tilespmem:s1+$0xFFFFFFF0]  }
0x53: {  	[tilespmem:s20+$0xFFFFFF50] =	vst v2;
	v2 =	vld [tilespmem:s20+$0xFFFFFF90]  }
0x54: {  	[tilespmem:s20+$0xFFFFFF60] =	vst v4;
	v4 =	vld [tilespmem:s20+$0xFFFFFFA0]  }
0x55: {  	v5 =	vadd.f32 v0, v5;
	v7 =	vld [tilespmem:s20+$0xFFFFFFB0]  }
0x56: {  	v8 =	vld [tilespmem:s20+$0xFFFFFFC0]  }
0x57: {  	[tilespmem:s20+$0xFFFFFF70] =	vst v5;
	v3 =	vadd.f32 v6, v3;
	v5 =	vld [tilespmem:s20+$0xFFFFFFD0]  }
0x58: {  	v2 =	vadd.f32 v0, v2;
	v6 =	vld [tilespmem:s20+$0xFFFFFFE0]  }
0x59: {  	[tilespmem:s20+$0xFFFFFF80] =	vst v3;
	v3 =	vadd.f32 v0, v4;
	v4 =	vld [tilespmem:s20+$0xFFFFFFF0]  }
0x5a: {  	[tilespmem:s20+$0xFFFFFF90] =	vst v2;
	v2 =	vadd.f32 v0, v7;
	v7 =	vld [tilespmem:s20+$0x0]  }
0x5b: {  	[tilespmem:s20+$0xFFFFFFA0] =	vst v3;
	v3 =	vadd.f32 v0, v8;
	v8 =	vld [tilespmem:s1+$0x0]  }
0x5c: {  	[tilespmem:s20+$0xFFFFFFB0] =	vst v2;
	v2 =	vadd.f32 v0, v5;
	v5 =	vld [tilespmem:s20+$0x10]  }
0x5d: {  	[tilespmem:s20+$0xFFFFFFC0] =	vst v3;
	v3 =	vadd.f32 v0, v6;
	v6 =	vld [tilespmem:s20+$0x20]  }
0x5e: {  	[tilespmem:s20+$0xFFFFFFD0] =	vst v2;
	v2 =	vadd.f32 v0, v4;
	v4 =	vld [tilespmem:s20+$0x30]  }
0x5f: {  	[tilespmem:s20+$0xFFFFFFE0] =	vst v3;
	v3 =	vld [tilespmem:s20+$0x40]  }
0x60: {  	[tilespmem:s20+$0xFFFFFFF0] =	vst v2;
	v2 =	vadd.f32 v8, v7;
	v7 =	vld [tilespmem:s20+$0x50]  }
0x61: {  	v5 =	vadd.f32 v0, v5;
	v8 =	vld [tilespmem:s20+$0x60]  }
0x62: {  	[tilespmem:s20+$0x0] =	vst v2;
	v2 =	vadd.f32 v0, v6;
	v6 =	vld [tilespmem:s20+$0x70]  }
0x63: {  	[tilespmem:s20+$0x10] =	vst v5;
	v4 =	vadd.f32 v0, v4;
	v5 =	vld [tilespmem:s20+$0x80]  }
0x64: {  	[tilespmem:s20+$0x20] =	vst v2;
	v2 =	vadd.f32 v0, v3;
	v10 =	vld [tilespmem:s20+$0x90]  }
0x65: {  	[tilespmem:s20+$0x30] =	vst v4;
	v3 =	vadd.f32 v0, v7;
	v11 =	vld [tilespmem:s20+$0xA0]  }
.Ltmp0:
0x66: {  	[tilespmem:s20+$0x40] =	vst v2;
	v4 =	vadd.f32 v0, v8;
	v2 =	vld [tilespmem:s20+$0xB0];
	(pc) =	sbr.rel @p0 .LBB2_2-.Ltmp0, $4  }
0x67: {  	[tilespmem:s20+$0x50] =	vst v3;
	v6 =	vadd.f32 v0, v6;
	v3 =	vld [tilespmem:s20+$0xC0]  }
0x68: {  	[tilespmem:s20+$0x60] =	vst v4;
	v8 =	vadd.f32 v9, v5;
	v4 =	vld [tilespmem:s20+$0xD0]  }
0x69: {  	[tilespmem:s20+$0x70] =	vst v6;
	v7 =	vadd.f32 v0, v10;
	v5 =	vld [tilespmem:s20+$0xE0]  }
0x6a: {  	s20 =	sadd.s32 $0x200, s20;
	v6 =	vld [tilespmem:s0+$0xFFFFFF00];
	[tilespmem:s0+$0x80] =	vst v8;
	v8 =	vadd.f32 v0, v11  }
0x6b: {  	[tilespmem:s0+$0x90] =	vst v7;
	v2 =	vadd.f32 v0, v2  }
0x6c: {  	[tilespmem:s0+$0xA0] =	vst v8;
	v3 =	vadd.f32 v0, v3  }
0x6d: {  	[tilespmem:s0+$0xB0] =	vst v2;
	v2 =	vadd.f32 v0, v4  }
0x6e: {  	[tilespmem:s0+$0xC0] =	vst v3;
	v3 =	vadd.f32 v0, v5  }
0x6f: {  	v1 =	vadd.f32 v1, v6;
	[tilespmem:s0+$0xD0] =	vst v2  }
0x70: {  	[tilespmem:s0+$0xE0] =	vst v3  }
0x71: {  	[tilespmem:s0+$0xFFFFFF00] =	vst v1;
	s0 =	simm.s32 $0x0  }
0x72: {  	[hbm4b:s6+s0] =	stream.linear.scatter [tilespmem:s18], [sflag:$0x2], $0x4000, $0x38;
	[tilespmem:$0x14400] =	vst v63  }
0x73: {  	_ =	swait.ge [sflag:s25], $0x4000  }
0x74: {  	[sflag:s25] =	ssyncset.done $0x0  }
0x75: {  	s1 =	simm.s32 $0x200;
	[sflag:s25] =	ssyncadd.s32 $0xFFFFC000  }
0x76: {  	[tilespmem:s18], [sflag:$0x1] =	stream.indirect.gather [hbm4b:s2+s17], $0x80, s1, s17, $0xb8;
	[tilespmem:$0x14400] =	vst v63  }
0x77: {  	_ =	swait.ge [sflag:s24], $0x4000  }
0x78: {  	[sflag:s24] =	ssyncset.done $0x0  }
0x79: {  	s1 =	simm.s32 $0x8500;
	[sflag:s24] =	ssyncadd.s32 $0xFFFFC000  }
0x7a: {  	s16 =	sand.u32 $0x7C0, s0;
	v1 =	vld [tilespmem:s1+$0xFFFFFF00]  }
0x7b: {  	v2 =	vld [tilespmem:s16+$0xC00]  }
0x7c: {  	v3 =	vld [tilespmem:s1+$0xFFFFFF10]  }
0x7d: {  	v4 =	vld [tilespmem:s1+$0xFFFFFF20]  }
0x7e: {  	v5 =	vld [tilespmem:s1+$0xFFFFFF30]  }
0x7f: {  	v6 =	vld [tilespmem:s1+$0xFFFFFF40]  }
0x80: {  	s26 =	simm.s32 $0xC30;
	v7 =	vld [tilespmem:s1+$0xFFFFFF60]  }
0x81: {  	v8 =	vld [tilespmem:s26+$0xFFFFFFE0]  }
0x82: {  	v9 =	vld [tilespmem:s1+$0xFFFFFF80]  }
0x83: {  	v10 =	vld [tilespmem:s1+$0xFFFFFF90];
	v1 =	vadd.f32 v2, v1  }
0x84: {  	v11 =	vld [tilespmem:s1+$0xFFFFFFA0];
	v3 =	vadd.f32 v0, v3  }
0x85: {  	v59 =	vld [tilespmem:s1+$0x0];
	v4 =	vadd.f32 v0, v4;
	[tilespmem:s1+$0xFFFFFF00] =	vst v1  }
0x86: {  	v62 =	vld [tilespmem:s1+$0x70];
	v7 =	vadd.f32 v0, v7;
	[tilespmem:s1+$0xFFFFFF10] =	vst v3  }
0x87: {  	v2 =	vld [tilespmem:s1+$0xFFFFFF50];
	v3 =	vadd.f32 v0, v5;
	[tilespmem:s1+$0xFFFFFF20] =	vst v4  }
0x88: {  	v1 =	vld [tilespmem:s1+$0xFFFFFF70];
	v4 =	vadd.f32 v0, v6;
	[tilespmem:s1+$0xFFFFFF60] =	vst v7  }
0x89: {  	v5 =	vld [tilespmem:s1+$0xFFFFFFB0];
	v7 =	vadd.f32 v0, v10;
	[tilespmem:s1+$0xFFFFFF30] =	vst v3  }
0x8a: {  	v6 =	vld [tilespmem:s1+$0xFFFFFFC0];
	v3 =	vadd.f32 v8, v9;
	[tilespmem:s1+$0xFFFFFF40] =	vst v4  }
0x8b: {  	v63 =	vadd.f32 v0, v62;
	v8 =	vld [tilespmem:s1+$0xFFFFFFD0];
	[tilespmem:s1+$0xFFFFFF90] =	vst v7  }
0x8c: {  	v4 =	vld [tilespmem:s1+$0xFFFFFFE0];
	v2 =	vadd.f32 v0, v2;
	[tilespmem:s1+$0xFFFFFF80] =	vst v3  }
0x8d: {  	v3 =	vld [tilespmem:s26+$0xFFFFFFF0];
	[tilespmem:s1+$0x70] =	vst v63;
	v1 =	vadd.f32 v0, v1  }
0x8e: {  	v60 =	vld [tilespmem:s1+$0x10];
	[tilespmem:s1+$0xFFFFFF50] =	vst v2;
	v5 =	vadd.f32 v0, v5  }
0x8f: {  	v2 =	vld [tilespmem:s1+$0xFFFFFFF0];
	[tilespmem:s1+$0xFFFFFF70] =	vst v1;
	v1 =	vadd.f32 v0, v11  }
0x90: {  	v7 =	vld [tilespmem:s1+$0x20];
	[tilespmem:s1+$0xFFFFFFB0] =	vst v5;
	v5 =	vadd.f32 v0, v8  }
0x91: {  	v8 =	vld [tilespmem:s1+$0x40];
	[tilespmem:s1+$0xFFFFFFA0] =	vst v1;
	v1 =	vadd.f32 v0, v6  }
0x92: {  	v4 =	vadd.f32 v0, v4;
	v6 =	vld [tilespmem:s1+$0x30];
	[tilespmem:s1+$0xFFFFFFD0] =	vst v5  }
0x93: {  	v61 =	vld [tilespmem:s26+$0x0];
	[tilespmem:s1+$0xFFFFFFC0] =	vst v1;
	v1 =	vadd.f32 v3, v59  }
0x94: {  	[tilespmem:s1+$0xFFFFFFE0] =	vst v4;
	v4 =	vld [tilespmem:s1+$0x80];
	v2 =	vadd.f32 v0, v2  }
0x95: {  	v3 =	vld [tilespmem:s1+$0x50];
	[tilespmem:s1+$0x0] =	vst v1;
	v1 =	vadd.f32 v0, v60  }
0x96: {  	v5 =	vld [tilespmem:s1+$0x60];
	[tilespmem:s1+$0xFFFFFFF0] =	vst v2;
	v2 =	vadd.f32 v0, v7  }
0x97: {  	v7 =	vadd.f32 v0, v8;
	[tilespmem:s1+$0x10] =	vst v1;
	v1 =	vadd.f32 v0, v6;
	v6 =	vld [tilespmem:s1+$0x90]  }
0x98: {  	v8 =	vld [tilespmem:s1+$0xA0];
	[tilespmem:s1+$0x20] =	vst v2  }
0x99: {  	v2 =	vld [tilespmem:s1+$0xB0];
	[tilespmem:s1+$0x40] =	vst v7;
	v7 =	vadd.f32 v61, v4  }
0x9a: {  	[tilespmem:s1+$0x30] =	vst v1;
	v1 =	vadd.f32 v0, v3;
	v3 =	vld [tilespmem:s1+$0xC0]  }
0x9b: {  	v5 =	vadd.f32 v0, v5;
	v4 =	vld [tilespmem:s1+$0xD0];
	[tilespmem:s1+$0x80] =	vst v7  }
0x9c: {  	[tilespmem:s1+$0x50] =	vst v1;
	v1 =	vld [tilespmem:s1+$0xE0];
	v7 =	vadd.f32 v0, v6  }
0x9d: {  	s20 =	simm.s32 $0x0;
	s22 =	simm.s32 $0xC70;
	s16 =	simm.s32 $0x8500;
	[tilespmem:s1+$0x60] =	vst v5;
	v5 =	vld [tilespmem:s1+$0xF0];
	v6 =	vadd.f32 v0, v8  }
.LBB2_4:
0x9e: {  	v8 =	vld [tilespmem:s22+$0xFFFFFFE0];
	[tilespmem:s1+$0x90] =	vst v7;
	v2 =	vadd.f32 v0, v2  }
0x9f: {  	v7 =	vld [tilespmem:s22+$0xFFFFFFF0];
	[tilespmem:s1+$0xA0] =	vst v6;
	v3 =	vadd.f32 v0, v3  }
0xa0: {  	s0 =	sadd.s32 $0x40, s0;
	s1 =	sadd.s32 $0x200, s1;
	v6 =	vld [tilespmem:s22+$0x0];
	[tilespmem:s16+$0xB0] =	vst v2;
	v2 =	vadd.f32 v0, v4  }
0xa1: {  	s20 =	sadd.s32 $0x4, s20;
	s26 =	sand.u32 $0x7C0, s0;
	v4 =	vld [tilespmem:s1+$0xFFFFFF00];
	[tilespmem:s16+$0xC0] =	vst v3;
	v1 =	vadd.f32 v0, v1  }
0xa2: {  	p0 =	slt.u32 s20, $0x7C;
	v3 =	vld [tilespmem:s26+$0xC00];
	[tilespmem:s16+$0xD0] =	vst v2;
	v2 =	vadd.f32 v0, v5  }
0xa3: {  	v5 =	vld [tilespmem:s1+$0xFFFFFF10];
	[tilespmem:s16+$0xE0] =	vst v1  }
0xa4: {  	v1 =	vld [tilespmem:s1+$0xFFFFFF20];
	[tilespmem:s16+$0xF0] =	vst v2;
	s16 =	smov.u32 s1  }
0xa5: {  	v2 =	vld [tilespmem:s1+$0xFFFFFF30]  }
0xa6: {  	v9 =	vld [tilespmem:s1+$0xFFFFFF40]  }
0xa7: {  	v3 =	vadd.f32 v3, v4;
	v4 =	vld [tilespmem:s1+$0xFFFFFF50]  }
0xa8: {  	v5 =	vadd.f32 v0, v5;
	v10 =	vld [tilespmem:s1+$0xFFFFFF60]  }
0xa9: {  	[tilespmem:s1+$0xFFFFFF00] =	vst v3;
	v1 =	vadd.f32 v0, v1;
	v3 =	vld [tilespmem:s1+$0xFFFFFF70]  }
0xaa: {  	[tilespmem:s1+$0xFFFFFF10] =	vst v5;
	v2 =	vadd.f32 v0, v2;
	v5 =	vld [tilespmem:s1+$0xFFFFFF80]  }
0xab: {  	[tilespmem:s1+$0xFFFFFF20] =	vst v1;
	v1 =	vadd.f32 v0, v9;
	v9 =	vld [tilespmem:s1+$0xFFFFFF90]  }
0xac: {  	[tilespmem:s1+$0xFFFFFF30] =	vst v2;
	v2 =	vadd.f32 v0, v4;
	v4 =	vld [tilespmem:s1+$0xFFFFFFA0]  }
0xad: {  	[tilespmem:s1+$0xFFFFFF40] =	vst v1;
	v1 =	vadd.f32 v0, v10;
	v10 =	vld [tilespmem:s1+$0xFFFFFFB0]  }
0xae: {  	[tilespmem:s1+$0xFFFFFF50] =	vst v2;
	v2 =	vadd.f32 v0, v3;
	v3 =	vld [tilespmem:s1+$0xFFFFFFC0]  }
0xaf: {  	[tilespmem:s1+$0xFFFFFF60] =	vst v1;
	v1 =	vadd.f32 v8, v5;
	v5 =	vld [tilespmem:s1+$0xFFFFFFD0]  }
0xb0: {  	[tilespmem:s1+$0xFFFFFF70] =	vst v2;
	v2 =	vadd.f32 v0, v9;
	v8 =	vld [tilespmem:s1+$0xFFFFFFE0]  }
0xb1: {  	[tilespmem:s1+$0xFFFFFF80] =	vst v1;
	v1 =	vadd.f32 v0, v4;
	v4 =	vld [tilespmem:s1+$0xFFFFFFF0]  }
0xb2: {  	[tilespmem:s1+$0xFFFFFF90] =	vst v2;
	v2 =	vadd.f32 v0, v10;
	v9 =	vld [tilespmem:s1+$0x0]  }
0xb3: {  	[tilespmem:s1+$0xFFFFFFA0] =	vst v1;
	v1 =	vadd.f32 v0, v3;
	v3 =	vld [tilespmem:s1+$0x10]  }
0xb4: {  	[tilespmem:s1+$0xFFFFFFB0] =	vst v2;
	v2 =	vadd.f32 v0, v5;
	v5 =	vld [tilespmem:s1+$0x20]  }
0xb5: {  	[tilespmem:s1+$0xFFFFFFC0] =	vst v1;
	v1 =	vadd.f32 v0, v8;
	v8 =	vld [tilespmem:s1+$0x30]  }
0xb6: {  	[tilespmem:s1+$0xFFFFFFD0] =	vst v2;
	v2 =	vadd.f32 v0, v4;
	v4 =	vld [tilespmem:s1+$0x40]  }
0xb7: {  	[tilespmem:s1+$0xFFFFFFE0] =	vst v1;
	v1 =	vadd.f32 v7, v9;
	v7 =	vld [tilespmem:s1+$0x50]  }
0xb8: {  	[tilespmem:s1+$0xFFFFFFF0] =	vst v2;
	v2 =	vadd.f32 v0, v3;
	v3 =	vld [tilespmem:s1+$0x60]  }
0xb9: {  	[tilespmem:s1+$0x0] =	vst v1;
	v1 =	vadd.f32 v0, v5;
	v5 =	vld [tilespmem:s1+$0x70]  }
0xba: {  	[tilespmem:s1+$0x10] =	vst v2;
	v2 =	vadd.f32 v0, v8;
	v8 =	vld [tilespmem:s1+$0x80]  }
0xbb: {  	[tilespmem:s1+$0x20] =	vst v1;
	v1 =	vadd.f32 v0, v4;
	v9 =	vld [tilespmem:s1+$0x90]  }
0xbc: {  	[tilespmem:s1+$0x30] =	vst v2;
	v4 =	vadd.f32 v0, v7;
	v10 =	vld [tilespmem:s1+$0xA0]  }
.Ltmp1:
0xbd: {  	[tilespmem:s1+$0x40] =	vst v1;
	v1 =	vadd.f32 v0, v3;
	v2 =	vld [tilespmem:s1+$0xB0];
	(pc) =	sbr.rel @p0 .LBB2_4-.Ltmp1, $4  }
0xbe: {  	[tilespmem:s1+$0x50] =	vst v4;
	v5 =	vadd.f32 v0, v5;
	v3 =	vld [tilespmem:s1+$0xC0]  }
0xbf: {  	[tilespmem:s1+$0x60] =	vst v1;
	v6 =	vadd.f32 v6, v8;
	v4 =	vld [tilespmem:s1+$0xD0]  }
0xc0: {  	[tilespmem:s1+$0x70] =	vst v5;
	v7 =	vadd.f32 v0, v9;
	v1 =	vld [tilespmem:s1+$0xE0]  }
0xc1: {  	s22 =	sadd.s32 $0x40, s22;
	[tilespmem:s1+$0x80] =	vst v6;
	v6 =	vadd.f32 v0, v10;
	v5 =	vld [tilespmem:s1+$0xF0]  }
0xc2: {  	[tilespmem:s1+$0x90] =	vst v7;
	v2 =	vadd.f32 v0, v2  }
0xc3: {  	[tilespmem:s1+$0xA0] =	vst v6;
	v3 =	vadd.f32 v0, v3  }
0xc4: {  	[tilespmem:s16+$0xB0] =	vst v2;
	v2 =	vadd.f32 v0, v4  }
0xc5: {  	[tilespmem:s16+$0xC0] =	vst v3;
	v1 =	vadd.f32 v0, v1  }
0xc6: {  	[tilespmem:s16+$0xD0] =	vst v2;
	v2 =	vadd.f32 v0, v5  }
0xc7: {  	[tilespmem:s16+$0xE0] =	vst v1  }
0xc8: {  	s0 =	simm.s32 $0x0;
	[tilespmem:s16+$0xF0] =	vst v2  }
0xc9: {  	[hbm4b:s7+s0] =	stream.linear.scatter [tilespmem:s19], [sflag:$0x2], $0x4000, $0x38;
	[tilespmem:$0x14400] =	vst v63  }
0xca: {  	_ =	swait.ge [sflag:s25], $0x4000  }
0xcb: {  	[sflag:s25] =	ssyncset.done $0x0  }
0xcc: {  	[sflag:s25] =	ssyncadd.s32 $0xFFFFC000  }
0xcd: {  	[tilespmem:s19], [sflag:$0x1] =	stream.indirect.gather [hbm4b:s2+s17], $0x80, s28, s17, $0xb8;
	[tilespmem:$0x14400] =	vst v63  }
0xce: {  	_ =	swait.ge [sflag:s24], $0x4000  }
0xcf: {  	[sflag:s24] =	ssyncset.done $0x0  }
0xd0: {  	s1 =	simm.s32 $0xC500;
	[sflag:s24] =	ssyncadd.s32 $0xFFFFC000  }
0xd1: {  	s22 =	sand.u32 $0x7C0, s0;
	v1 =	vld [tilespmem:s1+$0xFFFFFF00]  }
0xd2: {  	v2 =	vld [tilespmem:s22+$0x1400]  }
0xd3: {  	v3 =	vld [tilespmem:s1+$0xFFFFFF10]  }
0xd4: {  	v4 =	vld [tilespmem:s1+$0xFFFFFF20]  }
0xd5: {  	v5 =	vld [tilespmem:s1+$0xFFFFFF30]  }
0xd6: {  	v6 =	vld [tilespmem:s1+$0xFFFFFF40]  }
0xd7: {  	s26 =	simm.s32 $0x1430;
	v7 =	vld [tilespmem:s1+$0xFFFFFF60]  }
0xd8: {  	v8 =	vld [tilespmem:s26+$0xFFFFFFE0]  }
0xd9: {  	v9 =	vld [tilespmem:s1+$0xFFFFFF80]  }
0xda: {  	v10 =	vld [tilespmem:s1+$0xFFFFFF90];
	v1 =	vadd.f32 v2, v1  }
0xdb: {  	v11 =	vld [tilespmem:s1+$0xFFFFFFA0];
	v3 =	vadd.f32 v0, v3  }
0xdc: {  	v59 =	vld [tilespmem:s1+$0x0];
	v4 =	vadd.f32 v0, v4;
	[tilespmem:s1+$0xFFFFFF00] =	vst v1  }
0xdd: {  	v62 =	vld [tilespmem:s1+$0x70];
	v7 =	vadd.f32 v0, v7;
	[tilespmem:s1+$0xFFFFFF10] =	vst v3  }
0xde: {  	v2 =	vld [tilespmem:s1+$0xFFFFFF50];
	v3 =	vadd.f32 v0, v5;
	[tilespmem:s1+$0xFFFFFF20] =	vst v4  }
0xdf: {  	v1 =	vld [tilespmem:s1+$0xFFFFFF70];
	v4 =	vadd.f32 v0, v6;
	[tilespmem:s1+$0xFFFFFF60] =	vst v7  }
0xe0: {  	v5 =	vld [tilespmem:s1+$0xFFFFFFB0];
	v7 =	vadd.f32 v0, v10;
	[tilespmem:s1+$0xFFFFFF30] =	vst v3  }
0xe1: {  	v6 =	vld [tilespmem:s1+$0xFFFFFFC0];
	v3 =	vadd.f32 v8, v9;
	[tilespmem:s1+$0xFFFFFF40] =	vst v4  }
0xe2: {  	v63 =	vadd.f32 v0, v62;
	v8 =	vld [tilespmem:s1+$0xFFFFFFD0];
	[tilespmem:s1+$0xFFFFFF90] =	vst v7  }
0xe3: {  	v4 =	vld [tilespmem:s1+$0xFFFFFFE0];
	v2 =	vadd.f32 v0, v2;
	[tilespmem:s1+$0xFFFFFF80] =	vst v3  }
0xe4: {  	v3 =	vld [tilespmem:s26+$0xFFFFFFF0];
	[tilespmem:s1+$0x70] =	vst v63;
	v1 =	vadd.f32 v0, v1  }
0xe5: {  	v60 =	vld [tilespmem:s1+$0x10];
	[tilespmem:s1+$0xFFFFFF50] =	vst v2;
	v5 =	vadd.f32 v0, v5  }
0xe6: {  	v2 =	vld [tilespmem:s1+$0xFFFFFFF0];
	[tilespmem:s1+$0xFFFFFF70] =	vst v1;
	v1 =	vadd.f32 v0, v11  }
0xe7: {  	v7 =	vld [tilespmem:s1+$0x20];
	[tilespmem:s1+$0xFFFFFFB0] =	vst v5;
	v5 =	vadd.f32 v0, v8  }
0xe8: {  	v8 =	vld [tilespmem:s1+$0x40];
	[tilespmem:s1+$0xFFFFFFA0] =	vst v1;
	v1 =	vadd.f32 v0, v6  }
0xe9: {  	v4 =	vadd.f32 v0, v4;
	v6 =	vld [tilespmem:s1+$0x30];
	[tilespmem:s1+$0xFFFFFFD0] =	vst v5  }
0xea: {  	v61 =	vld [tilespmem:s26+$0x0];
	[tilespmem:s1+$0xFFFFFFC0] =	vst v1;
	v1 =	vadd.f32 v3, v59  }
0xeb: {  	[tilespmem:s1+$0xFFFFFFE0] =	vst v4;
	v4 =	vld [tilespmem:s1+$0x80];
	v2 =	vadd.f32 v0, v2  }
0xec: {  	v3 =	vld [tilespmem:s1+$0x50];
	[tilespmem:s1+$0x0] =	vst v1;
	v1 =	vadd.f32 v0, v60  }
0xed: {  	v5 =	vld [tilespmem:s1+$0x60];
	[tilespmem:s1+$0xFFFFFFF0] =	vst v2;
	v2 =	vadd.f32 v0, v7  }
0xee: {  	v7 =	vadd.f32 v0, v8;
	[tilespmem:s1+$0x10] =	vst v1;
	v1 =	vadd.f32 v0, v6;
	v6 =	vld [tilespmem:s1+$0x90]  }
0xef: {  	v8 =	vld [tilespmem:s1+$0xA0];
	[tilespmem:s1+$0x20] =	vst v2  }
0xf0: {  	v2 =	vld [tilespmem:s1+$0xB0];
	[tilespmem:s1+$0x40] =	vst v7;
	v7 =	vadd.f32 v61, v4  }
0xf1: {  	[tilespmem:s1+$0x30] =	vst v1;
	v1 =	vadd.f32 v0, v3;
	v3 =	vld [tilespmem:s1+$0xC0]  }
0xf2: {  	v5 =	vadd.f32 v0, v5;
	v4 =	vld [tilespmem:s1+$0xD0];
	[tilespmem:s1+$0x80] =	vst v7  }
0xf3: {  	[tilespmem:s1+$0x50] =	vst v1;
	v1 =	vld [tilespmem:s1+$0xE0];
	v7 =	vadd.f32 v0, v6  }
0xf4: {  	s20 =	simm.s32 $0x0;
	s16 =	simm.s32 $0xC500;
	s22 =	simm.s32 $0x1470;
	[tilespmem:s1+$0x60] =	vst v5;
	v5 =	vld [tilespmem:s1+$0xF0];
	v6 =	vadd.f32 v0, v8  }
.LBB2_6:
0xf5: {  	v8 =	vld [tilespmem:s22+$0xFFFFFFE0];
	[tilespmem:s1+$0x90] =	vst v7;
	v2 =	vadd.f32 v0, v2  }
0xf6: {  	v7 =	vld [tilespmem:s22+$0xFFFFFFF0];
	[tilespmem:s1+$0xA0] =	vst v6;
	v3 =	vadd.f32 v0, v3  }
0xf7: {  	s0 =	sadd.s32 $0x40, s0;
	s1 =	sadd.s32 $0x200, s1;
	v6 =	vld [tilespmem:s22+$0x0];
	[tilespmem:s16+$0xB0] =	vst v2;
	v2 =	vadd.f32 v0, v4  }
0xf8: {  	s20 =	sadd.s32 $0x4, s20;
	s26 =	sand.u32 $0x7C0, s0;
	v4 =	vld [tilespmem:s1+$0xFFFFFF00];
	[tilespmem:s16+$0xC0] =	vst v3;
	v1 =	vadd.f32 v0, v1  }
0xf9: {  	p0 =	slt.u32 s20, $0x7C;
	v3 =	vld [tilespmem:s26+$0x1400];
	[tilespmem:s16+$0xD0] =	vst v2;
	v2 =	vadd.f32 v0, v5  }
0xfa: {  	v5 =	vld [tilespmem:s1+$0xFFFFFF10];
	[tilespmem:s16+$0xE0] =	vst v1  }
0xfb: {  	v1 =	vld [tilespmem:s1+$0xFFFFFF20];
	[tilespmem:s16+$0xF0] =	vst v2;
	s16 =	smov.u32 s1  }
0xfc: {  	v2 =	vld [tilespmem:s1+$0xFFFFFF30]  }
0xfd: {  	v9 =	vld [tilespmem:s1+$0xFFFFFF40]  }
0xfe: {  	v3 =	vadd.f32 v3, v4;
	v4 =	vld [tilespmem:s1+$0xFFFFFF50]  }
0xff: {  	v5 =	vadd.f32 v0, v5;
	v10 =	vld [tilespmem:s1+$0xFFFFFF60]  }
0x100: {  	[tilespmem:s1+$0xFFFFFF00] =	vst v3;
	v1 =	vadd.f32 v0, v1;
	v3 =	vld [tilespmem:s1+$0xFFFFFF70]  }
0x101: {  	[tilespmem:s1+$0xFFFFFF10] =	vst v5;
	v2 =	vadd.f32 v0, v2;
	v5 =	vld [tilespmem:s1+$0xFFFFFF80]  }
0x102: {  	[tilespmem:s1+$0xFFFFFF20] =	vst v1;
	v1 =	vadd.f32 v0, v9;
	v9 =	vld [tilespmem:s1+$0xFFFFFF90]  }
0x103: {  	[tilespmem:s1+$0xFFFFFF30] =	vst v2;
	v2 =	vadd.f32 v0, v4;
	v4 =	vld [tilespmem:s1+$0xFFFFFFA0]  }
0x104: {  	[tilespmem:s1+$0xFFFFFF40] =	vst v1;
	v1 =	vadd.f32 v0, v10;
	v10 =	vld [tilespmem:s1+$0xFFFFFFB0]  }
0x105: {  	[tilespmem:s1+$0xFFFFFF50] =	vst v2;
	v2 =	vadd.f32 v0, v3;
	v3 =	vld [tilespmem:s1+$0xFFFFFFC0]  }
0x106: {  	[tilespmem:s1+$0xFFFFFF60] =	vst v1;
	v1 =	vadd.f32 v8, v5;
	v5 =	vld [tilespmem:s1+$0xFFFFFFD0]  }
0x107: {  	[tilespmem:s1+$0xFFFFFF70] =	vst v2;
	v2 =	vadd.f32 v0, v9;
	v8 =	vld [tilespmem:s1+$0xFFFFFFE0]  }
0x108: {  	[tilespmem:s1+$0xFFFFFF80] =	vst v1;
	v1 =	vadd.f32 v0, v4;
	v4 =	vld [tilespmem:s1+$0xFFFFFFF0]  }
0x109: {  	[tilespmem:s1+$0xFFFFFF90] =	vst v2;
	v2 =	vadd.f32 v0, v10;
	v9 =	vld [tilespmem:s1+$0x0]  }
0x10a: {  	[tilespmem:s1+$0xFFFFFFA0] =	vst v1;
	v1 =	vadd.f32 v0, v3;
	v3 =	vld [tilespmem:s1+$0x10]  }
0x10b: {  	[tilespmem:s1+$0xFFFFFFB0] =	vst v2;
	v2 =	vadd.f32 v0, v5;
	v5 =	vld [tilespmem:s1+$0x20]  }
0x10c: {  	[tilespmem:s1+$0xFFFFFFC0] =	vst v1;
	v1 =	vadd.f32 v0, v8;
	v8 =	vld [tilespmem:s1+$0x30]  }
0x10d: {  	[tilespmem:s1+$0xFFFFFFD0] =	vst v2;
	v2 =	vadd.f32 v0, v4;
	v4 =	vld [tilespmem:s1+$0x40]  }
0x10e: {  	[tilespmem:s1+$0xFFFFFFE0] =	vst v1;
	v1 =	vadd.f32 v7, v9;
	v7 =	vld [tilespmem:s1+$0x50]  }
0x10f: {  	[tilespmem:s1+$0xFFFFFFF0] =	vst v2;
	v2 =	vadd.f32 v0, v3;
	v3 =	vld [tilespmem:s1+$0x60]  }
0x110: {  	[tilespmem:s1+$0x0] =	vst v1;
	v1 =	vadd.f32 v0, v5;
	v5 =	vld [tilespmem:s1+$0x70]  }
0x111: {  	[tilespmem:s1+$0x10] =	vst v2;
	v2 =	vadd.f32 v0, v8;
	v8 =	vld [tilespmem:s1+$0x80]  }
0x112: {  	[tilespmem:s1+$0x20] =	vst v1;
	v1 =	vadd.f32 v0, v4;
	v9 =	vld [tilespmem:s1+$0x90]  }
0x113: {  	[tilespmem:s1+$0x30] =	vst v2;
	v4 =	vadd.f32 v0, v7;
	v10 =	vld [tilespmem:s1+$0xA0]  }
.Ltmp2:
0x114: {  	[tilespmem:s1+$0x40] =	vst v1;
	v1 =	vadd.f32 v0, v3;
	v2 =	vld [tilespmem:s1+$0xB0];
	(pc) =	sbr.rel @p0 .LBB2_6-.Ltmp2, $4  }
0x115: {  	[tilespmem:s1+$0x50] =	vst v4;
	v5 =	vadd.f32 v0, v5;
	v3 =	vld [tilespmem:s1+$0xC0]  }
0x116: {  	[tilespmem:s1+$0x60] =	vst v1;
	v6 =	vadd.f32 v6, v8;
	v4 =	vld [tilespmem:s1+$0xD0]  }
0x117: {  	[tilespmem:s1+$0x70] =	vst v5;
	v7 =	vadd.f32 v0, v9;
	v1 =	vld [tilespmem:s1+$0xE0]  }
0x118: {  	s22 =	sadd.s32 $0x40, s22;
	[tilespmem:s1+$0x80] =	vst v6;
	v6 =	vadd.f32 v0, v10;
	v5 =	vld [tilespmem:s1+$0xF0]  }
0x119: {  	[tilespmem:s1+$0x90] =	vst v7;
	v2 =	vadd.f32 v0, v2  }
0x11a: {  	[tilespmem:s1+$0xA0] =	vst v6;
	v3 =	vadd.f32 v0, v3  }
0x11b: {  	[tilespmem:s16+$0xB0] =	vst v2;
	v2 =	vadd.f32 v0, v4  }
0x11c: {  	[tilespmem:s16+$0xC0] =	vst v3;
	v1 =	vadd.f32 v0, v1  }
0x11d: {  	[tilespmem:s16+$0xD0] =	vst v2;
	v2 =	vadd.f32 v0, v5  }
0x11e: {  	[tilespmem:s16+$0xE0] =	vst v1  }
0x11f: {  	s0 =	simm.s32 $0x0;
	[tilespmem:s16+$0xF0] =	vst v2  }
0x120: {  	[hbm4b:s8+s0] =	stream.linear.scatter [tilespmem:s21], [sflag:$0x2], $0x4000, $0x38;
	[tilespmem:$0x14400] =	vst v63  }
0x121: {  	_ =	swait.ge [sflag:s25], $0x4000  }
0x122: {  	[sflag:s25] =	ssyncset.done $0x0  }
0x123: {  	[sflag:s25] =	ssyncadd.s32 $0xFFFFC000  }
0x124: {  	[tilespmem:s21], [sflag:$0x1] =	stream.indirect.gather [hbm4b:s2+s17], $0x80, s29, s17, $0xb8;
	[tilespmem:$0x14400] =	vst v63  }
0x125: {  	_ =	swait.ge [sflag:s24], $0x4000  }
0x126: {  	[sflag:s24] =	ssyncset.done $0x0  }
0x127: {  	s1 =	simm.s32 $0x10500;
	[sflag:s24] =	ssyncadd.s32 $0xFFFFC000  }
0x128: {  	s22 =	sand.u32 $0x7C0, s0;
	v1 =	vld [tilespmem:s1+$0xFFFFFF00]  }
0x129: {  	v2 =	vld [tilespmem:s22+$0x1C00]  }
0x12a: {  	v3 =	vld [tilespmem:s1+$0xFFFFFF10]  }
0x12b: {  	v4 =	vld [tilespmem:s1+$0xFFFFFF20]  }
0x12c: {  	v5 =	vld [tilespmem:s1+$0xFFFFFF30]  }
0x12d: {  	v6 =	vld [tilespmem:s1+$0xFFFFFF40]  }
0x12e: {  	s26 =	simm.s32 $0x1C30;
	v7 =	vld [tilespmem:s1+$0xFFFFFF60]  }
0x12f: {  	v8 =	vld [tilespmem:s26+$0xFFFFFFE0]  }
0x130: {  	v9 =	vld [tilespmem:s1+$0xFFFFFF80]  }
0x131: {  	v10 =	vld [tilespmem:s1+$0xFFFFFF90];
	v1 =	vadd.f32 v2, v1  }
0x132: {  	v11 =	vld [tilespmem:s1+$0xFFFFFFA0];
	v3 =	vadd.f32 v0, v3  }
0x133: {  	v59 =	vld [tilespmem:s1+$0x0];
	v4 =	vadd.f32 v0, v4;
	[tilespmem:s1+$0xFFFFFF00] =	vst v1  }
0x134: {  	v62 =	vld [tilespmem:s1+$0x70];
	v7 =	vadd.f32 v0, v7;
	[tilespmem:s1+$0xFFFFFF10] =	vst v3  }
0x135: {  	v2 =	vld [tilespmem:s1+$0xFFFFFF50];
	v3 =	vadd.f32 v0, v5;
	[tilespmem:s1+$0xFFFFFF20] =	vst v4  }
0x136: {  	v1 =	vld [tilespmem:s1+$0xFFFFFF70];
	v4 =	vadd.f32 v0, v6;
	[tilespmem:s1+$0xFFFFFF60] =	vst v7  }
0x137: {  	v5 =	vld [tilespmem:s1+$0xFFFFFFB0];
	v7 =	vadd.f32 v0, v10;
	[tilespmem:s1+$0xFFFFFF30] =	vst v3  }
0x138: {  	v6 =	vld [tilespmem:s1+$0xFFFFFFC0];
	v3 =	vadd.f32 v8, v9;
	[tilespmem:s1+$0xFFFFFF40] =	vst v4  }
0x139: {  	v63 =	vadd.f32 v0, v62;
	v8 =	vld [tilespmem:s1+$0xFFFFFFD0];
	[tilespmem:s1+$0xFFFFFF90] =	vst v7  }
0x13a: {  	v4 =	vld [tilespmem:s1+$0xFFFFFFE0];
	v2 =	vadd.f32 v0, v2;
	[tilespmem:s1+$0xFFFFFF80] =	vst v3  }
0x13b: {  	v3 =	vld [tilespmem:s26+$0xFFFFFFF0];
	[tilespmem:s1+$0x70] =	vst v63;
	v1 =	vadd.f32 v0, v1  }
0x13c: {  	v60 =	vld [tilespmem:s1+$0x10];
	[tilespmem:s1+$0xFFFFFF50] =	vst v2;
	v5 =	vadd.f32 v0, v5  }
0x13d: {  	v2 =	vld [tilespmem:s1+$0xFFFFFFF0];
	[tilespmem:s1+$0xFFFFFF70] =	vst v1;
	v1 =	vadd.f32 v0, v11  }
0x13e: {  	v7 =	vld [tilespmem:s1+$0x20];
	[tilespmem:s1+$0xFFFFFFB0] =	vst v5;
	v5 =	vadd.f32 v0, v8  }
0x13f: {  	v8 =	vld [tilespmem:s1+$0x40];
	[tilespmem:s1+$0xFFFFFFA0] =	vst v1;
	v1 =	vadd.f32 v0, v6  }
0x140: {  	v4 =	vadd.f32 v0, v4;
	v6 =	vld [tilespmem:s1+$0x30];
	[tilespmem:s1+$0xFFFFFFD0] =	vst v5  }
0x141: {  	v61 =	vld [tilespmem:s26+$0x0];
	[tilespmem:s1+$0xFFFFFFC0] =	vst v1;
	v1 =	vadd.f32 v3, v59  }
0x142: {  	[tilespmem:s1+$0xFFFFFFE0] =	vst v4;
	v4 =	vld [tilespmem:s1+$0x80];
	v2 =	vadd.f32 v0, v2  }
0x143: {  	v3 =	vld [tilespmem:s1+$0x50];
	[tilespmem:s1+$0x0] =	vst v1;
	v1 =	vadd.f32 v0, v60  }
0x144: {  	v5 =	vld [tilespmem:s1+$0x60];
	[tilespmem:s1+$0xFFFFFFF0] =	vst v2;
	v2 =	vadd.f32 v0, v7  }
0x145: {  	v7 =	vadd.f32 v0, v8;
	[tilespmem:s1+$0x10] =	vst v1;
	v1 =	vadd.f32 v0, v6;
	v6 =	vld [tilespmem:s1+$0x90]  }
0x146: {  	v8 =	vld [tilespmem:s1+$0xA0];
	[tilespmem:s1+$0x20] =	vst v2  }
0x147: {  	v2 =	vld [tilespmem:s1+$0xB0];
	[tilespmem:s1+$0x40] =	vst v7;
	v7 =	vadd.f32 v61, v4  }
0x148: {  	[tilespmem:s1+$0x30] =	vst v1;
	v1 =	vadd.f32 v0, v3;
	v3 =	vld [tilespmem:s1+$0xC0]  }
0x149: {  	v5 =	vadd.f32 v0, v5;
	v4 =	vld [tilespmem:s1+$0xD0];
	[tilespmem:s1+$0x80] =	vst v7  }
0x14a: {  	[tilespmem:s1+$0x50] =	vst v1;
	v1 =	vld [tilespmem:s1+$0xE0];
	v7 =	vadd.f32 v0, v6  }
0x14b: {  	s20 =	simm.s32 $0x0;
	s16 =	simm.s32 $0x10500;
	s22 =	simm.s32 $0x1C70;
	[tilespmem:s1+$0x60] =	vst v5;
	v5 =	vld [tilespmem:s1+$0xF0];
	v6 =	vadd.f32 v0, v8  }
.LBB2_8:
0x14c: {  	v8 =	vld [tilespmem:s22+$0xFFFFFFE0];
	[tilespmem:s1+$0x90] =	vst v7;
	v2 =	vadd.f32 v0, v2  }
0x14d: {  	v7 =	vld [tilespmem:s22+$0xFFFFFFF0];
	[tilespmem:s1+$0xA0] =	vst v6;
	v3 =	vadd.f32 v0, v3  }
0x14e: {  	s0 =	sadd.s32 $0x40, s0;
	s1 =	sadd.s32 $0x200, s1;
	v6 =	vld [tilespmem:s22+$0x0];
	[tilespmem:s16+$0xB0] =	vst v2;
	v2 =	vadd.f32 v0, v4  }
0x14f: {  	s20 =	sadd.s32 $0x4, s20;
	s26 =	sand.u32 $0x7C0, s0;
	v4 =	vld [tilespmem:s1+$0xFFFFFF00];
	[tilespmem:s16+$0xC0] =	vst v3;
	v1 =	vadd.f32 v0, v1  }
0x150: {  	p0 =	slt.u32 s20, $0x7C;
	v3 =	vld [tilespmem:s26+$0x1C00];
	[tilespmem:s16+$0xD0] =	vst v2;
	v2 =	vadd.f32 v0, v5  }
0x151: {  	v5 =	vld [tilespmem:s1+$0xFFFFFF10];
	[tilespmem:s16+$0xE0] =	vst v1  }
0x152: {  	v1 =	vld [tilespmem:s1+$0xFFFFFF20];
	[tilespmem:s16+$0xF0] =	vst v2;
	s16 =	smov.u32 s1  }
0x153: {  	v2 =	vld [tilespmem:s1+$0xFFFFFF30]  }
0x154: {  	v9 =	vld [tilespmem:s1+$0xFFFFFF40]  }
0x155: {  	v3 =	vadd.f32 v3, v4;
	v4 =	vld [tilespmem:s1+$0xFFFFFF50]  }
0x156: {  	v5 =	vadd.f32 v0, v5;
	v10 =	vld [tilespmem:s1+$0xFFFFFF60]  }
0x157: {  	[tilespmem:s1+$0xFFFFFF00] =	vst v3;
	v1 =	vadd.f32 v0, v1;
	v3 =	vld [tilespmem:s1+$0xFFFFFF70]  }
0x158: {  	[tilespmem:s1+$0xFFFFFF10] =	vst v5;
	v2 =	vadd.f32 v0, v2;
	v5 =	vld [tilespmem:s1+$0xFFFFFF80]  }
0x159: {  	[tilespmem:s1+$0xFFFFFF20] =	vst v1;
	v1 =	vadd.f32 v0, v9;
	v9 =	vld [tilespmem:s1+$0xFFFFFF90]  }
0x15a: {  	[tilespmem:s1+$0xFFFFFF30] =	vst v2;
	v2 =	vadd.f32 v0, v4;
	v4 =	vld [tilespmem:s1+$0xFFFFFFA0]  }
0x15b: {  	[tilespmem:s1+$0xFFFFFF40] =	vst v1;
	v1 =	vadd.f32 v0, v10;
	v10 =	vld [tilespmem:s1+$0xFFFFFFB0]  }
0x15c: {  	[tilespmem:s1+$0xFFFFFF50] =	vst v2;
	v2 =	vadd.f32 v0, v3;
	v3 =	vld [tilespmem:s1+$0xFFFFFFC0]  }
0x15d: {  	[tilespmem:s1+$0xFFFFFF60] =	vst v1;
	v1 =	vadd.f32 v8, v5;
	v5 =	vld [tilespmem:s1+$0xFFFFFFD0]  }
0x15e: {  	[tilespmem:s1+$0xFFFFFF70] =	vst v2;
	v2 =	vadd.f32 v0, v9;
	v8 =	vld [tilespmem:s1+$0xFFFFFFE0]  }
0x15f: {  	[tilespmem:s1+$0xFFFFFF80] =	vst v1;
	v1 =	vadd.f32 v0, v4;
	v4 =	vld [tilespmem:s1+$0xFFFFFFF0]  }
0x160: {  	[tilespmem:s1+$0xFFFFFF90] =	vst v2;
	v2 =	vadd.f32 v0, v10;
	v9 =	vld [tilespmem:s1+$0x0]  }
0x161: {  	[tilespmem:s1+$0xFFFFFFA0] =	vst v1;
	v1 =	vadd.f32 v0, v3;
	v3 =	vld [tilespmem:s1+$0x10]  }
0x162: {  	[tilespmem:s1+$0xFFFFFFB0] =	vst v2;
	v2 =	vadd.f32 v0, v5;
	v5 =	vld [tilespmem:s1+$0x20]  }
0x163: {  	[tilespmem:s1+$0xFFFFFFC0] =	vst v1;
	v1 =	vadd.f32 v0, v8;
	v8 =	vld [tilespmem:s1+$0x30]  }
0x164: {  	[tilespmem:s1+$0xFFFFFFD0] =	vst v2;
	v2 =	vadd.f32 v0, v4;
	v4 =	vld [tilespmem:s1+$0x40]  }
0x165: {  	[tilespmem:s1+$0xFFFFFFE0] =	vst v1;
	v1 =	vadd.f32 v7, v9;
	v7 =	vld [tilespmem:s1+$0x50]  }
0x166: {  	[tilespmem:s1+$0xFFFFFFF0] =	vst v2;
	v2 =	vadd.f32 v0, v3;
	v3 =	vld [tilespmem:s1+$0x60]  }
0x167: {  	[tilespmem:s1+$0x0] =	vst v1;
	v1 =	vadd.f32 v0, v5;
	v5 =	vld [tilespmem:s1+$0x70]  }
0x168: {  	[tilespmem:s1+$0x10] =	vst v2;
	v2 =	vadd.f32 v0, v8;
	v8 =	vld [tilespmem:s1+$0x80]  }
0x169: {  	[tilespmem:s1+$0x20] =	vst v1;
	v1 =	vadd.f32 v0, v4;
	v9 =	vld [tilespmem:s1+$0x90]  }
0x16a: {  	[tilespmem:s1+$0x30] =	vst v2;
	v4 =	vadd.f32 v0, v7;
	v10 =	vld [tilespmem:s1+$0xA0]  }
.Ltmp3:
0x16b: {  	[tilespmem:s1+$0x40] =	vst v1;
	v1 =	vadd.f32 v0, v3;
	v2 =	vld [tilespmem:s1+$0xB0];
	(pc) =	sbr.rel @p0 .LBB2_8-.Ltmp3, $4  }
0x16c: {  	[tilespmem:s1+$0x50] =	vst v4;
	v5 =	vadd.f32 v0, v5;
	v3 =	vld [tilespmem:s1+$0xC0]  }
0x16d: {  	[tilespmem:s1+$0x60] =	vst v1;
	v6 =	vadd.f32 v6, v8;
	v4 =	vld [tilespmem:s1+$0xD0]  }
0x16e: {  	[tilespmem:s1+$0x70] =	vst v5;
	v7 =	vadd.f32 v0, v9;
	v1 =	vld [tilespmem:s1+$0xE0]  }
0x16f: {  	s22 =	sadd.s32 $0x40, s22;
	[tilespmem:s1+$0x80] =	vst v6;
	v6 =	vadd.f32 v0, v10;
	v5 =	vld [tilespmem:s1+$0xF0]  }
0x170: {  	[tilespmem:s1+$0x90] =	vst v7;
	v2 =	vadd.f32 v0, v2  }
0x171: {  	[tilespmem:s1+$0xA0] =	vst v6;
	v3 =	vadd.f32 v0, v3  }
0x172: {  	[tilespmem:s16+$0xB0] =	vst v2;
	v2 =	vadd.f32 v0, v4  }
0x173: {  	[tilespmem:s16+$0xC0] =	vst v3;
	v1 =	vadd.f32 v0, v1  }
0x174: {  	[tilespmem:s16+$0xD0] =	vst v2;
	v2 =	vadd.f32 v0, v5  }
0x175: {  	[tilespmem:s16+$0xE0] =	vst v1  }
0x176: {  	s0 =	simm.s32 $0x0;
	[tilespmem:s16+$0xF0] =	vst v2  }
0x177: {  	[hbm4b:s9+s0] =	stream.linear.scatter [tilespmem:s23], [sflag:$0x2], $0x4000, $0x38;
	[tilespmem:$0x14400] =	vst v63  }
0x178: {  	_ =	swait.ge [sflag:s25], $0x4000  }
0x179: {  	[sflag:s25] =	ssyncset.done $0x0  }
0x17a: {  	[sflag:s25] =	ssyncadd.s32 $0xFFFFC000  }
0x17b: {  	[tilespmem:s23], [sflag:$0x1] =	stream.indirect.gather [hbm4b:s2+s17], $0x80, s30, s17, $0xb8;
	[tilespmem:$0x14400] =	vst v63  }
0x17c: {  	_ =	swait.ge [sflag:s24], $0x4000  }
0x17d: {  	[sflag:s24] =	ssyncset.done $0x0  }
0x17e: {  	s1 =	simm.s32 $0x4500;
	[sflag:s24] =	ssyncadd.s32 $0xFFFFC000  }
0x17f: {  	s22 =	sand.u32 $0x7C0, s0;
	v1 =	vld [tilespmem:s1+$0xFFFFFF00]  }
0x180: {  	v2 =	vld [tilespmem:s22+$0x2400]  }
0x181: {  	v3 =	vld [tilespmem:s1+$0xFFFFFF10]  }
0x182: {  	v4 =	vld [tilespmem:s1+$0xFFFFFF20]  }
0x183: {  	v5 =	vld [tilespmem:s1+$0xFFFFFF30]  }
0x184: {  	v6 =	vld [tilespmem:s1+$0xFFFFFF40]  }
0x185: {  	s26 =	simm.s32 $0x2430;
	v7 =	vld [tilespmem:s1+$0xFFFFFF60]  }
0x186: {  	v8 =	vld [tilespmem:s26+$0xFFFFFFE0]  }
0x187: {  	v9 =	vld [tilespmem:s1+$0xFFFFFF80]  }
0x188: {  	v10 =	vld [tilespmem:s1+$0xFFFFFF90];
	v1 =	vadd.f32 v2, v1  }
0x189: {  	v11 =	vld [tilespmem:s1+$0xFFFFFFA0];
	v3 =	vadd.f32 v0, v3  }
0x18a: {  	v59 =	vld [tilespmem:s1+$0x0];
	v4 =	vadd.f32 v0, v4;
	[tilespmem:s1+$0xFFFFFF00] =	vst v1  }
0x18b: {  	v62 =	vld [tilespmem:s1+$0x70];
	v7 =	vadd.f32 v0, v7;
	[tilespmem:s1+$0xFFFFFF10] =	vst v3  }
0x18c: {  	v2 =	vld [tilespmem:s1+$0xFFFFFF50];
	v3 =	vadd.f32 v0, v5;
	[tilespmem:s1+$0xFFFFFF20] =	vst v4  }
0x18d: {  	v1 =	vld [tilespmem:s1+$0xFFFFFF70];
	v4 =	vadd.f32 v0, v6;
	[tilespmem:s1+$0xFFFFFF60] =	vst v7  }
0x18e: {  	v5 =	vld [tilespmem:s1+$0xFFFFFFB0];
	v7 =	vadd.f32 v0, v10;
	[tilespmem:s1+$0xFFFFFF30] =	vst v3  }
0x18f: {  	v6 =	vld [tilespmem:s1+$0xFFFFFFC0];
	v3 =	vadd.f32 v8, v9;
	[tilespmem:s1+$0xFFFFFF40] =	vst v4  }
0x190: {  	v63 =	vadd.f32 v0, v62;
	v8 =	vld [tilespmem:s1+$0xFFFFFFD0];
	[tilespmem:s1+$0xFFFFFF90] =	vst v7  }
0x191: {  	v4 =	vld [tilespmem:s1+$0xFFFFFFE0];
	v2 =	vadd.f32 v0, v2;
	[tilespmem:s1+$0xFFFFFF80] =	vst v3  }
0x192: {  	v3 =	vld [tilespmem:s26+$0xFFFFFFF0];
	[tilespmem:s1+$0x70] =	vst v63;
	v1 =	vadd.f32 v0, v1  }
0x193: {  	v60 =	vld [tilespmem:s1+$0x10];
	[tilespmem:s1+$0xFFFFFF50] =	vst v2;
	v5 =	vadd.f32 v0, v5  }
0x194: {  	v2 =	vld [tilespmem:s1+$0xFFFFFFF0];
	[tilespmem:s1+$0xFFFFFF70] =	vst v1;
	v1 =	vadd.f32 v0, v11  }
0x195: {  	v7 =	vld [tilespmem:s1+$0x20];
	[tilespmem:s1+$0xFFFFFFB0] =	vst v5;
	v5 =	vadd.f32 v0, v8  }
0x196: {  	v8 =	vld [tilespmem:s1+$0x40];
	[tilespmem:s1+$0xFFFFFFA0] =	vst v1;
	v1 =	vadd.f32 v0, v6  }
0x197: {  	v4 =	vadd.f32 v0, v4;
	v6 =	vld [tilespmem:s1+$0x30];
	[tilespmem:s1+$0xFFFFFFD0] =	vst v5  }
0x198: {  	v61 =	vld [tilespmem:s26+$0x0];
	[tilespmem:s1+$0xFFFFFFC0] =	vst v1;
	v1 =	vadd.f32 v3, v59  }
0x199: {  	[tilespmem:s1+$0xFFFFFFE0] =	vst v4;
	v4 =	vld [tilespmem:s1+$0x80];
	v2 =	vadd.f32 v0, v2  }
0x19a: {  	v3 =	vld [tilespmem:s1+$0x50];
	[tilespmem:s1+$0x0] =	vst v1;
	v1 =	vadd.f32 v0, v60  }
0x19b: {  	v5 =	vld [tilespmem:s1+$0x60];
	[tilespmem:s1+$0xFFFFFFF0] =	vst v2;
	v2 =	vadd.f32 v0, v7  }
0x19c: {  	v7 =	vadd.f32 v0, v8;
	[tilespmem:s1+$0x10] =	vst v1;
	v1 =	vadd.f32 v0, v6;
	v6 =	vld [tilespmem:s1+$0x90]  }
0x19d: {  	v8 =	vld [tilespmem:s1+$0xA0];
	[tilespmem:s1+$0x20] =	vst v2  }
0x19e: {  	v2 =	vld [tilespmem:s1+$0xB0];
	[tilespmem:s1+$0x40] =	vst v7;
	v7 =	vadd.f32 v61, v4  }
0x19f: {  	[tilespmem:s1+$0x30] =	vst v1;
	v1 =	vadd.f32 v0, v3;
	v3 =	vld [tilespmem:s1+$0xC0]  }
0x1a0: {  	v5 =	vadd.f32 v0, v5;
	v4 =	vld [tilespmem:s1+$0xD0];
	[tilespmem:s1+$0x80] =	vst v7  }
0x1a1: {  	[tilespmem:s1+$0x50] =	vst v1;
	v1 =	vld [tilespmem:s1+$0xE0];
	v7 =	vadd.f32 v0, v6  }
0x1a2: {  	s20 =	simm.s32 $0x0;
	s16 =	simm.s32 $0x4500;
	s22 =	simm.s32 $0x2470;
	[tilespmem:s1+$0x60] =	vst v5;
	v5 =	vld [tilespmem:s1+$0xF0];
	v6 =	vadd.f32 v0, v8  }
.LBB2_10:
0x1a3: {  	v8 =	vld [tilespmem:s22+$0xFFFFFFE0];
	[tilespmem:s1+$0x90] =	vst v7;
	v2 =	vadd.f32 v0, v2  }
0x1a4: {  	v7 =	vld [tilespmem:s22+$0xFFFFFFF0];
	[tilespmem:s1+$0xA0] =	vst v6;
	v3 =	vadd.f32 v0, v3  }
0x1a5: {  	s0 =	sadd.s32 $0x40, s0;
	s1 =	sadd.s32 $0x200, s1;
	v6 =	vld [tilespmem:s22+$0x0];
	[tilespmem:s16+$0xB0] =	vst v2;
	v2 =	vadd.f32 v0, v4  }
0x1a6: {  	s20 =	sadd.s32 $0x4, s20;
	s26 =	sand.u32 $0x7C0, s0;
	v4 =	vld [tilespmem:s1+$0xFFFFFF00];
	[tilespmem:s16+$0xC0] =	vst v3;
	v1 =	vadd.f32 v0, v1  }
0x1a7: {  	p0 =	slt.u32 s20, $0x7C;
	v3 =	vld [tilespmem:s26+$0x2400];
	[tilespmem:s16+$0xD0] =	vst v2;
	v2 =	vadd.f32 v0, v5  }
0x1a8: {  	v5 =	vld [tilespmem:s1+$0xFFFFFF10];
	[tilespmem:s16+$0xE0] =	vst v1  }
0x1a9: {  	v1 =	vld [tilespmem:s1+$0xFFFFFF20];
	[tilespmem:s16+$0xF0] =	vst v2;
	s16 =	smov.u32 s1  }
0x1aa: {  	v2 =	vld [tilespmem:s1+$0xFFFFFF30]  }
0x1ab: {  	v9 =	vld [tilespmem:s1+$0xFFFFFF40]  }
0x1ac: {  	v3 =	vadd.f32 v3, v4;
	v4 =	vld [tilespmem:s1+$0xFFFFFF50]  }
0x1ad: {  	v5 =	vadd.f32 v0, v5;
	v10 =	vld [tilespmem:s1+$0xFFFFFF60]  }
0x1ae: {  	[tilespmem:s1+$0xFFFFFF00] =	vst v3;
	v1 =	vadd.f32 v0, v1;
	v3 =	vld [tilespmem:s1+$0xFFFFFF70]  }
0x1af: {  	[tilespmem:s1+$0xFFFFFF10] =	vst v5;
	v2 =	vadd.f32 v0, v2;
	v5 =	vld [tilespmem:s1+$0xFFFFFF80]  }
0x1b0: {  	[tilespmem:s1+$0xFFFFFF20] =	vst v1;
	v1 =	vadd.f32 v0, v9;
	v9 =	vld [tilespmem:s1+$0xFFFFFF90]  }
0x1b1: {  	[tilespmem:s1+$0xFFFFFF30] =	vst v2;
	v2 =	vadd.f32 v0, v4;
	v4 =	vld [tilespmem:s1+$0xFFFFFFA0]  }
0x1b2: {  	[tilespmem:s1+$0xFFFFFF40] =	vst v1;
	v1 =	vadd.f32 v0, v10;
	v10 =	vld [tilespmem:s1+$0xFFFFFFB0]  }
0x1b3: {  	[tilespmem:s1+$0xFFFFFF50] =	vst v2;
	v2 =	vadd.f32 v0, v3;
	v3 =	vld [tilespmem:s1+$0xFFFFFFC0]  }
0x1b4: {  	[tilespmem:s1+$0xFFFFFF60] =	vst v1;
	v1 =	vadd.f32 v8, v5;
	v5 =	vld [tilespmem:s1+$0xFFFFFFD0]  }
0x1b5: {  	[tilespmem:s1+$0xFFFFFF70] =	vst v2;
	v2 =	vadd.f32 v0, v9;
	v8 =	vld [tilespmem:s1+$0xFFFFFFE0]  }
0x1b6: {  	[tilespmem:s1+$0xFFFFFF80] =	vst v1;
	v1 =	vadd.f32 v0, v4;
	v4 =	vld [tilespmem:s1+$0xFFFFFFF0]  }
0x1b7: {  	[tilespmem:s1+$0xFFFFFF90] =	vst v2;
	v2 =	vadd.f32 v0, v10;
	v9 =	vld [tilespmem:s1+$0x0]  }
0x1b8: {  	[tilespmem:s1+$0xFFFFFFA0] =	vst v1;
	v1 =	vadd.f32 v0, v3;
	v3 =	vld [tilespmem:s1+$0x10]  }
0x1b9: {  	[tilespmem:s1+$0xFFFFFFB0] =	vst v2;
	v2 =	vadd.f32 v0, v5;
	v5 =	vld [tilespmem:s1+$0x20]  }
0x1ba: {  	[tilespmem:s1+$0xFFFFFFC0] =	vst v1;
	v1 =	vadd.f32 v0, v8;
	v8 =	vld [tilespmem:s1+$0x30]  }
0x1bb: {  	[tilespmem:s1+$0xFFFFFFD0] =	vst v2;
	v2 =	vadd.f32 v0, v4;
	v4 =	vld [tilespmem:s1+$0x40]  }
0x1bc: {  	[tilespmem:s1+$0xFFFFFFE0] =	vst v1;
	v1 =	vadd.f32 v7, v9;
	v7 =	vld [tilespmem:s1+$0x50]  }
0x1bd: {  	[tilespmem:s1+$0xFFFFFFF0] =	vst v2;
	v2 =	vadd.f32 v0, v3;
	v3 =	vld [tilespmem:s1+$0x60]  }
0x1be: {  	[tilespmem:s1+$0x0] =	vst v1;
	v1 =	vadd.f32 v0, v5;
	v5 =	vld [tilespmem:s1+$0x70]  }
0x1bf: {  	[tilespmem:s1+$0x10] =	vst v2;
	v2 =	vadd.f32 v0, v8;
	v8 =	vld [tilespmem:s1+$0x80]  }
0x1c0: {  	[tilespmem:s1+$0x20] =	vst v1;
	v1 =	vadd.f32 v0, v4;
	v9 =	vld [tilespmem:s1+$0x90]  }
0x1c1: {  	[tilespmem:s1+$0x30] =	vst v2;
	v4 =	vadd.f32 v0, v7;
	v10 =	vld [tilespmem:s1+$0xA0]  }
.Ltmp4:
0x1c2: {  	[tilespmem:s1+$0x40] =	vst v1;
	v1 =	vadd.f32 v0, v3;
	v2 =	vld [tilespmem:s1+$0xB0];
	(pc) =	sbr.rel @p0 .LBB2_10-.Ltmp4, $4  }
0x1c3: {  	[tilespmem:s1+$0x50] =	vst v4;
	v5 =	vadd.f32 v0, v5;
	v3 =	vld [tilespmem:s1+$0xC0]  }
0x1c4: {  	[tilespmem:s1+$0x60] =	vst v1;
	v6 =	vadd.f32 v6, v8;
	v4 =	vld [tilespmem:s1+$0xD0]  }
0x1c5: {  	[tilespmem:s1+$0x70] =	vst v5;
	v7 =	vadd.f32 v0, v9;
	v1 =	vld [tilespmem:s1+$0xE0]  }
0x1c6: {  	s22 =	sadd.s32 $0x40, s22;
	[tilespmem:s1+$0x80] =	vst v6;
	v6 =	vadd.f32 v0, v10;
	v5 =	vld [tilespmem:s1+$0xF0]  }
0x1c7: {  	[tilespmem:s1+$0x90] =	vst v7;
	v2 =	vadd.f32 v0, v2  }
0x1c8: {  	[tilespmem:s1+$0xA0] =	vst v6;
	v3 =	vadd.f32 v0, v3  }
0x1c9: {  	[tilespmem:s16+$0xB0] =	vst v2;
	v2 =	vadd.f32 v0, v4  }
0x1ca: {  	[tilespmem:s16+$0xC0] =	vst v3;
	v1 =	vadd.f32 v0, v1  }
0x1cb: {  	[tilespmem:s16+$0xD0] =	vst v2;
	v2 =	vadd.f32 v0, v5  }
0x1cc: {  	[tilespmem:s16+$0xE0] =	vst v1  }
0x1cd: {  	s0 =	simm.s32 $0x0;
	[tilespmem:s16+$0xF0] =	vst v2  }
0x1ce: {  	[hbm4b:s10+s0] =	stream.linear.scatter [tilespmem:s18], [sflag:$0x2], $0x4000, $0x38;
	[tilespmem:$0x14400] =	vst v63  }
0x1cf: {  	_ =	swait.ge [sflag:s24], $0x4000  }
0x1d0: {  	[sflag:s24] =	ssyncset.done $0x0  }
0x1d1: {  	s1 =	simm.s32 $0x8500;
	[sflag:s24] =	ssyncadd.s32 $0xFFFFC000  }
0x1d2: {  	s22 =	sand.u32 $0x7C0, s0;
	v1 =	vld [tilespmem:s1+$0xFFFFFF00]  }
0x1d3: {  	v2 =	vld [tilespmem:s22+$0x2C00]  }
0x1d4: {  	v3 =	vld [tilespmem:s1+$0xFFFFFF10]  }
0x1d5: {  	v4 =	vld [tilespmem:s1+$0xFFFFFF20]  }
0x1d6: {  	v5 =	vld [tilespmem:s1+$0xFFFFFF30]  }
0x1d7: {  	v6 =	vld [tilespmem:s1+$0xFFFFFF40]  }
0x1d8: {  	s26 =	simm.s32 $0x2C30;
	v7 =	vld [tilespmem:s1+$0xFFFFFF60]  }
0x1d9: {  	v8 =	vld [tilespmem:s26+$0xFFFFFFE0]  }
0x1da: {  	v9 =	vld [tilespmem:s1+$0xFFFFFF80]  }
0x1db: {  	v10 =	vld [tilespmem:s1+$0xFFFFFF90];
	v1 =	vadd.f32 v2, v1  }
0x1dc: {  	v11 =	vld [tilespmem:s1+$0xFFFFFFA0];
	v3 =	vadd.f32 v0, v3  }
0x1dd: {  	v59 =	vld [tilespmem:s1+$0x0];
	v4 =	vadd.f32 v0, v4;
	[tilespmem:s1+$0xFFFFFF00] =	vst v1  }
0x1de: {  	v62 =	vld [tilespmem:s1+$0x70];
	v7 =	vadd.f32 v0, v7;
	[tilespmem:s1+$0xFFFFFF10] =	vst v3  }
0x1df: {  	v2 =	vld [tilespmem:s1+$0xFFFFFF50];
	v3 =	vadd.f32 v0, v5;
	[tilespmem:s1+$0xFFFFFF20] =	vst v4  }
0x1e0: {  	v1 =	vld [tilespmem:s1+$0xFFFFFF70];
	v4 =	vadd.f32 v0, v6;
	[tilespmem:s1+$0xFFFFFF60] =	vst v7  }
0x1e1: {  	v5 =	vld [tilespmem:s1+$0xFFFFFFB0];
	v7 =	vadd.f32 v0, v10;
	[tilespmem:s1+$0xFFFFFF30] =	vst v3  }
0x1e2: {  	v6 =	vld [tilespmem:s1+$0xFFFFFFC0];
	v3 =	vadd.f32 v8, v9;
	[tilespmem:s1+$0xFFFFFF40] =	vst v4  }
0x1e3: {  	v63 =	vadd.f32 v0, v62;
	v8 =	vld [tilespmem:s1+$0xFFFFFFD0];
	[tilespmem:s1+$0xFFFFFF90] =	vst v7  }
0x1e4: {  	v4 =	vld [tilespmem:s1+$0xFFFFFFE0];
	v2 =	vadd.f32 v0, v2;
	[tilespmem:s1+$0xFFFFFF80] =	vst v3  }
0x1e5: {  	v3 =	vld [tilespmem:s26+$0xFFFFFFF0];
	[tilespmem:s1+$0x70] =	vst v63;
	v1 =	vadd.f32 v0, v1  }
0x1e6: {  	v60 =	vld [tilespmem:s1+$0x10];
	[tilespmem:s1+$0xFFFFFF50] =	vst v2;
	v5 =	vadd.f32 v0, v5  }
0x1e7: {  	v2 =	vld [tilespmem:s1+$0xFFFFFFF0];
	[tilespmem:s1+$0xFFFFFF70] =	vst v1;
	v1 =	vadd.f32 v0, v11  }
0x1e8: {  	v7 =	vld [tilespmem:s1+$0x20];
	[tilespmem:s1+$0xFFFFFFB0] =	vst v5;
	v5 =	vadd.f32 v0, v8  }
0x1e9: {  	v8 =	vld [tilespmem:s1+$0x40];
	[tilespmem:s1+$0xFFFFFFA0] =	vst v1;
	v1 =	vadd.f32 v0, v6  }
0x1ea: {  	v4 =	vadd.f32 v0, v4;
	v6 =	vld [tilespmem:s1+$0x30];
	[tilespmem:s1+$0xFFFFFFD0] =	vst v5  }
0x1eb: {  	v61 =	vld [tilespmem:s26+$0x0];
	[tilespmem:s1+$0xFFFFFFC0] =	vst v1;
	v1 =	vadd.f32 v3, v59  }
0x1ec: {  	[tilespmem:s1+$0xFFFFFFE0] =	vst v4;
	v4 =	vld [tilespmem:s1+$0x80];
	v2 =	vadd.f32 v0, v2  }
0x1ed: {  	v3 =	vld [tilespmem:s1+$0x50];
	[tilespmem:s1+$0x0] =	vst v1;
	v1 =	vadd.f32 v0, v60  }
0x1ee: {  	v5 =	vld [tilespmem:s1+$0x60];
	[tilespmem:s1+$0xFFFFFFF0] =	vst v2;
	v2 =	vadd.f32 v0, v7  }
0x1ef: {  	v7 =	vadd.f32 v0, v8;
	[tilespmem:s1+$0x10] =	vst v1;
	v1 =	vadd.f32 v0, v6;
	v6 =	vld [tilespmem:s1+$0x90]  }
0x1f0: {  	v8 =	vld [tilespmem:s1+$0xA0];
	[tilespmem:s1+$0x20] =	vst v2  }
0x1f1: {  	v2 =	vld [tilespmem:s1+$0xB0];
	[tilespmem:s1+$0x40] =	vst v7;
	v7 =	vadd.f32 v61, v4  }
0x1f2: {  	[tilespmem:s1+$0x30] =	vst v1;
	v1 =	vadd.f32 v0, v3;
	v3 =	vld [tilespmem:s1+$0xC0]  }
0x1f3: {  	v5 =	vadd.f32 v0, v5;
	v4 =	vld [tilespmem:s1+$0xD0];
	[tilespmem:s1+$0x80] =	vst v7  }
0x1f4: {  	[tilespmem:s1+$0x50] =	vst v1;
	v1 =	vld [tilespmem:s1+$0xE0];
	v7 =	vadd.f32 v0, v6  }
0x1f5: {  	s20 =	simm.s32 $0x0;
	s16 =	simm.s32 $0x8500;
	s22 =	simm.s32 $0x2C70;
	[tilespmem:s1+$0x60] =	vst v5;
	v5 =	vld [tilespmem:s1+$0xF0];
	v6 =	vadd.f32 v0, v8  }
.LBB2_12:
0x1f6: {  	v8 =	vld [tilespmem:s22+$0xFFFFFFE0];
	[tilespmem:s1+$0x90] =	vst v7;
	v2 =	vadd.f32 v0, v2  }
0x1f7: {  	v7 =	vld [tilespmem:s22+$0xFFFFFFF0];
	[tilespmem:s1+$0xA0] =	vst v6;
	v3 =	vadd.f32 v0, v3  }
0x1f8: {  	s0 =	sadd.s32 $0x40, s0;
	s1 =	sadd.s32 $0x200, s1;
	v6 =	vld [tilespmem:s22+$0x0];
	[tilespmem:s16+$0xB0] =	vst v2;
	v2 =	vadd.f32 v0, v4  }
0x1f9: {  	s20 =	sadd.s32 $0x4, s20;
	s26 =	sand.u32 $0x7C0, s0;
	v4 =	vld [tilespmem:s1+$0xFFFFFF00];
	[tilespmem:s16+$0xC0] =	vst v3;
	v1 =	vadd.f32 v0, v1  }
0x1fa: {  	p0 =	slt.u32 s20, $0x7C;
	v3 =	vld [tilespmem:s26+$0x2C00];
	[tilespmem:s16+$0xD0] =	vst v2;
	v2 =	vadd.f32 v0, v5  }
0x1fb: {  	v5 =	vld [tilespmem:s1+$0xFFFFFF10];
	[tilespmem:s16+$0xE0] =	vst v1  }
0x1fc: {  	v1 =	vld [tilespmem:s1+$0xFFFFFF20];
	[tilespmem:s16+$0xF0] =	vst v2;
	s16 =	smov.u32 s1  }
0x1fd: {  	v2 =	vld [tilespmem:s1+$0xFFFFFF30]  }
0x1fe: {  	v9 =	vld [tilespmem:s1+$0xFFFFFF40]  }
0x1ff: {  	v3 =	vadd.f32 v3, v4;
	v4 =	vld [tilespmem:s1+$0xFFFFFF50]  }
0x200: {  	v5 =	vadd.f32 v0, v5;
	v10 =	vld [tilespmem:s1+$0xFFFFFF60]  }
0x201: {  	[tilespmem:s1+$0xFFFFFF00] =	vst v3;
	v1 =	vadd.f32 v0, v1;
	v3 =	vld [tilespmem:s1+$0xFFFFFF70]  }
0x202: {  	[tilespmem:s1+$0xFFFFFF10] =	vst v5;
	v2 =	vadd.f32 v0, v2;
	v5 =	vld [tilespmem:s1+$0xFFFFFF80]  }
0x203: {  	[tilespmem:s1+$0xFFFFFF20] =	vst v1;
	v1 =	vadd.f32 v0, v9;
	v9 =	vld [tilespmem:s1+$0xFFFFFF90]  }
0x204: {  	[tilespmem:s1+$0xFFFFFF30] =	vst v2;
	v2 =	vadd.f32 v0, v4;
	v4 =	vld [tilespmem:s1+$0xFFFFFFA0]  }
0x205: {  	[tilespmem:s1+$0xFFFFFF40] =	vst v1;
	v1 =	vadd.f32 v0, v10;
	v10 =	vld [tilespmem:s1+$0xFFFFFFB0]  }
0x206: {  	[tilespmem:s1+$0xFFFFFF50] =	vst v2;
	v2 =	vadd.f32 v0, v3;
	v3 =	vld [tilespmem:s1+$0xFFFFFFC0]  }
0x207: {  	[tilespmem:s1+$0xFFFFFF60] =	vst v1;
	v1 =	vadd.f32 v8, v5;
	v5 =	vld [tilespmem:s1+$0xFFFFFFD0]  }
0x208: {  	[tilespmem:s1+$0xFFFFFF70] =	vst v2;
	v2 =	vadd.f32 v0, v9;
	v8 =	vld [tilespmem:s1+$0xFFFFFFE0]  }
0x209: {  	[tilespmem:s1+$0xFFFFFF80] =	vst v1;
	v1 =	vadd.f32 v0, v4;
	v4 =	vld [tilespmem:s1+$0xFFFFFFF0]  }
0x20a: {  	[tilespmem:s1+$0xFFFFFF90] =	vst v2;
	v2 =	vadd.f32 v0, v10;
	v9 =	vld [tilespmem:s1+$0x0]  }
0x20b: {  	[tilespmem:s1+$0xFFFFFFA0] =	vst v1;
	v1 =	vadd.f32 v0, v3;
	v3 =	vld [tilespmem:s1+$0x10]  }
0x20c: {  	[tilespmem:s1+$0xFFFFFFB0] =	vst v2;
	v2 =	vadd.f32 v0, v5;
	v5 =	vld [tilespmem:s1+$0x20]  }
0x20d: {  	[tilespmem:s1+$0xFFFFFFC0] =	vst v1;
	v1 =	vadd.f32 v0, v8;
	v8 =	vld [tilespmem:s1+$0x30]  }
0x20e: {  	[tilespmem:s1+$0xFFFFFFD0] =	vst v2;
	v2 =	vadd.f32 v0, v4;
	v4 =	vld [tilespmem:s1+$0x40]  }
0x20f: {  	[tilespmem:s1+$0xFFFFFFE0] =	vst v1;
	v1 =	vadd.f32 v7, v9;
	v7 =	vld [tilespmem:s1+$0x50]  }
0x210: {  	[tilespmem:s1+$0xFFFFFFF0] =	vst v2;
	v2 =	vadd.f32 v0, v3;
	v3 =	vld [tilespmem:s1+$0x60]  }
0x211: {  	[tilespmem:s1+$0x0] =	vst v1;
	v1 =	vadd.f32 v0, v5;
	v5 =	vld [tilespmem:s1+$0x70]  }
0x212: {  	[tilespmem:s1+$0x10] =	vst v2;
	v2 =	vadd.f32 v0, v8;
	v8 =	vld [tilespmem:s1+$0x80]  }
0x213: {  	[tilespmem:s1+$0x20] =	vst v1;
	v1 =	vadd.f32 v0, v4;
	v9 =	vld [tilespmem:s1+$0x90]  }
0x214: {  	[tilespmem:s1+$0x30] =	vst v2;
	v4 =	vadd.f32 v0, v7;
	v10 =	vld [tilespmem:s1+$0xA0]  }
.Ltmp5:
0x215: {  	[tilespmem:s1+$0x40] =	vst v1;
	v1 =	vadd.f32 v0, v3;
	v2 =	vld [tilespmem:s1+$0xB0];
	(pc) =	sbr.rel @p0 .LBB2_12-.Ltmp5, $4  }
0x216: {  	[tilespmem:s1+$0x50] =	vst v4;
	v5 =	vadd.f32 v0, v5;
	v3 =	vld [tilespmem:s1+$0xC0]  }
0x217: {  	[tilespmem:s1+$0x60] =	vst v1;
	v6 =	vadd.f32 v6, v8;
	v4 =	vld [tilespmem:s1+$0xD0]  }
0x218: {  	[tilespmem:s1+$0x70] =	vst v5;
	v7 =	vadd.f32 v0, v9;
	v1 =	vld [tilespmem:s1+$0xE0]  }
0x219: {  	s22 =	sadd.s32 $0x40, s22;
	[tilespmem:s1+$0x80] =	vst v6;
	v6 =	vadd.f32 v0, v10;
	v5 =	vld [tilespmem:s1+$0xF0]  }
0x21a: {  	[tilespmem:s1+$0x90] =	vst v7;
	v2 =	vadd.f32 v0, v2  }
0x21b: {  	[tilespmem:s1+$0xA0] =	vst v6;
	v3 =	vadd.f32 v0, v3  }
0x21c: {  	[tilespmem:s16+$0xB0] =	vst v2;
	v2 =	vadd.f32 v0, v4  }
0x21d: {  	[tilespmem:s16+$0xC0] =	vst v3;
	v1 =	vadd.f32 v0, v1  }
0x21e: {  	[tilespmem:s16+$0xD0] =	vst v2;
	v2 =	vadd.f32 v0, v5  }
0x21f: {  	[tilespmem:s16+$0xE0] =	vst v1  }
0x220: {  	s0 =	simm.s32 $0x0;
	[tilespmem:s16+$0xF0] =	vst v2  }
0x221: {  	[hbm4b:s11+s0] =	stream.linear.scatter [tilespmem:s19], [sflag:$0x2], $0x4000, $0x38;
	[tilespmem:$0x14400] =	vst v63  }
0x222: {  	_ =	swait.ge [sflag:s24], $0x4000  }
0x223: {  	[sflag:s24] =	ssyncset.done $0x0  }
0x224: {  	s1 =	simm.s32 $0xC500;
	[sflag:s24] =	ssyncadd.s32 $0xFFFFC000  }
0x225: {  	s22 =	sand.u32 $0x7C0, s0;
	v1 =	vld [tilespmem:s1+$0xFFFFFF00]  }
0x226: {  	v2 =	vld [tilespmem:s22+$0x3400]  }
0x227: {  	v3 =	vld [tilespmem:s1+$0xFFFFFF10]  }
0x228: {  	v4 =	vld [tilespmem:s1+$0xFFFFFF20]  }
0x229: {  	v5 =	vld [tilespmem:s1+$0xFFFFFF30]  }
0x22a: {  	v6 =	vld [tilespmem:s1+$0xFFFFFF40]  }
0x22b: {  	s26 =	simm.s32 $0x3430;
	v7 =	vld [tilespmem:s1+$0xFFFFFF60]  }
0x22c: {  	v8 =	vld [tilespmem:s26+$0xFFFFFFE0]  }
0x22d: {  	v9 =	vld [tilespmem:s1+$0xFFFFFF80]  }
0x22e: {  	v10 =	vld [tilespmem:s1+$0xFFFFFF90];
	v1 =	vadd.f32 v2, v1  }
0x22f: {  	v11 =	vld [tilespmem:s1+$0xFFFFFFA0];
	v3 =	vadd.f32 v0, v3  }
0x230: {  	v59 =	vld [tilespmem:s1+$0x0];
	v4 =	vadd.f32 v0, v4;
	[tilespmem:s1+$0xFFFFFF00] =	vst v1  }
0x231: {  	v62 =	vld [tilespmem:s1+$0x70];
	v7 =	vadd.f32 v0, v7;
	[tilespmem:s1+$0xFFFFFF10] =	vst v3  }
0x232: {  	v2 =	vld [tilespmem:s1+$0xFFFFFF50];
	v3 =	vadd.f32 v0, v5;
	[tilespmem:s1+$0xFFFFFF20] =	vst v4  }
0x233: {  	v1 =	vld [tilespmem:s1+$0xFFFFFF70];
	v4 =	vadd.f32 v0, v6;
	[tilespmem:s1+$0xFFFFFF60] =	vst v7  }
0x234: {  	v5 =	vld [tilespmem:s1+$0xFFFFFFB0];
	v7 =	vadd.f32 v0, v10;
	[tilespmem:s1+$0xFFFFFF30] =	vst v3  }
0x235: {  	v6 =	vld [tilespmem:s1+$0xFFFFFFC0];
	v3 =	vadd.f32 v8, v9;
	[tilespmem:s1+$0xFFFFFF40] =	vst v4  }
0x236: {  	v63 =	vadd.f32 v0, v62;
	v8 =	vld [tilespmem:s1+$0xFFFFFFD0];
	[tilespmem:s1+$0xFFFFFF90] =	vst v7  }
0x237: {  	v4 =	vld [tilespmem:s1+$0xFFFFFFE0];
	v2 =	vadd.f32 v0, v2;
	[tilespmem:s1+$0xFFFFFF80] =	vst v3  }
0x238: {  	v3 =	vld [tilespmem:s26+$0xFFFFFFF0];
	[tilespmem:s1+$0x70] =	vst v63;
	v1 =	vadd.f32 v0, v1  }
0x239: {  	v60 =	vld [tilespmem:s1+$0x10];
	[tilespmem:s1+$0xFFFFFF50] =	vst v2;
	v5 =	vadd.f32 v0, v5  }
0x23a: {  	v2 =	vld [tilespmem:s1+$0xFFFFFFF0];
	[tilespmem:s1+$0xFFFFFF70] =	vst v1;
	v1 =	vadd.f32 v0, v11  }
0x23b: {  	v7 =	vld [tilespmem:s1+$0x20];
	[tilespmem:s1+$0xFFFFFFB0] =	vst v5;
	v5 =	vadd.f32 v0, v8  }
0x23c: {  	v8 =	vld [tilespmem:s1+$0x40];
	[tilespmem:s1+$0xFFFFFFA0] =	vst v1;
	v1 =	vadd.f32 v0, v6  }
0x23d: {  	v4 =	vadd.f32 v0, v4;
	v6 =	vld [tilespmem:s1+$0x30];
	[tilespmem:s1+$0xFFFFFFD0] =	vst v5  }
0x23e: {  	v61 =	vld [tilespmem:s26+$0x0];
	[tilespmem:s1+$0xFFFFFFC0] =	vst v1;
	v1 =	vadd.f32 v3, v59  }
0x23f: {  	[tilespmem:s1+$0xFFFFFFE0] =	vst v4;
	v4 =	vld [tilespmem:s1+$0x80];
	v2 =	vadd.f32 v0, v2  }
0x240: {  	v3 =	vld [tilespmem:s1+$0x50];
	[tilespmem:s1+$0x0] =	vst v1;
	v1 =	vadd.f32 v0, v60  }
0x241: {  	v5 =	vld [tilespmem:s1+$0x60];
	[tilespmem:s1+$0xFFFFFFF0] =	vst v2;
	v2 =	vadd.f32 v0, v7  }
0x242: {  	v7 =	vadd.f32 v0, v8;
	[tilespmem:s1+$0x10] =	vst v1;
	v1 =	vadd.f32 v0, v6;
	v6 =	vld [tilespmem:s1+$0x90]  }
0x243: {  	v8 =	vld [tilespmem:s1+$0xA0];
	[tilespmem:s1+$0x20] =	vst v2  }
0x244: {  	v2 =	vld [tilespmem:s1+$0xB0];
	[tilespmem:s1+$0x40] =	vst v7;
	v7 =	vadd.f32 v61, v4  }
0x245: {  	[tilespmem:s1+$0x30] =	vst v1;
	v1 =	vadd.f32 v0, v3;
	v3 =	vld [tilespmem:s1+$0xC0]  }
0x246: {  	v5 =	vadd.f32 v0, v5;
	v4 =	vld [tilespmem:s1+$0xD0];
	[tilespmem:s1+$0x80] =	vst v7  }
0x247: {  	[tilespmem:s1+$0x50] =	vst v1;
	v1 =	vld [tilespmem:s1+$0xE0];
	v7 =	vadd.f32 v0, v6  }
0x248: {  	s20 =	simm.s32 $0x0;
	s16 =	simm.s32 $0xC500;
	s22 =	simm.s32 $0x3470;
	[tilespmem:s1+$0x60] =	vst v5;
	v5 =	vld [tilespmem:s1+$0xF0];
	v6 =	vadd.f32 v0, v8  }
.LBB2_14:
0x249: {  	v8 =	vld [tilespmem:s22+$0xFFFFFFE0];
	[tilespmem:s1+$0x90] =	vst v7;
	v2 =	vadd.f32 v0, v2  }
0x24a: {  	v7 =	vld [tilespmem:s22+$0xFFFFFFF0];
	[tilespmem:s1+$0xA0] =	vst v6;
	v3 =	vadd.f32 v0, v3  }
0x24b: {  	s0 =	sadd.s32 $0x40, s0;
	s1 =	sadd.s32 $0x200, s1;
	v6 =	vld [tilespmem:s22+$0x0];
	[tilespmem:s16+$0xB0] =	vst v2;
	v2 =	vadd.f32 v0, v4  }
0x24c: {  	s20 =	sadd.s32 $0x4, s20;
	s26 =	sand.u32 $0x7C0, s0;
	v4 =	vld [tilespmem:s1+$0xFFFFFF00];
	[tilespmem:s16+$0xC0] =	vst v3;
	v1 =	vadd.f32 v0, v1  }
0x24d: {  	p0 =	slt.u32 s20, $0x7C;
	v3 =	vld [tilespmem:s26+$0x3400];
	[tilespmem:s16+$0xD0] =	vst v2;
	v2 =	vadd.f32 v0, v5  }
0x24e: {  	v5 =	vld [tilespmem:s1+$0xFFFFFF10];
	[tilespmem:s16+$0xE0] =	vst v1  }
0x24f: {  	v1 =	vld [tilespmem:s1+$0xFFFFFF20];
	[tilespmem:s16+$0xF0] =	vst v2;
	s16 =	smov.u32 s1  }
0x250: {  	v2 =	vld [tilespmem:s1+$0xFFFFFF30]  }
0x251: {  	v9 =	vld [tilespmem:s1+$0xFFFFFF40]  }
0x252: {  	v3 =	vadd.f32 v3, v4;
	v4 =	vld [tilespmem:s1+$0xFFFFFF50]  }
0x253: {  	v5 =	vadd.f32 v0, v5;
	v10 =	vld [tilespmem:s1+$0xFFFFFF60]  }
0x254: {  	[tilespmem:s1+$0xFFFFFF00] =	vst v3;
	v1 =	vadd.f32 v0, v1;
	v3 =	vld [tilespmem:s1+$0xFFFFFF70]  }
0x255: {  	[tilespmem:s1+$0xFFFFFF10] =	vst v5;
	v2 =	vadd.f32 v0, v2;
	v5 =	vld [tilespmem:s1+$0xFFFFFF80]  }
0x256: {  	[tilespmem:s1+$0xFFFFFF20] =	vst v1;
	v1 =	vadd.f32 v0, v9;
	v9 =	vld [tilespmem:s1+$0xFFFFFF90]  }
0x257: {  	[tilespmem:s1+$0xFFFFFF30] =	vst v2;
	v2 =	vadd.f32 v0, v4;
	v4 =	vld [tilespmem:s1+$0xFFFFFFA0]  }
0x258: {  	[tilespmem:s1+$0xFFFFFF40] =	vst v1;
	v1 =	vadd.f32 v0, v10;
	v10 =	vld [tilespmem:s1+$0xFFFFFFB0]  }
0x259: {  	[tilespmem:s1+$0xFFFFFF50] =	vst v2;
	v2 =	vadd.f32 v0, v3;
	v3 =	vld [tilespmem:s1+$0xFFFFFFC0]  }
0x25a: {  	[tilespmem:s1+$0xFFFFFF60] =	vst v1;
	v1 =	vadd.f32 v8, v5;
	v5 =	vld [tilespmem:s1+$0xFFFFFFD0]  }
0x25b: {  	[tilespmem:s1+$0xFFFFFF70] =	vst v2;
	v2 =	vadd.f32 v0, v9;
	v8 =	vld [tilespmem:s1+$0xFFFFFFE0]  }
0x25c: {  	[tilespmem:s1+$0xFFFFFF80] =	vst v1;
	v1 =	vadd.f32 v0, v4;
	v4 =	vld [tilespmem:s1+$0xFFFFFFF0]  }
0x25d: {  	[tilespmem:s1+$0xFFFFFF90] =	vst v2;
	v2 =	vadd.f32 v0, v10;
	v9 =	vld [tilespmem:s1+$0x0]  }
0x25e: {  	[tilespmem:s1+$0xFFFFFFA0] =	vst v1;
	v1 =	vadd.f32 v0, v3;
	v3 =	vld [tilespmem:s1+$0x10]  }
0x25f: {  	[tilespmem:s1+$0xFFFFFFB0] =	vst v2;
	v2 =	vadd.f32 v0, v5;
	v5 =	vld [tilespmem:s1+$0x20]  }
0x260: {  	[tilespmem:s1+$0xFFFFFFC0] =	vst v1;
	v1 =	vadd.f32 v0, v8;
	v8 =	vld [tilespmem:s1+$0x30]  }
0x261: {  	[tilespmem:s1+$0xFFFFFFD0] =	vst v2;
	v2 =	vadd.f32 v0, v4;
	v4 =	vld [tilespmem:s1+$0x40]  }
0x262: {  	[tilespmem:s1+$0xFFFFFFE0] =	vst v1;
	v1 =	vadd.f32 v7, v9;
	v7 =	vld [tilespmem:s1+$0x50]  }
0x263: {  	[tilespmem:s1+$0xFFFFFFF0] =	vst v2;
	v2 =	vadd.f32 v0, v3;
	v3 =	vld [tilespmem:s1+$0x60]  }
0x264: {  	[tilespmem:s1+$0x0] =	vst v1;
	v1 =	vadd.f32 v0, v5;
	v5 =	vld [tilespmem:s1+$0x70]  }
0x265: {  	[tilespmem:s1+$0x10] =	vst v2;
	v2 =	vadd.f32 v0, v8;
	v8 =	vld [tilespmem:s1+$0x80]  }
0x266: {  	[tilespmem:s1+$0x20] =	vst v1;
	v1 =	vadd.f32 v0, v4;
	v9 =	vld [tilespmem:s1+$0x90]  }
0x267: {  	[tilespmem:s1+$0x30] =	vst v2;
	v4 =	vadd.f32 v0, v7;
	v10 =	vld [tilespmem:s1+$0xA0]  }
.Ltmp6:
0x268: {  	[tilespmem:s1+$0x40] =	vst v1;
	v1 =	vadd.f32 v0, v3;
	v2 =	vld [tilespmem:s1+$0xB0];
	(pc) =	sbr.rel @p0 .LBB2_14-.Ltmp6, $4  }
0x269: {  	[tilespmem:s1+$0x50] =	vst v4;
	v5 =	vadd.f32 v0, v5;
	v3 =	vld [tilespmem:s1+$0xC0]  }
0x26a: {  	[tilespmem:s1+$0x60] =	vst v1;
	v6 =	vadd.f32 v6, v8;
	v4 =	vld [tilespmem:s1+$0xD0]  }
0x26b: {  	[tilespmem:s1+$0x70] =	vst v5;
	v7 =	vadd.f32 v0, v9;
	v1 =	vld [tilespmem:s1+$0xE0]  }
0x26c: {  	s22 =	sadd.s32 $0x40, s22;
	[tilespmem:s1+$0x80] =	vst v6;
	v6 =	vadd.f32 v0, v10;
	v5 =	vld [tilespmem:s1+$0xF0]  }
0x26d: {  	[tilespmem:s1+$0x90] =	vst v7;
	v2 =	vadd.f32 v0, v2  }
0x26e: {  	[tilespmem:s1+$0xA0] =	vst v6;
	v3 =	vadd.f32 v0, v3  }
0x26f: {  	[tilespmem:s16+$0xB0] =	vst v2;
	v2 =	vadd.f32 v0, v4  }
0x270: {  	[tilespmem:s16+$0xC0] =	vst v3;
	v1 =	vadd.f32 v0, v1  }
0x271: {  	[tilespmem:s16+$0xD0] =	vst v2;
	v2 =	vadd.f32 v0, v5  }
0x272: {  	[tilespmem:s16+$0xE0] =	vst v1  }
0x273: {  	s0 =	simm.s32 $0x0;
	[tilespmem:s16+$0xF0] =	vst v2  }
0x274: {  	[hbm4b:s12+s0] =	stream.linear.scatter [tilespmem:s21], [sflag:$0x2], $0x4000, $0x38;
	[tilespmem:$0x14400] =	vst v63  }
0x275: {  	_ =	swait.ge [sflag:s24], $0x4000  }
0x276: {  	[sflag:s24] =	ssyncset.done $0x0  }
0x277: {  	s1 =	simm.s32 $0x10500;
	[sflag:s24] =	ssyncadd.s32 $0xFFFFC000  }
0x278: {  	s22 =	sand.u32 $0x7C0, s0;
	v1 =	vld [tilespmem:s1+$0xFFFFFF00]  }
0x279: {  	v2 =	vld [tilespmem:s22+$0x3C00]  }
0x27a: {  	v3 =	vld [tilespmem:s1+$0xFFFFFF10]  }
0x27b: {  	v4 =	vld [tilespmem:s1+$0xFFFFFF20]  }
0x27c: {  	v5 =	vld [tilespmem:s1+$0xFFFFFF30]  }
0x27d: {  	v6 =	vld [tilespmem:s1+$0xFFFFFF40]  }
0x27e: {  	s26 =	simm.s32 $0x3C30;
	v7 =	vld [tilespmem:s1+$0xFFFFFF60]  }
0x27f: {  	v8 =	vld [tilespmem:s26+$0xFFFFFFE0]  }
0x280: {  	v9 =	vld [tilespmem:s1+$0xFFFFFF80]  }
0x281: {  	v10 =	vld [tilespmem:s1+$0xFFFFFF90];
	v1 =	vadd.f32 v2, v1  }
0x282: {  	v11 =	vld [tilespmem:s1+$0xFFFFFFA0];
	v3 =	vadd.f32 v0, v3  }
0x283: {  	v59 =	vld [tilespmem:s1+$0x0];
	v4 =	vadd.f32 v0, v4;
	[tilespmem:s1+$0xFFFFFF00] =	vst v1  }
0x284: {  	v62 =	vld [tilespmem:s1+$0x70];
	v7 =	vadd.f32 v0, v7;
	[tilespmem:s1+$0xFFFFFF10] =	vst v3  }
0x285: {  	v2 =	vld [tilespmem:s1+$0xFFFFFF50];
	v3 =	vadd.f32 v0, v5;
	[tilespmem:s1+$0xFFFFFF20] =	vst v4  }
0x286: {  	v1 =	vld [tilespmem:s1+$0xFFFFFF70];
	v4 =	vadd.f32 v0, v6;
	[tilespmem:s1+$0xFFFFFF60] =	vst v7  }
0x287: {  	v5 =	vld [tilespmem:s1+$0xFFFFFFB0];
	v7 =	vadd.f32 v0, v10;
	[tilespmem:s1+$0xFFFFFF30] =	vst v3  }
0x288: {  	v6 =	vld [tilespmem:s1+$0xFFFFFFC0];
	v3 =	vadd.f32 v8, v9;
	[tilespmem:s1+$0xFFFFFF40] =	vst v4  }
0x289: {  	v63 =	vadd.f32 v0, v62;
	v8 =	vld [tilespmem:s1+$0xFFFFFFD0];
	[tilespmem:s1+$0xFFFFFF90] =	vst v7  }
0x28a: {  	v4 =	vld [tilespmem:s1+$0xFFFFFFE0];
	v2 =	vadd.f32 v0, v2;
	[tilespmem:s1+$0xFFFFFF80] =	vst v3  }
0x28b: {  	v3 =	vld [tilespmem:s26+$0xFFFFFFF0];
	[tilespmem:s1+$0x70] =	vst v63;
	v1 =	vadd.f32 v0, v1  }
0x28c: {  	v60 =	vld [tilespmem:s1+$0x10];
	[tilespmem:s1+$0xFFFFFF50] =	vst v2;
	v5 =	vadd.f32 v0, v5  }
0x28d: {  	v2 =	vld [tilespmem:s1+$0xFFFFFFF0];
	[tilespmem:s1+$0xFFFFFF70] =	vst v1;
	v1 =	vadd.f32 v0, v11  }
0x28e: {  	v7 =	vld [tilespmem:s1+$0x20];
	[tilespmem:s1+$0xFFFFFFB0] =	vst v5;
	v5 =	vadd.f32 v0, v8  }
0x28f: {  	v8 =	vld [tilespmem:s1+$0x40];
	[tilespmem:s1+$0xFFFFFFA0] =	vst v1;
	v1 =	vadd.f32 v0, v6  }
0x290: {  	v4 =	vadd.f32 v0, v4;
	v6 =	vld [tilespmem:s1+$0x30];
	[tilespmem:s1+$0xFFFFFFD0] =	vst v5  }
0x291: {  	v61 =	vld [tilespmem:s26+$0x0];
	[tilespmem:s1+$0xFFFFFFC0] =	vst v1;
	v1 =	vadd.f32 v3, v59  }
0x292: {  	[tilespmem:s1+$0xFFFFFFE0] =	vst v4;
	v4 =	vld [tilespmem:s1+$0x80];
	v2 =	vadd.f32 v0, v2  }
0x293: {  	v3 =	vld [tilespmem:s1+$0x50];
	[tilespmem:s1+$0x0] =	vst v1;
	v1 =	vadd.f32 v0, v60  }
0x294: {  	v5 =	vld [tilespmem:s1+$0x60];
	[tilespmem:s1+$0xFFFFFFF0] =	vst v2;
	v2 =	vadd.f32 v0, v7  }
0x295: {  	v7 =	vadd.f32 v0, v8;
	[tilespmem:s1+$0x10] =	vst v1;
	v1 =	vadd.f32 v0, v6;
	v6 =	vld [tilespmem:s1+$0x90]  }
0x296: {  	v8 =	vld [tilespmem:s1+$0xA0];
	[tilespmem:s1+$0x20] =	vst v2  }
0x297: {  	v2 =	vld [tilespmem:s1+$0xB0];
	[tilespmem:s1+$0x40] =	vst v7;
	v7 =	vadd.f32 v61, v4  }
0x298: {  	[tilespmem:s1+$0x30] =	vst v1;
	v1 =	vadd.f32 v0, v3;
	v3 =	vld [tilespmem:s1+$0xC0]  }
0x299: {  	v5 =	vadd.f32 v0, v5;
	v4 =	vld [tilespmem:s1+$0xD0];
	[tilespmem:s1+$0x80] =	vst v7  }
0x29a: {  	[tilespmem:s1+$0x50] =	vst v1;
	v1 =	vld [tilespmem:s1+$0xE0];
	v7 =	vadd.f32 v0, v6  }
0x29b: {  	s20 =	simm.s32 $0x0;
	s16 =	simm.s32 $0x10500;
	s22 =	simm.s32 $0x3C70;
	[tilespmem:s1+$0x60] =	vst v5;
	v5 =	vld [tilespmem:s1+$0xF0];
	v6 =	vadd.f32 v0, v8  }
.LBB2_16:
0x29c: {  	v8 =	vld [tilespmem:s22+$0xFFFFFFE0];
	[tilespmem:s1+$0x90] =	vst v7;
	v2 =	vadd.f32 v0, v2  }
0x29d: {  	v7 =	vld [tilespmem:s22+$0xFFFFFFF0];
	[tilespmem:s1+$0xA0] =	vst v6;
	v3 =	vadd.f32 v0, v3  }
0x29e: {  	s0 =	sadd.s32 $0x40, s0;
	s1 =	sadd.s32 $0x200, s1;
	v6 =	vld [tilespmem:s22+$0x0];
	[tilespmem:s16+$0xB0] =	vst v2;
	v2 =	vadd.f32 v0, v4  }
0x29f: {  	s20 =	sadd.s32 $0x4, s20;
	s26 =	sand.u32 $0x7C0, s0;
	v4 =	vld [tilespmem:s1+$0xFFFFFF00];
	[tilespmem:s16+$0xC0] =	vst v3;
	v1 =	vadd.f32 v0, v1  }
0x2a0: {  	p0 =	slt.u32 s20, $0x7C;
	v3 =	vld [tilespmem:s26+$0x3C00];
	[tilespmem:s16+$0xD0] =	vst v2;
	v2 =	vadd.f32 v0, v5  }
0x2a1: {  	v5 =	vld [tilespmem:s1+$0xFFFFFF10];
	[tilespmem:s16+$0xE0] =	vst v1  }
0x2a2: {  	v1 =	vld [tilespmem:s1+$0xFFFFFF20];
	[tilespmem:s16+$0xF0] =	vst v2;
	s16 =	smov.u32 s1  }
0x2a3: {  	v2 =	vld [tilespmem:s1+$0xFFFFFF30]  }
0x2a4: {  	v9 =	vld [tilespmem:s1+$0xFFFFFF40]  }
0x2a5: {  	v3 =	vadd.f32 v3, v4;
	v4 =	vld [tilespmem:s1+$0xFFFFFF50]  }
0x2a6: {  	v5 =	vadd.f32 v0, v5;
	v10 =	vld [tilespmem:s1+$0xFFFFFF60]  }
0x2a7: {  	[tilespmem:s1+$0xFFFFFF00] =	vst v3;
	v1 =	vadd.f32 v0, v1;
	v3 =	vld [tilespmem:s1+$0xFFFFFF70]  }
0x2a8: {  	[tilespmem:s1+$0xFFFFFF10] =	vst v5;
	v2 =	vadd.f32 v0, v2;
	v5 =	vld [tilespmem:s1+$0xFFFFFF80]  }
0x2a9: {  	[tilespmem:s1+$0xFFFFFF20] =	vst v1;
	v1 =	vadd.f32 v0, v9;
	v9 =	vld [tilespmem:s1+$0xFFFFFF90]  }
0x2aa: {  	[tilespmem:s1+$0xFFFFFF30] =	vst v2;
	v2 =	vadd.f32 v0, v4;
	v4 =	vld [tilespmem:s1+$0xFFFFFFA0]  }
0x2ab: {  	[tilespmem:s1+$0xFFFFFF40] =	vst v1;
	v1 =	vadd.f32 v0, v10;
	v10 =	vld [tilespmem:s1+$0xFFFFFFB0]  }
0x2ac: {  	[tilespmem:s1+$0xFFFFFF50] =	vst v2;
	v2 =	vadd.f32 v0, v3;
	v3 =	vld [tilespmem:s1+$0xFFFFFFC0]  }
0x2ad: {  	[tilespmem:s1+$0xFFFFFF60] =	vst v1;
	v1 =	vadd.f32 v8, v5;
	v5 =	vld [tilespmem:s1+$0xFFFFFFD0]  }
0x2ae: {  	[tilespmem:s1+$0xFFFFFF70] =	vst v2;
	v2 =	vadd.f32 v0, v9;
	v8 =	vld [tilespmem:s1+$0xFFFFFFE0]  }
0x2af: {  	[tilespmem:s1+$0xFFFFFF80] =	vst v1;
	v1 =	vadd.f32 v0, v4;
	v4 =	vld [tilespmem:s1+$0xFFFFFFF0]  }
0x2b0: {  	[tilespmem:s1+$0xFFFFFF90] =	vst v2;
	v2 =	vadd.f32 v0, v10;
	v9 =	vld [tilespmem:s1+$0x0]  }
0x2b1: {  	[tilespmem:s1+$0xFFFFFFA0] =	vst v1;
	v1 =	vadd.f32 v0, v3;
	v3 =	vld [tilespmem:s1+$0x10]  }
0x2b2: {  	[tilespmem:s1+$0xFFFFFFB0] =	vst v2;
	v2 =	vadd.f32 v0, v5;
	v5 =	vld [tilespmem:s1+$0x20]  }
0x2b3: {  	[tilespmem:s1+$0xFFFFFFC0] =	vst v1;
	v1 =	vadd.f32 v0, v8;
	v8 =	vld [tilespmem:s1+$0x30]  }
0x2b4: {  	[tilespmem:s1+$0xFFFFFFD0] =	vst v2;
	v2 =	vadd.f32 v0, v4;
	v4 =	vld [tilespmem:s1+$0x40]  }
0x2b5: {  	[tilespmem:s1+$0xFFFFFFE0] =	vst v1;
	v1 =	vadd.f32 v7, v9;
	v7 =	vld [tilespmem:s1+$0x50]  }
0x2b6: {  	[tilespmem:s1+$0xFFFFFFF0] =	vst v2;
	v2 =	vadd.f32 v0, v3;
	v3 =	vld [tilespmem:s1+$0x60]  }
0x2b7: {  	[tilespmem:s1+$0x0] =	vst v1;
	v1 =	vadd.f32 v0, v5;
	v5 =	vld [tilespmem:s1+$0x70]  }
0x2b8: {  	[tilespmem:s1+$0x10] =	vst v2;
	v2 =	vadd.f32 v0, v8;
	v8 =	vld [tilespmem:s1+$0x80]  }
0x2b9: {  	[tilespmem:s1+$0x20] =	vst v1;
	v1 =	vadd.f32 v0, v4;
	v9 =	vld [tilespmem:s1+$0x90]  }
0x2ba: {  	[tilespmem:s1+$0x30] =	vst v2;
	v4 =	vadd.f32 v0, v7;
	v10 =	vld [tilespmem:s1+$0xA0]  }
.Ltmp7:
0x2bb: {  	[tilespmem:s1+$0x40] =	vst v1;
	v1 =	vadd.f32 v0, v3;
	v2 =	vld [tilespmem:s1+$0xB0];
	(pc) =	sbr.rel @p0 .LBB2_16-.Ltmp7, $4  }
0x2bc: {  	[tilespmem:s1+$0x50] =	vst v4;
	v5 =	vadd.f32 v0, v5;
	v3 =	vld [tilespmem:s1+$0xC0]  }
0x2bd: {  	[tilespmem:s1+$0x60] =	vst v1;
	v6 =	vadd.f32 v6, v8;
	v4 =	vld [tilespmem:s1+$0xD0]  }
0x2be: {  	[tilespmem:s1+$0x70] =	vst v5;
	v7 =	vadd.f32 v0, v9;
	v1 =	vld [tilespmem:s1+$0xE0]  }
0x2bf: {  	s22 =	sadd.s32 $0x40, s22;
	[tilespmem:s1+$0x80] =	vst v6;
	v6 =	vadd.f32 v0, v10;
	v5 =	vld [tilespmem:s1+$0xF0]  }
0x2c0: {  	[tilespmem:s1+$0x90] =	vst v7;
	v2 =	vadd.f32 v0, v2  }
0x2c1: {  	[tilespmem:s1+$0xA0] =	vst v6;
	v3 =	vadd.f32 v0, v3  }
0x2c2: {  	[tilespmem:s16+$0xB0] =	vst v2;
	v2 =	vadd.f32 v0, v4  }
0x2c3: {  	[tilespmem:s16+$0xC0] =	vst v3;
	v1 =	vadd.f32 v0, v1  }
0x2c4: {  	[tilespmem:s16+$0xD0] =	vst v2;
	v2 =	vadd.f32 v0, v5  }
0x2c5: {  	[tilespmem:s16+$0xE0] =	vst v1  }
0x2c6: {  	[tilespmem:s16+$0xF0] =	vst v2  }
0x2c7: {  	[hbm4b:s13+s3] =	stream.linear.scatter [tilespmem:s23], [sflag:$0x2], $0x4000, $0x38;
	[tilespmem:$0x14400] =	vst v63  }
0x2c8: {  	_ =	swait.ge [sflag:s25], $0x4000  }
0x2c9: {  	[sflag:s25] =	ssyncset.done $0x0  }
0x2ca: {  	[sflag:s25] =	ssyncadd.s32 $0xFFFFC000  }
0x2cb: {  	_ =	swait.ge [sflag:s25], $0x4000  }
0x2cc: {  	[sflag:s25] =	ssyncset.done $0x0  }
0x2cd: {  	s31 =	sadd.s32 $0x1, s31;
	[sflag:s25] =	ssyncadd.s32 $0xFFFFC000  }
0x2ce: {  	p0 =	sne.s32 s31, s14;
	_ =	swait.ge [sflag:s25], $0x4000  }
.Ltmp8:
0x2cf: {  	[sflag:s25] =	ssyncset.done $0x0;
	(pc) =	sbr.rel @p0 .LBB2_1-.Ltmp8, $4  }
0x2d0: {  	[sflag:s25] =	ssyncadd.s32 $0xFFFFC000  }
0x2d1: {  	_ =	swait.ge [sflag:s25], $0x4000  }
0x2d2: {  	[sflag:s25] =	ssyncset.done $0x0  }
0x2d3: {  	[sflag:s25] =	ssyncadd.s32 $0xFFFFC000  }
0x2d4: {  	_ =	sfence.sel $0x180000  }
0x2d5: {  	[bflag:$0x0] =	sbarrier.arrive $0xFFFF  }
0x2d6: {  	_ =	strace $0x90000047  }
0x2d7: {  	s0 =	stileid.u32;
	[bflag:$0x2] =	sbarrier.arrive $0xFFFF  }
0x2d8: {  	p0 =	sne.s32 s0, $0x0;
	s0 =	rddreg [dreg:$0x3]  }
0x2d9: {  	s0 =	sadd.s32 @!p0 $0x100000, s0  }
0x2da: {  	[sflag:s0] =	ssyncadd.tile.s32 @!p0 $0x1;
	_ =	shalt  }
.Lfunc_end2:
_tile_overlayer_lowered:
.L_overlay_start_2:
0x2db: {  	(tag) =	ssettag $0x2  }
0x2dc: {  	s0 =	rddreg [dreg:$0x0];
	s2 =	stileid.u32  }
0x2dd: {  	s1 =	rddreg [dreg:$0x1];
	p0 =	sne.s32 s2, $0x0  }
0x2de: {  	s3 =	rddreg [dreg:$0x2];
	[bflag:$0x3] =	sbarrier.arrive $0xFFFF;
	s2 =	simm.s32 @!p0 $0x1C03  }
0x2df: {  	[timem:s3], [sflag:s2] =	dma.local @!p0 [hbm:s0], s1  }
0x2e0: {  	s0 =	simm.s32 @!p0 $0x3  }
0x2e1: {  	_ =	swait.ge @!p0 [sflag:s0], s1  }
0x2e2: {  	s1 =	ssub.s32 @!p0 $0x0, s1;
	[sflag:s0] =	ssyncset.done @!p0 $0x0  }
0x2e3: {  	[sflag:s0] =	ssyncadd.s32 @!p0 s1  }
0x2e4: {  	[bflag:$0x3] =	sbarrier.arrive $0xFFFF  }
0x2e5: {  	_ =	shalt  }

</sc_bundles>
